<compile_context>
chip_gen: v7x
topology: tpu7x:2x2x1
jax: 0.10.2.dev20260603
libtpu: 0.0.44.dev20260713+nightly
codegen_flags: <defaults>
</compile_context>

<pallas_src>
import functools

import jax
import jax.numpy as jnp
from jax import lax
from jax.experimental import pallas as pl
from jax.experimental.pallas import tpu as pltpu
from jax.experimental.pallas import tpu_sc as plsc

N = 10000
E = 320000
F_IN = 128
H = 128
C = 64

NP = 10112
NPC = 10240
CHUNK = 128
NTILES = 16
NCORES = 2
NW = NCORES * NTILES
NCHUNKS = 2560
EPAD = NCHUNKS * CHUNK - E
CPF = 120
CPS = 40
STAGE = 40


def _make_sc_agg(width, with_counts):
    mesh = plsc.VectorSubcoreMesh(core_axis_name="c", subcore_axis_name="s")

    out_type = [jax.ShapeDtypeStruct((NCORES, NP, width), jnp.float32)]
    scratch = [
        pltpu.VMEM((STAGE, CHUNK), jnp.int32),
        pltpu.VMEM((STAGE, CHUNK), jnp.int32),
        pltpu.VMEM((CHUNK, width), jnp.float32),
        pltpu.VMEM((CHUNK, width), jnp.float32),
        pltpu.VMEM_SHARED((NP, width), jnp.float32),
        pltpu.SemaphoreType.DMA,
        pltpu.SemaphoreType.DMA,
    ]
    if with_counts:
        out_type.append(jax.ShapeDtypeStruct((NPC,), jnp.float32))
        out_type.append(jax.ShapeDtypeStruct((NPC,), jnp.float32))
        scratch.append(pltpu.VMEM_SHARED((NPC,), jnp.float32))
        scratch.append(pltpu.VMEM((CHUNK,), jnp.float32))

    @functools.partial(pl.kernel, mesh=mesh, out_type=out_type,
                       scratch_types=scratch)
    def agg(tbl_hbm, src_hbm, dst_hbm, zeros_hbm, zcnt_hbm, *refs):
        if with_counts:
            (out_hbm, outc0_hbm, outc1_hbm, src_v, dst_v, rows_a, rows_b,
             acc_sh, sem_a, sem_b, cnt_sh, ones_v) = refs
        else:
            (out_hbm, src_v, dst_v, rows_a, rows_b, acc_sh, sem_a,
             sem_b) = refs
        c = lax.axis_index("c")
        s = lax.axis_index("s")

        zr = NP // NTILES
        pltpu.sync_copy(zeros_hbm.at[pl.ds(s * zr, zr)],
                        acc_sh.at[pl.ds(s * zr, zr)])
        zc = NPC // NTILES
        if with_counts:
            pltpu.sync_copy(zcnt_hbm.at[pl.ds(s * zc, zc)],
                            cnt_sh.at[pl.ds(s * zc, zc)])
            for k in range(CHUNK // 16):
                ones_v[pl.ds(k * 16, 16)] = jnp.ones((16,), jnp.float32)
        plsc.subcore_barrier()

        def _fire(j, rows, sem):
            pltpu.async_copy(tbl_hbm.at[src_v.at[j]], rows, sem)

        def _drain(rows, sem):
            pltpu.make_async_copy(tbl_hbm.at[src_v.at[0]], rows, sem).wait()

        def _scat(j, rows):
            pltpu.sync_copy(rows, acc_sh.at[dst_v.at[j]], add=True)
            if with_counts:
                pltpu.sync_copy(ones_v, cnt_sh.at[dst_v.at[j]], add=True)

        def _run(start_chunk, cpt, hc):
            for h in range(cpt // hc):
                pltpu.sync_copy(
                    src_hbm.at[pl.ds(start_chunk + h * hc, hc)],
                    src_v.at[pl.ds(0, hc)])
                pltpu.sync_copy(
                    dst_hbm.at[pl.ds(start_chunk + h * hc, hc)],
                    dst_v.at[pl.ds(0, hc)])
                _fire(0, rows_a, sem_a)

                def body(j, carry):
                    ja = 2 * j
                    _fire(ja + 1, rows_b, sem_b)
                    _drain(rows_a, sem_a)
                    _scat(ja, rows_a)
                    _fire(jnp.minimum(ja + 2, hc - 1), rows_a, sem_a)
                    _drain(rows_b, sem_b)
                    _scat(ja + 1, rows_b)
                    return carry

                lax.fori_loop(0, hc // 2, body, 0)
                _drain(rows_a, sem_a)

        @pl.when(c == 0)
        def _():
            _run(s * CPF, CPF, STAGE)

        @pl.when(c == 1)
        def _():
            _run(NTILES * CPF + s * CPS, CPS, CPS)

        plsc.subcore_barrier()

        pltpu.sync_copy(acc_sh.at[pl.ds(s * zr, zr)],
                        out_hbm.at[c, pl.ds(s * zr, zr)])
        if with_counts:
            @pl.when(c == 0)
            def _():
                pltpu.sync_copy(cnt_sh.at[pl.ds(s * zc, zc)],
                                outc0_hbm.at[pl.ds(s * zc, zc)])

            @pl.when(c == 1)
            def _():
                pltpu.sync_copy(cnt_sh.at[pl.ds(s * zc, zc)],
                                outc1_hbm.at[pl.ds(s * zc, zc)])

    return agg


_sc_agg1 = _make_sc_agg(H, True)
_sc_agg2 = _make_sc_agg(H, False)

BLK = 400
GRID = N // BLK


def _k1_body(x_ref, wl_ref, wr_ref, b_ref, p1_ref, q1_ref):
    xb = x_ref[...]
    p1_ref[...] = jnp.dot(xb, wl_ref[...], preferred_element_type=jnp.float32)
    q1_ref[...] = jnp.dot(xb, wr_ref[...],
                          preferred_element_type=jnp.float32) + b_ref[...]


def _k1(x, W1_l, W1_r, b1):
    return pl.pallas_call(
        _k1_body,
        grid=(GRID,),
        in_specs=[
            pl.BlockSpec((BLK, F_IN), lambda i: (i, 0)),
            pl.BlockSpec((F_IN, H), lambda i: (0, 0)),
            pl.BlockSpec((F_IN, H), lambda i: (0, 0)),
            pl.BlockSpec((H,), lambda i: (0,)),
        ],
        out_specs=[
            pl.BlockSpec((BLK, H), lambda i: (i, 0)),
            pl.BlockSpec((BLK, H), lambda i: (i, 0)),
        ],
        out_shape=[
            jax.ShapeDtypeStruct((N, H), jnp.float32),
            jax.ShapeDtypeStruct((N, H), jnp.float32),
        ],
    )(x, W1_l, W1_r, b1)


def _k2_body(parts_ref, q1_ref, rcp_ref, w2l_ref, w2r_ref, b2_ref,
             p2_ref, q2_ref):
    ssum = parts_ref[0] + parts_ref[1]
    h = jnp.maximum(ssum * rcp_ref[:, 0:1] + q1_ref[...], 0.0)
    p2 = jnp.dot(h, w2l_ref[...], preferred_element_type=jnp.float32)
    p2_ref[...] = jnp.concatenate(
        [p2, jnp.zeros((BLK, H - C), jnp.float32)], axis=1)
    q2_ref[...] = jnp.dot(h, w2r_ref[...],
                          preferred_element_type=jnp.float32) + b2_ref[...]


def _k2(parts1, q1, rcp8, W2_l, W2_r, b2):
    return pl.pallas_call(
        _k2_body,
        grid=(GRID,),
        in_specs=[
            pl.BlockSpec((NCORES, BLK, H), lambda i: (0, i, 0)),
            pl.BlockSpec((BLK, H), lambda i: (i, 0)),
            pl.BlockSpec((BLK, 8), lambda i: (i, 0)),
            pl.BlockSpec((H, C), lambda i: (0, 0)),
            pl.BlockSpec((H, C), lambda i: (0, 0)),
            pl.BlockSpec((C,), lambda i: (0,)),
        ],
        out_specs=[
            pl.BlockSpec((BLK, H), lambda i: (i, 0)),
            pl.BlockSpec((BLK, C), lambda i: (i, 0)),
        ],
        out_shape=[
            jax.ShapeDtypeStruct((N, H), jnp.float32),
            jax.ShapeDtypeStruct((N, C), jnp.float32),
        ],
    )(parts1, q1, rcp8, W2_l, W2_r, b2)


def _k3_body(parts2_ref, q2_ref, rcp_ref, out_ref):
    ssum = (parts2_ref[0] + parts2_ref[1])[:, :C]
    z = ssum * rcp_ref[:, 0:1] + q2_ref[...]
    m = jnp.max(z, axis=1, keepdims=True)
    e = jnp.exp(z - m)
    lse = jnp.log(jnp.sum(e, axis=1, keepdims=True)) + m
    out_ref[...] = z - lse


def _k3(parts2, q2, rcp8):
    return pl.pallas_call(
        _k3_body,
        grid=(GRID,),
        in_specs=[
            pl.BlockSpec((NCORES, BLK, H), lambda i: (0, i, 0)),
            pl.BlockSpec((BLK, C), lambda i: (i, 0)),
            pl.BlockSpec((BLK, 8), lambda i: (i, 0)),
        ],
        out_specs=pl.BlockSpec((BLK, C), lambda i: (i, 0)),
        out_shape=jax.ShapeDtypeStruct((N, C), jnp.float32),
    )(parts2, q2, rcp8)


def kernel(x, edge_index, W1_l, W1_r, b1, W2_l, W2_r, b2):
    src = jnp.concatenate(
        [edge_index[0], jnp.zeros((EPAD,), jnp.int32)]).reshape(-1, CHUNK)
    dst_pad = N + jnp.arange(EPAD, dtype=jnp.int32) % (NP - N)
    dst = jnp.concatenate([edge_index[1], dst_pad]).reshape(-1, CHUNK)
    zeros1 = jnp.zeros((NP, H), jnp.float32)
    zcnt = jnp.zeros((NPC,), jnp.float32)

    p1, q1 = _k1(x, W1_l, W1_r, b1)
    parts1, cnt0, cnt1 = _sc_agg1(p1, src, dst, zeros1, zcnt)
    cnt = cnt0[:N] + cnt1[:N]
    rcp8 = jnp.broadcast_to((1.0 / jnp.maximum(cnt, 1.0))[:, None], (N, 8))
    p2, q2 = _k2(parts1, q1, rcp8, W2_l, W2_r, b2)
    parts2, = _sc_agg2(p2, src, dst, zeros1, zcnt)
    return _k3(parts2, q2, rcp8)

# --- scband reference (transcript-rebuilt; emitter-appended) ---
"""Pipeline reference for scband-net-16673063043119 (READ-ONLY COPY).

The authoritative reference and input builder live on the scoring server;
editing this copy changes nothing except your own understanding.
"""

import jax, jax.numpy as jnp
import numpy as np

N = 10000
E = 320000
F_IN = 128
H = 128
C = 64


def _glorot(key, shape):
    fan_in, fan_out = shape[0], shape[1]
    scale = jnp.sqrt(6.0 / (fan_in + fan_out))
    return jax.random.uniform(key, shape, dtype=jnp.float32, minval=-scale, maxval=scale)


def setup_inputs(seed: int = 0) -> dict:
    key = jax.random.key(seed)
    ks = jax.random.split(key, 8)
    x = jax.random.normal(ks[0], (N, F_IN), dtype=jnp.float32)
    edge_index = jax.random.randint(ks[1], (2, E), 0, N, dtype=jnp.int32)
    W1_l = _glorot(ks[2], (F_IN, H))
    W1_r = _glorot(ks[3], (F_IN, H))
    b1 = jnp.zeros((H,), dtype=jnp.float32)
    W2_l = _glorot(ks[4], (H, C))
    W2_r = _glorot(ks[5], (H, C))
    b2 = jnp.zeros((C,), dtype=jnp.float32)
    return {"x": x, "edge_index": edge_index, "W1_l": W1_l, "W1_r": W1_r,
            "b1": b1, "W2_l": W2_l, "W2_r": W2_r, "b2": b2}


def _sage_conv(x, edge_index, W_l, W_r, b):
    # PyG SAGEConv (aggr='mean', normalize=False):
    #   out = lin_l(mean_{j in N(i)} x_j) + lin_r(x_i)
    src = edge_index[0]
    dst = edge_index[1]
    msgs = jnp.take(x, src, axis=0)                       # gather [E, d]
    summed = jax.ops.segment_sum(msgs, dst, num_segments=x.shape[0])
    cnt = jax.ops.segment_sum(jnp.ones((edge_index.shape[1],), jnp.float32),
                              dst, num_segments=x.shape[0])
    mean = summed / jnp.maximum(cnt, 1.0)[:, None]
    return mean @ W_l + b + x @ W_r


def reference(x, edge_index, W1_l, W1_r, b1, W2_l, W2_r, b2):
    h = jax.nn.relu(_sage_conv(x, edge_index, W1_l, W1_r, b1))
    # dropout is identity in eval mode
    out = _sage_conv(h, edge_index, W2_l, W2_r, b2)
    return jax.nn.log_softmax(out, axis=1)

if __name__ == "__main__":
    import jax
    _d = setup_inputs()
    print(jax.jit(kernel)(*tuple(_d.values())))

</pallas_src>

<mosaic_0001>
#map = affine_map<(d0, d1) -> (0, 0)>
#map1 = affine_map<(d0, d1) -> (0)>
#map2 = affine_map<(d0, d1) -> (0, 0, 0)>
module attributes {stable_mosaic.version = 14 : i64} {
  func.func @agg(%arg0: i32, %arg1: i32, %arg2: memref<10000x128xf32, #tpu.memory_space<hbm>>, %arg3: memref<2560x128xi32, #tpu.memory_space<hbm>>, %arg4: memref<2560x128xi32, #tpu.memory_space<hbm>>, %arg5: memref<10112x128xf32, #tpu.memory_space<hbm>>, %arg6: memref<10240xf32, #tpu.memory_space<hbm>>, %arg7: memref<2x10112x128xf32, #tpu.memory_space<hbm>>, %arg8: memref<10240xf32, #tpu.memory_space<hbm>>, %arg9: memref<10240xf32, #tpu.memory_space<hbm>>, %arg10: memref<40x128xi32, #tpu.memory_space<vmem>>, %arg11: memref<40x128xi32, #tpu.memory_space<vmem>>, %arg12: memref<128x128xf32, #tpu.memory_space<vmem>>, %arg13: memref<128x128xf32, #tpu.memory_space<vmem>>, %arg14: memref<10112x128xf32, #tpu.memory_space<vmem_shared>>, %arg15: memref<!tpu.dma_semaphore, #tpu.memory_space<semaphore_mem>>, %arg16: memref<!tpu.dma_semaphore, #tpu.memory_space<semaphore_mem>>, %arg17: memref<10240xf32, #tpu.memory_space<vmem_shared>>, %arg18: memref<128xf32, #tpu.memory_space<vmem>>) attributes {dimension_semantics = [#tpu.dimension_semantics<core_parallel>, #tpu.dimension_semantics<subcore_parallel>], iteration_bounds = array<i64: 2, 16>, scalar_prefetch = 0 : i64, scratch_operands = 9 : i64, tpu.core_type = #tpu.core_type<sc_vector_subcore>, window_params = [{transform_indices = #map}, {transform_indices = #map}, {transform_indices = #map}, {transform_indices = #map}, {transform_indices = #map1}, {transform_indices = #map2}, {transform_indices = #map1}, {transform_indices = #map1}]} {
    %mul3A = arith.constant 632 : i32
    %mul3A_0 = arith.muli %arg1, %mul3A : i32
    %mul3A_1 = arith.constant 632 : i32
    %mul3A_2 = arith.muli %arg1, %mul3A_1 : i32
    "tpu.region"() ({
      %run_scoped3A = tpu.sem_alloc : memref<!tpu.dma_semaphore, #tpu.memory_space<semaphore_mem>>
      %dma_start3A = arith.constant 0 : i32
      %dma_start3A_75 = tpu.memref_slice %arg14[%mul3A_2, %dma_start3A] : memref<10112x128xf32, #tpu.memory_space<vmem_shared>> -> memref<632x128xf32, #tpu.memory_space<vmem_shared>>
      %dma_start3A_76 = arith.constant 0 : i32
      %dma_start3A_77 = tpu.memref_slice %arg5[%mul3A_0, %dma_start3A_76] : memref<10112x128xf32, #tpu.memory_space<hbm>> -> memref<632x128xf32, #tpu.memory_space<hbm>>
      tpu.enqueue_dma source(%dma_start3A_77 : memref<632x128xf32, #tpu.memory_space<hbm>>) target(%dma_start3A_75 : memref<632x128xf32, #tpu.memory_space<vmem_shared>>) target_semaphore(%run_scoped3A : memref<!tpu.dma_semaphore, #tpu.memory_space<semaphore_mem>>)
      %dma_wait3A = arith.constant 0 : i32
      %dma_wait3A_78 = tpu.memref_slice %arg14[%mul3A_2, %dma_wait3A] : memref<10112x128xf32, #tpu.memory_space<vmem_shared>> -> memref<632x128xf32, #tpu.memory_space<vmem_shared>>
      %dma_wait3A_79 = arith.constant 0 : i32
      %dma_wait3A_80 = tpu.memref_slice %arg5[%mul3A_0, %dma_wait3A_79] : memref<10112x128xf32, #tpu.memory_space<hbm>> -> memref<632x128xf32, #tpu.memory_space<hbm>>
      tpu.wait_dma2 semaphore(%run_scoped3A : memref<!tpu.dma_semaphore, #tpu.memory_space<semaphore_mem>>) src(%dma_wait3A_80 : memref<632x128xf32, #tpu.memory_space<hbm>>) dst(%dma_wait3A_78 : memref<632x128xf32, #tpu.memory_space<vmem_shared>>)
      tpu.yield
    }) : () -> ()
    %mul3A_3 = arith.constant 640 : i32
    %mul3A_4 = arith.muli %arg1, %mul3A_3 : i32
    %mul3A_5 = arith.constant 640 : i32
    %mul3A_6 = arith.muli %arg1, %mul3A_5 : i32
    "tpu.region"() ({
      %run_scoped3A = tpu.sem_alloc : memref<!tpu.dma_semaphore, #tpu.memory_space<semaphore_mem>>
      %dma_start3A = tpu.memref_slice %arg17[%mul3A_6] : memref<10240xf32, #tpu.memory_space<vmem_shared>> -> memref<640xf32, #tpu.memory_space<vmem_shared>>
      %dma_start3A_75 = tpu.memref_slice %arg6[%mul3A_4] : memref<10240xf32, #tpu.memory_space<hbm>> -> memref<640xf32, #tpu.memory_space<hbm>>
      tpu.enqueue_dma source(%dma_start3A_75 : memref<640xf32, #tpu.memory_space<hbm>>) target(%dma_start3A : memref<640xf32, #tpu.memory_space<vmem_shared>>) target_semaphore(%run_scoped3A : memref<!tpu.dma_semaphore, #tpu.memory_space<semaphore_mem>>)
      %dma_wait3A = tpu.memref_slice %arg17[%mul3A_6] : memref<10240xf32, #tpu.memory_space<vmem_shared>> -> memref<640xf32, #tpu.memory_space<vmem_shared>>
      %dma_wait3A_76 = tpu.memref_slice %arg6[%mul3A_4] : memref<10240xf32, #tpu.memory_space<hbm>> -> memref<640xf32, #tpu.memory_space<hbm>>
      tpu.wait_dma2 semaphore(%run_scoped3A : memref<!tpu.dma_semaphore, #tpu.memory_space<semaphore_mem>>) src(%dma_wait3A_76 : memref<640xf32, #tpu.memory_space<hbm>>) dst(%dma_wait3A : memref<640xf32, #tpu.memory_space<vmem_shared>>)
      tpu.yield
    }) : () -> ()
    %broadcast_in_dim3A = arith.constant 1.000000e+00 : f32
    %broadcast_in_dim3A_7 = vector.broadcast %broadcast_in_dim3A : f32 to vector<16xf32>
    %swap3A = arith.constant 0 : index
    %swap3A_8 = tpu.vector_load %arg18[%swap3A] {strides = array<i32>} : memref<128xf32, #tpu.memory_space<vmem>>, vector<16xf32>,
    %swap3A_9 = vector.shape_cast %swap3A_8 : vector<16xf32> to vector<16xf32>
    %swap3A_10 = vector.shape_cast %broadcast_in_dim3A_7 : vector<16xf32> to vector<16xf32>
    tpu.vector_store %arg18[%swap3A], %swap3A_10 {strides = array<i32>} : memref<128xf32, #tpu.memory_space<vmem>>, vector<16xf32>,
    %broadcast_in_dim3A_11 = arith.constant 1.000000e+00 : f32
    %broadcast_in_dim3A_12 = vector.broadcast %broadcast_in_dim3A_11 : f32 to vector<16xf32>
    %swap3A_13 = arith.constant 16 : index
    %swap3A_14 = tpu.vector_load %arg18[%swap3A_13] {strides = array<i32>} : memref<128xf32, #tpu.memory_space<vmem>>, vector<16xf32>,
    %swap3A_15 = vector.shape_cast %swap3A_14 : vector<16xf32> to vector<16xf32>
    %swap3A_16 = vector.shape_cast %broadcast_in_dim3A_12 : vector<16xf32> to vector<16xf32>
    tpu.vector_store %arg18[%swap3A_13], %swap3A_16 {strides = array<i32>} : memref<128xf32, #tpu.memory_space<vmem>>, vector<16xf32>,
    %broadcast_in_dim3A_17 = arith.constant 1.000000e+00 : f32
    %broadcast_in_dim3A_18 = vector.broadcast %broadcast_in_dim3A_17 : f32 to vector<16xf32>
    %swap3A_19 = arith.constant 32 : index
    %swap3A_20 = tpu.vector_load %arg18[%swap3A_19] {strides = array<i32>} : memref<128xf32, #tpu.memory_space<vmem>>, vector<16xf32>,
    %swap3A_21 = vector.shape_cast %swap3A_20 : vector<16xf32> to vector<16xf32>
    %swap3A_22 = vector.shape_cast %broadcast_in_dim3A_18 : vector<16xf32> to vector<16xf32>
    tpu.vector_store %arg18[%swap3A_19], %swap3A_22 {strides = array<i32>} : memref<128xf32, #tpu.memory_space<vmem>>, vector<16xf32>,
    %broadcast_in_dim3A_23 = arith.constant 1.000000e+00 : f32
    %broadcast_in_dim3A_24 = vector.broadcast %broadcast_in_dim3A_23 : f32 to vector<16xf32>
    %swap3A_25 = arith.constant 48 : index
    %swap3A_26 = tpu.vector_load %arg18[%swap3A_25] {strides = array<i32>} : memref<128xf32, #tpu.memory_space<vmem>>, vector<16xf32>,
    %swap3A_27 = vector.shape_cast %swap3A_26 : vector<16xf32> to vector<16xf32>
    %swap3A_28 = vector.shape_cast %broadcast_in_dim3A_24 : vector<16xf32> to vector<16xf32>
    tpu.vector_store %arg18[%swap3A_25], %swap3A_28 {strides = array<i32>} : memref<128xf32, #tpu.memory_space<vmem>>, vector<16xf32>,
    %broadcast_in_dim3A_29 = arith.constant 1.000000e+00 : f32
    %broadcast_in_dim3A_30 = vector.broadcast %broadcast_in_dim3A_29 : f32 to vector<16xf32>
    %swap3A_31 = arith.constant 64 : index
    %swap3A_32 = tpu.vector_load %arg18[%swap3A_31] {strides = array<i32>} : memref<128xf32, #tpu.memory_space<vmem>>, vector<16xf32>,
    %swap3A_33 = vector.shape_cast %swap3A_32 : vector<16xf32> to vector<16xf32>
    %swap3A_34 = vector.shape_cast %broadcast_in_dim3A_30 : vector<16xf32> to vector<16xf32>
    tpu.vector_store %arg18[%swap3A_31], %swap3A_34 {strides = array<i32>} : memref<128xf32, #tpu.memory_space<vmem>>, vector<16xf32>,
    %broadcast_in_dim3A_35 = arith.constant 1.000000e+00 : f32
    %broadcast_in_dim3A_36 = vector.broadcast %broadcast_in_dim3A_35 : f32 to vector<16xf32>
    %swap3A_37 = arith.constant 80 : index
    %swap3A_38 = tpu.vector_load %arg18[%swap3A_37] {strides = array<i32>} : memref<128xf32, #tpu.memory_space<vmem>>, vector<16xf32>,
    %swap3A_39 = vector.shape_cast %swap3A_38 : vector<16xf32> to vector<16xf32>
    %swap3A_40 = vector.shape_cast %broadcast_in_dim3A_36 : vector<16xf32> to vector<16xf32>
    tpu.vector_store %arg18[%swap3A_37], %swap3A_40 {strides = array<i32>} : memref<128xf32, #tpu.memory_space<vmem>>, vector<16xf32>,
    %broadcast_in_dim3A_41 = arith.constant 1.000000e+00 : f32
    %broadcast_in_dim3A_42 = vector.broadcast %broadcast_in_dim3A_41 : f32 to vector<16xf32>
    %swap3A_43 = arith.constant 96 : index
    %swap3A_44 = tpu.vector_load %arg18[%swap3A_43] {strides = array<i32>} : memref<128xf32, #tpu.memory_space<vmem>>, vector<16xf32>,
    %swap3A_45 = vector.shape_cast %swap3A_44 : vector<16xf32> to vector<16xf32>
    %swap3A_46 = vector.shape_cast %broadcast_in_dim3A_42 : vector<16xf32> to vector<16xf32>
    tpu.vector_store %arg18[%swap3A_43], %swap3A_46 {strides = array<i32>} : memref<128xf32, #tpu.memory_space<vmem>>, vector<16xf32>,
    %broadcast_in_dim3A_47 = arith.constant 1.000000e+00 : f32
    %broadcast_in_dim3A_48 = vector.broadcast %broadcast_in_dim3A_47 : f32 to vector<16xf32>
    %swap3A_49 = arith.constant 112 : index
    %swap3A_50 = tpu.vector_load %arg18[%swap3A_49] {strides = array<i32>} : memref<128xf32, #tpu.memory_space<vmem>>, vector<16xf32>,
    %swap3A_51 = vector.shape_cast %swap3A_50 : vector<16xf32> to vector<16xf32>
    %swap3A_52 = vector.shape_cast %broadcast_in_dim3A_48 : vector<16xf32> to vector<16xf32>
    tpu.vector_store %arg18[%swap3A_49], %swap3A_52 {strides = array<i32>} : memref<128xf32, #tpu.memory_space<vmem>>, vector<16xf32>,
    %barrier3A = arith.constant 0 : index
    tpu.barrier barrier_id(%barrier3A)
    %eq3A = arith.constant 0 : i32
    %eq3A_53 = arith.cmpi eq, %arg0, %eq3A : i32
    %convert_element_type3A = arith.extui %eq3A_53 : i1 to i32
    %cond3A = arith.constant 0 : i32
    %cond3A_54 = arith.cmpi ne, %convert_element_type3A, %cond3A : i32
    scf.if %cond3A_54 {
      %mul3A_75 = arith.constant 120 : i32
      %mul3A_76 = arith.muli %arg1, %mul3A_75 : i32
      %add3A = arith.constant 0 : i32
      %add3A_77 = arith.addi %mul3A_76, %add3A : i32
      "tpu.region"() ({
        %run_scoped3A = tpu.sem_alloc : memref<!tpu.dma_semaphore, #tpu.memory_space<semaphore_mem>>
        %dma_start3A_145 = arith.constant 0 : i32
        %dma_start3A_146 = arith.constant 0 : i32
        %dma_start3A_147 = tpu.memref_slice %arg10[%dma_start3A_145, %dma_start3A_146] : memref<40x128xi32, #tpu.memory_space<vmem>> -> memref<40x128xi32, #tpu.memory_space<vmem>>
        %dma_start3A_148 = arith.constant 0 : i32
        %dma_start3A_149 = tpu.memref_slice %arg3[%add3A_77, %dma_start3A_148] : memref<2560x128xi32, #tpu.memory_space<hbm>> -> memref<40x128xi32, #tpu.memory_space<hbm>>
        %dma_start3A_150 = arith.constant 0 : i32
        %dma_start3A_151 = arith.constant 0 : i32
        %dma_start3A_152 = tpu.memref_slice %arg10[%dma_start3A_150, %dma_start3A_151] : memref<40x128xi32, #tpu.memory_space<vmem>> -> memref<40x128xi32, #tpu.memory_space<vmem>>
        %dma_start3A_153 = arith.constant 0 : i32
        %dma_start3A_154 = tpu.memref_slice %arg3[%add3A_77, %dma_start3A_153] : memref<2560x128xi32, #tpu.memory_space<hbm>> -> memref<40x128xi32, #tpu.memory_space<hbm>>
        tpu.enqueue_dma source(%dma_start3A_154 : memref<40x128xi32, #tpu.memory_space<hbm>>) target(%dma_start3A_152 : memref<40x128xi32, #tpu.memory_space<vmem>>) target_semaphore(%run_scoped3A : memref<!tpu.dma_semaphore, #tpu.memory_space<semaphore_mem>>)
        %dma_wait3A_155 = arith.constant 0 : i32
        %dma_wait3A_156 = arith.constant 0 : i32
        %dma_wait3A_157 = tpu.memref_slice %arg10[%dma_wait3A_155, %dma_wait3A_156] : memref<40x128xi32, #tpu.memory_space<vmem>> -> memref<40x128xi32, #tpu.memory_space<vmem>>
        %dma_wait3A_158 = arith.constant 0 : i32
        %dma_wait3A_159 = tpu.memref_slice %arg3[%add3A_77, %dma_wait3A_158] : memref<2560x128xi32, #tpu.memory_space<hbm>> -> memref<40x128xi32, #tpu.memory_space<hbm>>
        %dma_wait3A_160 = arith.constant 0 : i32
        %dma_wait3A_161 = arith.constant 0 : i32
        %dma_wait3A_162 = tpu.memref_slice %arg10[%dma_wait3A_160, %dma_wait3A_161] : memref<40x128xi32, #tpu.memory_space<vmem>> -> memref<40x128xi32, #tpu.memory_space<vmem>>
        %dma_wait3A_163 = arith.constant 0 : i32
        %dma_wait3A_164 = tpu.memref_slice %arg3[%add3A_77, %dma_wait3A_163] : memref<2560x128xi32, #tpu.memory_space<hbm>> -> memref<40x128xi32, #tpu.memory_space<hbm>>
        tpu.wait_dma2 semaphore(%run_scoped3A : memref<!tpu.dma_semaphore, #tpu.memory_space<semaphore_mem>>) src(%dma_wait3A_164 : memref<40x128xi32, #tpu.memory_space<hbm>>) dst(%dma_wait3A_162 : memref<40x128xi32, #tpu.memory_space<vmem>>)
        tpu.yield
      }) : () -> ()
      %add3A_78 = arith.constant 0 : i32
      %add3A_79 = arith.addi %mul3A_76, %add3A_78 : i32
      "tpu.region"() ({
        %run_scoped3A = tpu.sem_alloc : memref<!tpu.dma_semaphore, #tpu.memory_space<semaphore_mem>>
        %dma_start3A_145 = arith.constant 0 : i32
        %dma_start3A_146 = arith.constant 0 : i32
        %dma_start3A_147 = tpu.memref_slice %arg11[%dma_start3A_145, %dma_start3A_146] : memref<40x128xi32, #tpu.memory_space<vmem>> -> memref<40x128xi32, #tpu.memory_space<vmem>>
        %dma_start3A_148 = arith.constant 0 : i32
        %dma_start3A_149 = tpu.memref_slice %arg4[%add3A_79, %dma_start3A_148] : memref<2560x128xi32, #tpu.memory_space<hbm>> -> memref<40x128xi32, #tpu.memory_space<hbm>>
        %dma_start3A_150 = arith.constant 0 : i32
        %dma_start3A_151 = arith.constant 0 : i32
        %dma_start3A_152 = tpu.memref_slice %arg11[%dma_start3A_150, %dma_start3A_151] : memref<40x128xi32, #tpu.memory_space<vmem>> -> memref<40x128xi32, #tpu.memory_space<vmem>>
        %dma_start3A_153 = arith.constant 0 : i32
        %dma_start3A_154 = tpu.memref_slice %arg4[%add3A_79, %dma_start3A_153] : memref<2560x128xi32, #tpu.memory_space<hbm>> -> memref<40x128xi32, #tpu.memory_space<hbm>>
        tpu.enqueue_dma source(%dma_start3A_154 : memref<40x128xi32, #tpu.memory_space<hbm>>) target(%dma_start3A_152 : memref<40x128xi32, #tpu.memory_space<vmem>>) target_semaphore(%run_scoped3A : memref<!tpu.dma_semaphore, #tpu.memory_space<semaphore_mem>>)
        %dma_wait3A_155 = arith.constant 0 : i32
        %dma_wait3A_156 = arith.constant 0 : i32
        %dma_wait3A_157 = tpu.memref_slice %arg11[%dma_wait3A_155, %dma_wait3A_156] : memref<40x128xi32, #tpu.memory_space<vmem>> -> memref<40x128xi32, #tpu.memory_space<vmem>>
        %dma_wait3A_158 = arith.constant 0 : i32
        %dma_wait3A_159 = tpu.memref_slice %arg4[%add3A_79, %dma_wait3A_158] : memref<2560x128xi32, #tpu.memory_space<hbm>> -> memref<40x128xi32, #tpu.memory_space<hbm>>
        %dma_wait3A_160 = arith.constant 0 : i32
        %dma_wait3A_161 = arith.constant 0 : i32
        %dma_wait3A_162 = tpu.memref_slice %arg11[%dma_wait3A_160, %dma_wait3A_161] : memref<40x128xi32, #tpu.memory_space<vmem>> -> memref<40x128xi32, #tpu.memory_space<vmem>>
        %dma_wait3A_163 = arith.constant 0 : i32
        %dma_wait3A_164 = tpu.memref_slice %arg4[%add3A_79, %dma_wait3A_163] : memref<2560x128xi32, #tpu.memory_space<hbm>> -> memref<40x128xi32, #tpu.memory_space<hbm>>
        tpu.wait_dma2 semaphore(%run_scoped3A : memref<!tpu.dma_semaphore, #tpu.memory_space<semaphore_mem>>) src(%dma_wait3A_164 : memref<40x128xi32, #tpu.memory_space<hbm>>) dst(%dma_wait3A_162 : memref<40x128xi32, #tpu.memory_space<vmem>>)
        tpu.yield
      }) : () -> ()
      %dma_start3A = arith.constant 0 : i32
      %dma_start3A_80 = arith.constant 0 : i32
      %dma_start3A_81 = tpu.memref_slice %arg10[%dma_start3A, %dma_start3A_80] : memref<40x128xi32, #tpu.memory_space<vmem>> -> memref<1x128xi32, #tpu.memory_space<vmem>>
      %dma_start3A_82 = tpu.memref_squeeze %dma_start3A_81 : memref<1x128xi32, #tpu.memory_space<vmem>> -> memref<128xi32, #tpu.memory_space<vmem>>
      %dma_start3A_83 = arith.constant 0 : i32
      %dma_start3A_84 = arith.constant 0 : i32
      %dma_start3A_85 = tpu.memref_slice %arg2[%dma_start3A_83, %dma_start3A_84] : memref<10000x128xf32, #tpu.memory_space<hbm>> -> memref<10000x128xf32, #tpu.memory_space<hbm>>
      tpu.enqueue_indirect_dma source(%dma_start3A_85 : memref<10000x128xf32, #tpu.memory_space<hbm>>) target(%arg12 : memref<128x128xf32, #tpu.memory_space<vmem>>) offsets(%dma_start3A_82 : memref<128xi32, #tpu.memory_space<vmem>>) semaphore(%arg15 : memref<!tpu.dma_semaphore, #tpu.memory_space<semaphore_mem>>)
      %scan3A = arith.constant 0 : i32
      %scan3A_86 = arith.constant 0 : i32
      %scan3A_87 = arith.constant 20 : i32
      %scan3A_88 = arith.addi %scan3A_86, %scan3A_87 : i32
      %scan3A_89 = arith.constant 1 : i32
      scf.for %scan3A_145 = %scan3A_86 to %scan3A_88 step %scan3A_89  : i32 {
        %mul3A_146 = arith.constant 2 : i32
        %mul3A_147 = arith.muli %mul3A_146, %scan3A_145 : i32
        %add3A_148 = arith.constant 1 : i32
        %add3A_149 = arith.addi %mul3A_147, %add3A_148 : i32
        %dma_start3A_150 = arith.constant 0 : i32
        %dma_start3A_151 = tpu.memref_slice %arg10[%add3A_149, %dma_start3A_150] : memref<40x128xi32, #tpu.memory_space<vmem>> -> memref<1x128xi32, #tpu.memory_space<vmem>>
        %dma_start3A_152 = tpu.memref_squeeze %dma_start3A_151 : memref<1x128xi32, #tpu.memory_space<vmem>> -> memref<128xi32, #tpu.memory_space<vmem>>
        %dma_start3A_153 = arith.constant 0 : i32
        %dma_start3A_154 = arith.constant 0 : i32
        %dma_start3A_155 = tpu.memref_slice %arg2[%dma_start3A_153, %dma_start3A_154] : memref<10000x128xf32, #tpu.memory_space<hbm>> -> memref<10000x128xf32, #tpu.memory_space<hbm>>
        tpu.enqueue_indirect_dma source(%dma_start3A_155 : memref<10000x128xf32, #tpu.memory_space<hbm>>) target(%arg13 : memref<128x128xf32, #tpu.memory_space<vmem>>) offsets(%dma_start3A_152 : memref<128xi32, #tpu.memory_space<vmem>>) semaphore(%arg16 : memref<!tpu.dma_semaphore, #tpu.memory_space<semaphore_mem>>)
        %dma_wait3A_156 = arith.constant 0 : i32
        %dma_wait3A_157 = arith.constant 0 : i32
        %dma_wait3A_158 = tpu.memref_slice %arg10[%dma_wait3A_156, %dma_wait3A_157] : memref<40x128xi32, #tpu.memory_space<vmem>> -> memref<1x128xi32, #tpu.memory_space<vmem>>
        %dma_wait3A_159 = tpu.memref_squeeze %dma_wait3A_158 : memref<1x128xi32, #tpu.memory_space<vmem>> -> memref<128xi32, #tpu.memory_space<vmem>>
        %dma_wait3A_160 = arith.constant 0 : i32
        %dma_wait3A_161 = arith.constant 0 : i32
        %dma_wait3A_162 = tpu.memref_slice %arg2[%dma_wait3A_160, %dma_wait3A_161] : memref<10000x128xf32, #tpu.memory_space<hbm>> -> memref<10000x128xf32, #tpu.memory_space<hbm>>
        tpu.wait_indirect_dma semaphore(%arg15 : memref<!tpu.dma_semaphore, #tpu.memory_space<semaphore_mem>>) src(%dma_wait3A_162 : memref<10000x128xf32, #tpu.memory_space<hbm>>) dst(%arg12 : memref<128x128xf32, #tpu.memory_space<vmem>>)
        "tpu.region"() ({
          %run_scoped3A = tpu.sem_alloc : memref<!tpu.dma_semaphore, #tpu.memory_space<semaphore_mem>>
          %dma_start3A_181 = arith.constant 0 : i32
          %dma_start3A_182 = tpu.memref_slice %arg11[%mul3A_147, %dma_start3A_181] : memref<40x128xi32, #tpu.memory_space<vmem>> -> memref<1x128xi32, #tpu.memory_space<vmem>>
          %dma_start3A_183 = tpu.memref_squeeze %dma_start3A_182 : memref<1x128xi32, #tpu.memory_space<vmem>> -> memref<128xi32, #tpu.memory_space<vmem>>
          %dma_start3A_184 = arith.constant 0 : i32
          %dma_start3A_185 = arith.constant 0 : i32
          %dma_start3A_186 = tpu.memref_slice %arg14[%dma_start3A_184, %dma_start3A_185] : memref<10112x128xf32, #tpu.memory_space<vmem_shared>> -> memref<10112x128xf32, #tpu.memory_space<vmem_shared>>
          tpu.enqueue_indirect_dma source(%arg12 : memref<128x128xf32, #tpu.memory_space<vmem>>) target(%dma_start3A_186 : memref<10112x128xf32, #tpu.memory_space<vmem_shared>>) offsets(%dma_start3A_183 : memref<128xi32, #tpu.memory_space<vmem>>) semaphore(%run_scoped3A : memref<!tpu.dma_semaphore, #tpu.memory_space<semaphore_mem>>) {add = true}
          %dma_wait3A_187 = arith.constant 0 : i32
          %dma_wait3A_188 = tpu.memref_slice %arg11[%mul3A_147, %dma_wait3A_187] : memref<40x128xi32, #tpu.memory_space<vmem>> -> memref<1x128xi32, #tpu.memory_space<vmem>>
          %dma_wait3A_189 = tpu.memref_squeeze %dma_wait3A_188 : memref<1x128xi32, #tpu.memory_space<vmem>> -> memref<128xi32, #tpu.memory_space<vmem>>
          %dma_wait3A_190 = arith.constant 0 : i32
          %dma_wait3A_191 = arith.constant 0 : i32
          %dma_wait3A_192 = tpu.memref_slice %arg14[%dma_wait3A_190, %dma_wait3A_191] : memref<10112x128xf32, #tpu.memory_space<vmem_shared>> -> memref<10112x128xf32, #tpu.memory_space<vmem_shared>>
          tpu.wait_indirect_dma semaphore(%run_scoped3A : memref<!tpu.dma_semaphore, #tpu.memory_space<semaphore_mem>>) src(%arg12 : memref<128x128xf32, #tpu.memory_space<vmem>>) dst(%dma_wait3A_192 : memref<10112x128xf32, #tpu.memory_space<vmem_shared>>)
          tpu.yield
        }) : () -> ()
        "tpu.region"() ({
          %run_scoped3A = tpu.sem_alloc : memref<!tpu.dma_semaphore, #tpu.memory_space<semaphore_mem>>
          %dma_start3A_181 = arith.constant 0 : i32
          %dma_start3A_182 = tpu.memref_slice %arg11[%mul3A_147, %dma_start3A_181] : memref<40x128xi32, #tpu.memory_space<vmem>> -> memref<1x128xi32, #tpu.memory_space<vmem>>
          %dma_start3A_183 = tpu.memref_squeeze %dma_start3A_182 : memref<1x128xi32, #tpu.memory_space<vmem>> -> memref<128xi32, #tpu.memory_space<vmem>>
          %dma_start3A_184 = arith.constant 0 : i32
          %dma_start3A_185 = tpu.memref_slice %arg17[%dma_start3A_184] : memref<10240xf32, #tpu.memory_space<vmem_shared>> -> memref<10240xf32, #tpu.memory_space<vmem_shared>>
          tpu.enqueue_indirect_dma source(%arg18 : memref<128xf32, #tpu.memory_space<vmem>>) target(%dma_start3A_185 : memref<10240xf32, #tpu.memory_space<vmem_shared>>) offsets(%dma_start3A_183 : memref<128xi32, #tpu.memory_space<vmem>>) semaphore(%run_scoped3A : memref<!tpu.dma_semaphore, #tpu.memory_space<semaphore_mem>>) {add = true}
          %dma_wait3A_186 = arith.constant 0 : i32
          %dma_wait3A_187 = tpu.memref_slice %arg11[%mul3A_147, %dma_wait3A_186] : memref<40x128xi32, #tpu.memory_space<vmem>> -> memref<1x128xi32, #tpu.memory_space<vmem>>
          %dma_wait3A_188 = tpu.memref_squeeze %dma_wait3A_187 : memref<1x128xi32, #tpu.memory_space<vmem>> -> memref<128xi32, #tpu.memory_space<vmem>>
          %dma_wait3A_189 = arith.constant 0 : i32
          %dma_wait3A_190 = tpu.memref_slice %arg17[%dma_wait3A_189] : memref<10240xf32, #tpu.memory_space<vmem_shared>> -> memref<10240xf32, #tpu.memory_space<vmem_shared>>
          tpu.wait_indirect_dma semaphore(%run_scoped3A : memref<!tpu.dma_semaphore, #tpu.memory_space<semaphore_mem>>) src(%arg18 : memref<128xf32, #tpu.memory_space<vmem>>) dst(%dma_wait3A_190 : memref<10240xf32, #tpu.memory_space<vmem_shared>>)
          tpu.yield
        }) : () -> ()
        %add3A_163 = arith.constant 2 : i32
        %add3A_164 = arith.addi %mul3A_147, %add3A_163 : i32
        %min3A = arith.constant 39 : i32
        %min3A_165 = arith.minsi %add3A_164, %min3A : i32
        %dma_start3A_166 = arith.constant 0 : i32
        %dma_start3A_167 = tpu.memref_slice %arg10[%min3A_165, %dma_start3A_166] : memref<40x128xi32, #tpu.memory_space<vmem>> -> memref<1x128xi32, #tpu.memory_space<vmem>>
        %dma_start3A_168 = tpu.memref_squeeze %dma_start3A_167 : memref<1x128xi32, #tpu.memory_space<vmem>> -> memref<128xi32, #tpu.memory_space<vmem>>
        %dma_start3A_169 = arith.constant 0 : i32
        %dma_start3A_170 = arith.constant 0 : i32
        %dma_start3A_171 = tpu.memref_slice %arg2[%dma_start3A_169, %dma_start3A_170] : memref<10000x128xf32, #tpu.memory_space<hbm>> -> memref<10000x128xf32, #tpu.memory_space<hbm>>
        tpu.enqueue_indirect_dma source(%dma_start3A_171 : memref<10000x128xf32, #tpu.memory_space<hbm>>) target(%arg12 : memref<128x128xf32, #tpu.memory_space<vmem>>) offsets(%dma_start3A_168 : memref<128xi32, #tpu.memory_space<vmem>>) semaphore(%arg15 : memref<!tpu.dma_semaphore, #tpu.memory_space<semaphore_mem>>)
        %dma_wait3A_172 = arith.constant 0 : i32
        %dma_wait3A_173 = arith.constant 0 : i32
        %dma_wait3A_174 = tpu.memref_slice %arg10[%dma_wait3A_172, %dma_wait3A_173] : memref<40x128xi32, #tpu.memory_space<vmem>> -> memref<1x128xi32, #tpu.memory_space<vmem>>
        %dma_wait3A_175 = tpu.memref_squeeze %dma_wait3A_174 : memref<1x128xi32, #tpu.memory_space<vmem>> -> memref<128xi32, #tpu.memory_space<vmem>>
        %dma_wait3A_176 = arith.constant 0 : i32
        %dma_wait3A_177 = arith.constant 0 : i32
        %dma_wait3A_178 = tpu.memref_slice %arg2[%dma_wait3A_176, %dma_wait3A_177] : memref<10000x128xf32, #tpu.memory_space<hbm>> -> memref<10000x128xf32, #tpu.memory_space<hbm>>
        tpu.wait_indirect_dma semaphore(%arg16 : memref<!tpu.dma_semaphore, #tpu.memory_space<semaphore_mem>>) src(%dma_wait3A_178 : memref<10000x128xf32, #tpu.memory_space<hbm>>) dst(%arg13 : memref<128x128xf32, #tpu.memory_space<vmem>>)
        %add3A_179 = arith.constant 1 : i32
        %add3A_180 = arith.addi %mul3A_147, %add3A_179 : i32
        "tpu.region"() ({
          %run_scoped3A = tpu.sem_alloc : memref<!tpu.dma_semaphore, #tpu.memory_space<semaphore_mem>>
          %dma_start3A_181 = arith.constant 0 : i32
          %dma_start3A_182 = tpu.memref_slice %arg11[%add3A_180, %dma_start3A_181] : memref<40x128xi32, #tpu.memory_space<vmem>> -> memref<1x128xi32, #tpu.memory_space<vmem>>
          %dma_start3A_183 = tpu.memref_squeeze %dma_start3A_182 : memref<1x128xi32, #tpu.memory_space<vmem>> -> memref<128xi32, #tpu.memory_space<vmem>>
          %dma_start3A_184 = arith.constant 0 : i32
          %dma_start3A_185 = arith.constant 0 : i32
          %dma_start3A_186 = tpu.memref_slice %arg14[%dma_start3A_184, %dma_start3A_185] : memref<10112x128xf32, #tpu.memory_space<vmem_shared>> -> memref<10112x128xf32, #tpu.memory_space<vmem_shared>>
          tpu.enqueue_indirect_dma source(%arg13 : memref<128x128xf32, #tpu.memory_space<vmem>>) target(%dma_start3A_186 : memref<10112x128xf32, #tpu.memory_space<vmem_shared>>) offsets(%dma_start3A_183 : memref<128xi32, #tpu.memory_space<vmem>>) semaphore(%run_scoped3A : memref<!tpu.dma_semaphore, #tpu.memory_space<semaphore_mem>>) {add = true}
          %dma_wait3A_187 = arith.constant 0 : i32
          %dma_wait3A_188 = tpu.memref_slice %arg11[%add3A_180, %dma_wait3A_187] : memref<40x128xi32, #tpu.memory_space<vmem>> -> memref<1x128xi32, #tpu.memory_space<vmem>>
          %dma_wait3A_189 = tpu.memref_squeeze %dma_wait3A_188 : memref<1x128xi32, #tpu.memory_space<vmem>> -> memref<128xi32, #tpu.memory_space<vmem>>
          %dma_wait3A_190 = arith.constant 0 : i32
          %dma_wait3A_191 = arith.constant 0 : i32
          %dma_wait3A_192 = tpu.memref_slice %arg14[%dma_wait3A_190, %dma_wait3A_191] : memref<10112x128xf32, #tpu.memory_space<vmem_shared>> -> memref<10112x128xf32, #tpu.memory_space<vmem_shared>>
          tpu.wait_indirect_dma semaphore(%run_scoped3A : memref<!tpu.dma_semaphore, #tpu.memory_space<semaphore_mem>>) src(%arg13 : memref<128x128xf32, #tpu.memory_space<vmem>>) dst(%dma_wait3A_192 : memref<10112x128xf32, #tpu.memory_space<vmem_shared>>)
          tpu.yield
        }) : () -> ()
        "tpu.region"() ({
          %run_scoped3A = tpu.sem_alloc : memref<!tpu.dma_semaphore, #tpu.memory_space<semaphore_mem>>
          %dma_start3A_181 = arith.constant 0 : i32
          %dma_start3A_182 = tpu.memref_slice %arg11[%add3A_180, %dma_start3A_181] : memref<40x128xi32, #tpu.memory_space<vmem>> -> memref<1x128xi32, #tpu.memory_space<vmem>>
          %dma_start3A_183 = tpu.memref_squeeze %dma_start3A_182 : memref<1x128xi32, #tpu.memory_space<vmem>> -> memref<128xi32, #tpu.memory_space<vmem>>
          %dma_start3A_184 = arith.constant 0 : i32
          %dma_start3A_185 = tpu.memref_slice %arg17[%dma_start3A_184] : memref<10240xf32, #tpu.memory_space<vmem_shared>> -> memref<10240xf32, #tpu.memory_space<vmem_shared>>
          tpu.enqueue_indirect_dma source(%arg18 : memref<128xf32, #tpu.memory_space<vmem>>) target(%dma_start3A_185 : memref<10240xf32, #tpu.memory_space<vmem_shared>>) offsets(%dma_start3A_183 : memref<128xi32, #tpu.memory_space<vmem>>) semaphore(%run_scoped3A : memref<!tpu.dma_semaphore, #tpu.memory_space<semaphore_mem>>) {add = true}
          %dma_wait3A_186 = arith.constant 0 : i32
          %dma_wait3A_187 = tpu.memref_slice %arg11[%add3A_180, %dma_wait3A_186] : memref<40x128xi32, #tpu.memory_space<vmem>> -> memref<1x128xi32, #tpu.memory_space<vmem>>
          %dma_wait3A_188 = tpu.memref_squeeze %dma_wait3A_187 : memref<1x128xi32, #tpu.memory_space<vmem>> -> memref<128xi32, #tpu.memory_space<vmem>>
          %dma_wait3A_189 = arith.constant 0 : i32
          %dma_wait3A_190 = tpu.memref_slice %arg17[%dma_wait3A_189] : memref<10240xf32, #tpu.memory_space<vmem_shared>> -> memref<10240xf32, #tpu.memory_space<vmem_shared>>
          tpu.wait_indirect_dma semaphore(%run_scoped3A : memref<!tpu.dma_semaphore, #tpu.memory_space<semaphore_mem>>) src(%arg18 : memref<128xf32, #tpu.memory_space<vmem>>) dst(%dma_wait3A_190 : memref<10240xf32, #tpu.memory_space<vmem_shared>>)
          tpu.yield
        }) : () -> ()
      }
      %scan3A_90 = arith.constant 20 : i32
      %dma_wait3A = arith.constant 0 : i32
      %dma_wait3A_91 = arith.constant 0 : i32
      %dma_wait3A_92 = tpu.memref_slice %arg10[%dma_wait3A, %dma_wait3A_91] : memref<40x128xi32, #tpu.memory_space<vmem>> -> memref<1x128xi32, #tpu.memory_space<vmem>>
      %dma_wait3A_93 = tpu.memref_squeeze %dma_wait3A_92 : memref<1x128xi32, #tpu.memory_space<vmem>> -> memref<128xi32, #tpu.memory_space<vmem>>
      %dma_wait3A_94 = arith.constant 0 : i32
      %dma_wait3A_95 = arith.constant 0 : i32
      %dma_wait3A_96 = tpu.memref_slice %arg2[%dma_wait3A_94, %dma_wait3A_95] : memref<10000x128xf32, #tpu.memory_space<hbm>> -> memref<10000x128xf32, #tpu.memory_space<hbm>>
      tpu.wait_indirect_dma semaphore(%arg15 : memref<!tpu.dma_semaphore, #tpu.memory_space<semaphore_mem>>) src(%dma_wait3A_96 : memref<10000x128xf32, #tpu.memory_space<hbm>>) dst(%arg12 : memref<128x128xf32, #tpu.memory_space<vmem>>)
      %add3A_97 = arith.constant 40 : i32
      %add3A_98 = arith.addi %mul3A_76, %add3A_97 : i32
      "tpu.region"() ({
        %run_scoped3A = tpu.sem_alloc : memref<!tpu.dma_semaphore, #tpu.memory_space<semaphore_mem>>
        %dma_start3A_145 = arith.constant 0 : i32
        %dma_start3A_146 = arith.constant 0 : i32
        %dma_start3A_147 = tpu.memref_slice %arg10[%dma_start3A_145, %dma_start3A_146] : memref<40x128xi32, #tpu.memory_space<vmem>> -> memref<40x128xi32, #tpu.memory_space<vmem>>
        %dma_start3A_148 = arith.constant 0 : i32
        %dma_start3A_149 = tpu.memref_slice %arg3[%add3A_98, %dma_start3A_148] : memref<2560x128xi32, #tpu.memory_space<hbm>> -> memref<40x128xi32, #tpu.memory_space<hbm>>
        %dma_start3A_150 = arith.constant 0 : i32
        %dma_start3A_151 = arith.constant 0 : i32
        %dma_start3A_152 = tpu.memref_slice %arg10[%dma_start3A_150, %dma_start3A_151] : memref<40x128xi32, #tpu.memory_space<vmem>> -> memref<40x128xi32, #tpu.memory_space<vmem>>
        %dma_start3A_153 = arith.constant 0 : i32
        %dma_start3A_154 = tpu.memref_slice %arg3[%add3A_98, %dma_start3A_153] : memref<2560x128xi32, #tpu.memory_space<hbm>> -> memref<40x128xi32, #tpu.memory_space<hbm>>
        tpu.enqueue_dma source(%dma_start3A_154 : memref<40x128xi32, #tpu.memory_space<hbm>>) target(%dma_start3A_152 : memref<40x128xi32, #tpu.memory_space<vmem>>) target_semaphore(%run_scoped3A : memref<!tpu.dma_semaphore, #tpu.memory_space<semaphore_mem>>)
        %dma_wait3A_155 = arith.constant 0 : i32
        %dma_wait3A_156 = arith.constant 0 : i32
        %dma_wait3A_157 = tpu.memref_slice %arg10[%dma_wait3A_155, %dma_wait3A_156] : memref<40x128xi32, #tpu.memory_space<vmem>> -> memref<40x128xi32, #tpu.memory_space<vmem>>
        %dma_wait3A_158 = arith.constant 0 : i32
        %dma_wait3A_159 = tpu.memref_slice %arg3[%add3A_98, %dma_wait3A_158] : memref<2560x128xi32, #tpu.memory_space<hbm>> -> memref<40x128xi32, #tpu.memory_space<hbm>>
        %dma_wait3A_160 = arith.constant 0 : i32
        %dma_wait3A_161 = arith.constant 0 : i32
        %dma_wait3A_162 = tpu.memref_slice %arg10[%dma_wait3A_160, %dma_wait3A_161] : memref<40x128xi32, #tpu.memory_space<vmem>> -> memref<40x128xi32, #tpu.memory_space<vmem>>
        %dma_wait3A_163 = arith.constant 0 : i32
        %dma_wait3A_164 = tpu.memref_slice %arg3[%add3A_98, %dma_wait3A_163] : memref<2560x128xi32, #tpu.memory_space<hbm>> -> memref<40x128xi32, #tpu.memory_space<hbm>>
        tpu.wait_dma2 semaphore(%run_scoped3A : memref<!tpu.dma_semaphore, #tpu.memory_space<semaphore_mem>>) src(%dma_wait3A_164 : memref<40x128xi32, #tpu.memory_space<hbm>>) dst(%dma_wait3A_162 : memref<40x128xi32, #tpu.memory_space<vmem>>)
        tpu.yield
      }) : () -> ()
      %add3A_99 = arith.constant 40 : i32
      %add3A_100 = arith.addi %mul3A_76, %add3A_99 : i32
      "tpu.region"() ({
        %run_scoped3A = tpu.sem_alloc : memref<!tpu.dma_semaphore, #tpu.memory_space<semaphore_mem>>
        %dma_start3A_145 = arith.constant 0 : i32
        %dma_start3A_146 = arith.constant 0 : i32
        %dma_start3A_147 = tpu.memref_slice %arg11[%dma_start3A_145, %dma_start3A_146] : memref<40x128xi32, #tpu.memory_space<vmem>> -> memref<40x128xi32, #tpu.memory_space<vmem>>
        %dma_start3A_148 = arith.constant 0 : i32
        %dma_start3A_149 = tpu.memref_slice %arg4[%add3A_100, %dma_start3A_148] : memref<2560x128xi32, #tpu.memory_space<hbm>> -> memref<40x128xi32, #tpu.memory_space<hbm>>
        %dma_start3A_150 = arith.constant 0 : i32
        %dma_start3A_151 = arith.constant 0 : i32
        %dma_start3A_152 = tpu.memref_slice %arg11[%dma_start3A_150, %dma_start3A_151] : memref<40x128xi32, #tpu.memory_space<vmem>> -> memref<40x128xi32, #tpu.memory_space<vmem>>
        %dma_start3A_153 = arith.constant 0 : i32
        %dma_start3A_154 = tpu.memref_slice %arg4[%add3A_100, %dma_start3A_153] : memref<2560x128xi32, #tpu.memory_space<hbm>> -> memref<40x128xi32, #tpu.memory_space<hbm>>
        tpu.enqueue_dma source(%dma_start3A_154 : memref<40x128xi32, #tpu.memory_space<hbm>>) target(%dma_start3A_152 : memref<40x128xi32, #tpu.memory_space<vmem>>) target_semaphore(%run_scoped3A : memref<!tpu.dma_semaphore, #tpu.memory_space<semaphore_mem>>)
        %dma_wait3A_155 = arith.constant 0 : i32
        %dma_wait3A_156 = arith.constant 0 : i32
        %dma_wait3A_157 = tpu.memref_slice %arg11[%dma_wait3A_155, %dma_wait3A_156] : memref<40x128xi32, #tpu.memory_space<vmem>> -> memref<40x128xi32, #tpu.memory_space<vmem>>
        %dma_wait3A_158 = arith.constant 0 : i32
        %dma_wait3A_159 = tpu.memref_slice %arg4[%add3A_100, %dma_wait3A_158] : memref<2560x128xi32, #tpu.memory_space<hbm>> -> memref<40x128xi32, #tpu.memory_space<hbm>>
        %dma_wait3A_160 = arith.constant 0 : i32
        %dma_wait3A_161 = arith.constant 0 : i32
        %dma_wait3A_162 = tpu.memref_slice %arg11[%dma_wait3A_160, %dma_wait3A_161] : memref<40x128xi32, #tpu.memory_space<vmem>> -> memref<40x128xi32, #tpu.memory_space<vmem>>
        %dma_wait3A_163 = arith.constant 0 : i32
        %dma_wait3A_164 = tpu.memref_slice %arg4[%add3A_100, %dma_wait3A_163] : memref<2560x128xi32, #tpu.memory_space<hbm>> -> memref<40x128xi32, #tpu.memory_space<hbm>>
        tpu.wait_dma2 semaphore(%run_scoped3A : memref<!tpu.dma_semaphore, #tpu.memory_space<semaphore_mem>>) src(%dma_wait3A_164 : memref<40x128xi32, #tpu.memory_space<hbm>>) dst(%dma_wait3A_162 : memref<40x128xi32, #tpu.memory_space<vmem>>)
        tpu.yield
      }) : () -> ()
      %dma_start3A_101 = arith.constant 0 : i32
      %dma_start3A_102 = arith.constant 0 : i32
      %dma_start3A_103 = tpu.memref_slice %arg10[%dma_start3A_101, %dma_start3A_102] : memref<40x128xi32, #tpu.memory_space<vmem>> -> memref<1x128xi32, #tpu.memory_space<vmem>>
      %dma_start3A_104 = tpu.memref_squeeze %dma_start3A_103 : memref<1x128xi32, #tpu.memory_space<vmem>> -> memref<128xi32, #tpu.memory_space<vmem>>
      %dma_start3A_105 = arith.constant 0 : i32
      %dma_start3A_106 = arith.constant 0 : i32
      %dma_start3A_107 = tpu.memref_slice %arg2[%dma_start3A_105, %dma_start3A_106] : memref<10000x128xf32, #tpu.memory_space<hbm>> -> memref<10000x128xf32, #tpu.memory_space<hbm>>
      tpu.enqueue_indirect_dma source(%dma_start3A_107 : memref<10000x128xf32, #tpu.memory_space<hbm>>) target(%arg12 : memref<128x128xf32, #tpu.memory_space<vmem>>) offsets(%dma_start3A_104 : memref<128xi32, #tpu.memory_space<vmem>>) semaphore(%arg15 : memref<!tpu.dma_semaphore, #tpu.memory_space<semaphore_mem>>)
      %scan3A_108 = arith.constant 0 : i32
      %scan3A_109 = arith.constant 0 : i32
      %scan3A_110 = arith.constant 20 : i32
      %scan3A_111 = arith.addi %scan3A_109, %scan3A_110 : i32
      %scan3A_112 = arith.constant 1 : i32
      scf.for %scan3A_145 = %scan3A_109 to %scan3A_111 step %scan3A_112  : i32 {
        %mul3A_146 = arith.constant 2 : i32
        %mul3A_147 = arith.muli %mul3A_146, %scan3A_145 : i32
        %add3A_148 = arith.constant 1 : i32
        %add3A_149 = arith.addi %mul3A_147, %add3A_148 : i32
        %dma_start3A_150 = arith.constant 0 : i32
        %dma_start3A_151 = tpu.memref_slice %arg10[%add3A_149, %dma_start3A_150] : memref<40x128xi32, #tpu.memory_space<vmem>> -> memref<1x128xi32, #tpu.memory_space<vmem>>
        %dma_start3A_152 = tpu.memref_squeeze %dma_start3A_151 : memref<1x128xi32, #tpu.memory_space<vmem>> -> memref<128xi32, #tpu.memory_space<vmem>>
        %dma_start3A_153 = arith.constant 0 : i32
        %dma_start3A_154 = arith.constant 0 : i32
        %dma_start3A_155 = tpu.memref_slice %arg2[%dma_start3A_153, %dma_start3A_154] : memref<10000x128xf32, #tpu.memory_space<hbm>> -> memref<10000x128xf32, #tpu.memory_space<hbm>>
        tpu.enqueue_indirect_dma source(%dma_start3A_155 : memref<10000x128xf32, #tpu.memory_space<hbm>>) target(%arg13 : memref<128x128xf32, #tpu.memory_space<vmem>>) offsets(%dma_start3A_152 : memref<128xi32, #tpu.memory_space<vmem>>) semaphore(%arg16 : memref<!tpu.dma_semaphore, #tpu.memory_space<semaphore_mem>>)
        %dma_wait3A_156 = arith.constant 0 : i32
        %dma_wait3A_157 = arith.constant 0 : i32
        %dma_wait3A_158 = tpu.memref_slice %arg10[%dma_wait3A_156, %dma_wait3A_157] : memref<40x128xi32, #tpu.memory_space<vmem>> -> memref<1x128xi32, #tpu.memory_space<vmem>>
        %dma_wait3A_159 = tpu.memref_squeeze %dma_wait3A_158 : memref<1x128xi32, #tpu.memory_space<vmem>> -> memref<128xi32, #tpu.memory_space<vmem>>
        %dma_wait3A_160 = arith.constant 0 : i32
        %dma_wait3A_161 = arith.constant 0 : i32
        %dma_wait3A_162 = tpu.memref_slice %arg2[%dma_wait3A_160, %dma_wait3A_161] : memref<10000x128xf32, #tpu.memory_space<hbm>> -> memref<10000x128xf32, #tpu.memory_space<hbm>>
        tpu.wait_indirect_dma semaphore(%arg15 : memref<!tpu.dma_semaphore, #tpu.memory_space<semaphore_mem>>) src(%dma_wait3A_162 : memref<10000x128xf32, #tpu.memory_space<hbm>>) dst(%arg12 : memref<128x128xf32, #tpu.memory_space<vmem>>)
        "tpu.region"() ({
          %run_scoped3A = tpu.sem_alloc : memref<!tpu.dma_semaphore, #tpu.memory_space<semaphore_mem>>
          %dma_start3A_181 = arith.constant 0 : i32
          %dma_start3A_182 = tpu.memref_slice %arg11[%mul3A_147, %dma_start3A_181] : memref<40x128xi32, #tpu.memory_space<vmem>> -> memref<1x128xi32, #tpu.memory_space<vmem>>
          %dma_start3A_183 = tpu.memref_squeeze %dma_start3A_182 : memref<1x128xi32, #tpu.memory_space<vmem>> -> memref<128xi32, #tpu.memory_space<vmem>>
          %dma_start3A_184 = arith.constant 0 : i32
          %dma_start3A_185 = arith.constant 0 : i32
          %dma_start3A_186 = tpu.memref_slice %arg14[%dma_start3A_184, %dma_start3A_185] : memref<10112x128xf32, #tpu.memory_space<vmem_shared>> -> memref<10112x128xf32, #tpu.memory_space<vmem_shared>>
          tpu.enqueue_indirect_dma source(%arg12 : memref<128x128xf32, #tpu.memory_space<vmem>>) target(%dma_start3A_186 : memref<10112x128xf32, #tpu.memory_space<vmem_shared>>) offsets(%dma_start3A_183 : memref<128xi32, #tpu.memory_space<vmem>>) semaphore(%run_scoped3A : memref<!tpu.dma_semaphore, #tpu.memory_space<semaphore_mem>>) {add = true}
          %dma_wait3A_187 = arith.constant 0 : i32
          %dma_wait3A_188 = tpu.memref_slice %arg11[%mul3A_147, %dma_wait3A_187] : memref<40x128xi32, #tpu.memory_space<vmem>> -> memref<1x128xi32, #tpu.memory_space<vmem>>
          %dma_wait3A_189 = tpu.memref_squeeze %dma_wait3A_188 : memref<1x128xi32, #tpu.memory_space<vmem>> -> memref<128xi32, #tpu.memory_space<vmem>>
          %dma_wait3A_190 = arith.constant 0 : i32
          %dma_wait3A_191 = arith.constant 0 : i32
          %dma_wait3A_192 = tpu.memref_slice %arg14[%dma_wait3A_190, %dma_wait3A_191] : memref<10112x128xf32, #tpu.memory_space<vmem_shared>> -> memref<10112x128xf32, #tpu.memory_space<vmem_shared>>
          tpu.wait_indirect_dma semaphore(%run_scoped3A : memref<!tpu.dma_semaphore, #tpu.memory_space<semaphore_mem>>) src(%arg12 : memref<128x128xf32, #tpu.memory_space<vmem>>) dst(%dma_wait3A_192 : memref<10112x128xf32, #tpu.memory_space<vmem_shared>>)
          tpu.yield
        }) : () -> ()
        "tpu.region"() ({
          %run_scoped3A = tpu.sem_alloc : memref<!tpu.dma_semaphore, #tpu.memory_space<semaphore_mem>>
          %dma_start3A_181 = arith.constant 0 : i32
          %dma_start3A_182 = tpu.memref_slice %arg11[%mul3A_147, %dma_start3A_181] : memref<40x128xi32, #tpu.memory_space<vmem>> -> memref<1x128xi32, #tpu.memory_space<vmem>>
          %dma_start3A_183 = tpu.memref_squeeze %dma_start3A_182 : memref<1x128xi32, #tpu.memory_space<vmem>> -> memref<128xi32, #tpu.memory_space<vmem>>
          %dma_start3A_184 = arith.constant 0 : i32
          %dma_start3A_185 = tpu.memref_slice %arg17[%dma_start3A_184] : memref<10240xf32, #tpu.memory_space<vmem_shared>> -> memref<10240xf32, #tpu.memory_space<vmem_shared>>
          tpu.enqueue_indirect_dma source(%arg18 : memref<128xf32, #tpu.memory_space<vmem>>) target(%dma_start3A_185 : memref<10240xf32, #tpu.memory_space<vmem_shared>>) offsets(%dma_start3A_183 : memref<128xi32, #tpu.memory_space<vmem>>) semaphore(%run_scoped3A : memref<!tpu.dma_semaphore, #tpu.memory_space<semaphore_mem>>) {add = true}
          %dma_wait3A_186 = arith.constant 0 : i32
          %dma_wait3A_187 = tpu.memref_slice %arg11[%mul3A_147, %dma_wait3A_186] : memref<40x128xi32, #tpu.memory_space<vmem>> -> memref<1x128xi32, #tpu.memory_space<vmem>>
          %dma_wait3A_188 = tpu.memref_squeeze %dma_wait3A_187 : memref<1x128xi32, #tpu.memory_space<vmem>> -> memref<128xi32, #tpu.memory_space<vmem>>
          %dma_wait3A_189 = arith.constant 0 : i32
          %dma_wait3A_190 = tpu.memref_slice %arg17[%dma_wait3A_189] : memref<10240xf32, #tpu.memory_space<vmem_shared>> -> memref<10240xf32, #tpu.memory_space<vmem_shared>>
          tpu.wait_indirect_dma semaphore(%run_scoped3A : memref<!tpu.dma_semaphore, #tpu.memory_space<semaphore_mem>>) src(%arg18 : memref<128xf32, #tpu.memory_space<vmem>>) dst(%dma_wait3A_190 : memref<10240xf32, #tpu.memory_space<vmem_shared>>)
          tpu.yield
        }) : () -> ()
        %add3A_163 = arith.constant 2 : i32
        %add3A_164 = arith.addi %mul3A_147, %add3A_163 : i32
        %min3A = arith.constant 39 : i32
        %min3A_165 = arith.minsi %add3A_164, %min3A : i32
        %dma_start3A_166 = arith.constant 0 : i32
        %dma_start3A_167 = tpu.memref_slice %arg10[%min3A_165, %dma_start3A_166] : memref<40x128xi32, #tpu.memory_space<vmem>> -> memref<1x128xi32, #tpu.memory_space<vmem>>
        %dma_start3A_168 = tpu.memref_squeeze %dma_start3A_167 : memref<1x128xi32, #tpu.memory_space<vmem>> -> memref<128xi32, #tpu.memory_space<vmem>>
        %dma_start3A_169 = arith.constant 0 : i32
        %dma_start3A_170 = arith.constant 0 : i32
        %dma_start3A_171 = tpu.memref_slice %arg2[%dma_start3A_169, %dma_start3A_170] : memref<10000x128xf32, #tpu.memory_space<hbm>> -> memref<10000x128xf32, #tpu.memory_space<hbm>>
        tpu.enqueue_indirect_dma source(%dma_start3A_171 : memref<10000x128xf32, #tpu.memory_space<hbm>>) target(%arg12 : memref<128x128xf32, #tpu.memory_space<vmem>>) offsets(%dma_start3A_168 : memref<128xi32, #tpu.memory_space<vmem>>) semaphore(%arg15 : memref<!tpu.dma_semaphore, #tpu.memory_space<semaphore_mem>>)
        %dma_wait3A_172 = arith.constant 0 : i32
        %dma_wait3A_173 = arith.constant 0 : i32
        %dma_wait3A_174 = tpu.memref_slice %arg10[%dma_wait3A_172, %dma_wait3A_173] : memref<40x128xi32, #tpu.memory_space<vmem>> -> memref<1x128xi32, #tpu.memory_space<vmem>>
        %dma_wait3A_175 = tpu.memref_squeeze %dma_wait3A_174 : memref<1x128xi32, #tpu.memory_space<vmem>> -> memref<128xi32, #tpu.memory_space<vmem>>
        %dma_wait3A_176 = arith.constant 0 : i32
        %dma_wait3A_177 = arith.constant 0 : i32
        %dma_wait3A_178 = tpu.memref_slice %arg2[%dma_wait3A_176, %dma_wait3A_177] : memref<10000x128xf32, #tpu.memory_space<hbm>> -> memref<10000x128xf32, #tpu.memory_space<hbm>>
        tpu.wait_indirect_dma semaphore(%arg16 : memref<!tpu.dma_semaphore, #tpu.memory_space<semaphore_mem>>) src(%dma_wait3A_178 : memref<10000x128xf32, #tpu.memory_space<hbm>>) dst(%arg13 : memref<128x128xf32, #tpu.memory_space<vmem>>)
        %add3A_179 = arith.constant 1 : i32
        %add3A_180 = arith.addi %mul3A_147, %add3A_179 : i32
        "tpu.region"() ({
          %run_scoped3A = tpu.sem_alloc : memref<!tpu.dma_semaphore, #tpu.memory_space<semaphore_mem>>
          %dma_start3A_181 = arith.constant 0 : i32
          %dma_start3A_182 = tpu.memref_slice %arg11[%add3A_180, %dma_start3A_181] : memref<40x128xi32, #tpu.memory_space<vmem>> -> memref<1x128xi32, #tpu.memory_space<vmem>>
          %dma_start3A_183 = tpu.memref_squeeze %dma_start3A_182 : memref<1x128xi32, #tpu.memory_space<vmem>> -> memref<128xi32, #tpu.memory_space<vmem>>
          %dma_start3A_184 = arith.constant 0 : i32
          %dma_start3A_185 = arith.constant 0 : i32
          %dma_start3A_186 = tpu.memref_slice %arg14[%dma_start3A_184, %dma_start3A_185] : memref<10112x128xf32, #tpu.memory_space<vmem_shared>> -> memref<10112x128xf32, #tpu.memory_space<vmem_shared>>
          tpu.enqueue_indirect_dma source(%arg13 : memref<128x128xf32, #tpu.memory_space<vmem>>) target(%dma_start3A_186 : memref<10112x128xf32, #tpu.memory_space<vmem_shared>>) offsets(%dma_start3A_183 : memref<128xi32, #tpu.memory_space<vmem>>) semaphore(%run_scoped3A : memref<!tpu.dma_semaphore, #tpu.memory_space<semaphore_mem>>) {add = true}
          %dma_wait3A_187 = arith.constant 0 : i32
          %dma_wait3A_188 = tpu.memref_slice %arg11[%add3A_180, %dma_wait3A_187] : memref<40x128xi32, #tpu.memory_space<vmem>> -> memref<1x128xi32, #tpu.memory_space<vmem>>
          %dma_wait3A_189 = tpu.memref_squeeze %dma_wait3A_188 : memref<1x128xi32, #tpu.memory_space<vmem>> -> memref<128xi32, #tpu.memory_space<vmem>>
          %dma_wait3A_190 = arith.constant 0 : i32
          %dma_wait3A_191 = arith.constant 0 : i32
          %dma_wait3A_192 = tpu.memref_slice %arg14[%dma_wait3A_190, %dma_wait3A_191] : memref<10112x128xf32, #tpu.memory_space<vmem_shared>> -> memref<10112x128xf32, #tpu.memory_space<vmem_shared>>
          tpu.wait_indirect_dma semaphore(%run_scoped3A : memref<!tpu.dma_semaphore, #tpu.memory_space<semaphore_mem>>) src(%arg13 : memref<128x128xf32, #tpu.memory_space<vmem>>) dst(%dma_wait3A_192 : memref<10112x128xf32, #tpu.memory_space<vmem_shared>>)
          tpu.yield
        }) : () -> ()
        "tpu.region"() ({
          %run_scoped3A = tpu.sem_alloc : memref<!tpu.dma_semaphore, #tpu.memory_space<semaphore_mem>>
          %dma_start3A_181 = arith.constant 0 : i32
          %dma_start3A_182 = tpu.memref_slice %arg11[%add3A_180, %dma_start3A_181] : memref<40x128xi32, #tpu.memory_space<vmem>> -> memref<1x128xi32, #tpu.memory_space<vmem>>
          %dma_start3A_183 = tpu.memref_squeeze %dma_start3A_182 : memref<1x128xi32, #tpu.memory_space<vmem>> -> memref<128xi32, #tpu.memory_space<vmem>>
          %dma_start3A_184 = arith.constant 0 : i32
          %dma_start3A_185 = tpu.memref_slice %arg17[%dma_start3A_184] : memref<10240xf32, #tpu.memory_space<vmem_shared>> -> memref<10240xf32, #tpu.memory_space<vmem_shared>>
          tpu.enqueue_indirect_dma source(%arg18 : memref<128xf32, #tpu.memory_space<vmem>>) target(%dma_start3A_185 : memref<10240xf32, #tpu.memory_space<vmem_shared>>) offsets(%dma_start3A_183 : memref<128xi32, #tpu.memory_space<vmem>>) semaphore(%run_scoped3A : memref<!tpu.dma_semaphore, #tpu.memory_space<semaphore_mem>>) {add = true}
          %dma_wait3A_186 = arith.constant 0 : i32
          %dma_wait3A_187 = tpu.memref_slice %arg11[%add3A_180, %dma_wait3A_186] : memref<40x128xi32, #tpu.memory_space<vmem>> -> memref<1x128xi32, #tpu.memory_space<vmem>>
          %dma_wait3A_188 = tpu.memref_squeeze %dma_wait3A_187 : memref<1x128xi32, #tpu.memory_space<vmem>> -> memref<128xi32, #tpu.memory_space<vmem>>
          %dma_wait3A_189 = arith.constant 0 : i32
          %dma_wait3A_190 = tpu.memref_slice %arg17[%dma_wait3A_189] : memref<10240xf32, #tpu.memory_space<vmem_shared>> -> memref<10240xf32, #tpu.memory_space<vmem_shared>>
          tpu.wait_indirect_dma semaphore(%run_scoped3A : memref<!tpu.dma_semaphore, #tpu.memory_space<semaphore_mem>>) src(%arg18 : memref<128xf32, #tpu.memory_space<vmem>>) dst(%dma_wait3A_190 : memref<10240xf32, #tpu.memory_space<vmem_shared>>)
          tpu.yield
        }) : () -> ()
      }
      %scan3A_113 = arith.constant 20 : i32
      %dma_wait3A_114 = arith.constant 0 : i32
      %dma_wait3A_115 = arith.constant 0 : i32
      %dma_wait3A_116 = tpu.memref_slice %arg10[%dma_wait3A_114, %dma_wait3A_115] : memref<40x128xi32, #tpu.memory_space<vmem>> -> memref<1x128xi32, #tpu.memory_space<vmem>>
      %dma_wait3A_117 = tpu.memref_squeeze %dma_wait3A_116 : memref<1x128xi32, #tpu.memory_space<vmem>> -> memref<128xi32, #tpu.memory_space<vmem>>
      %dma_wait3A_118 = arith.constant 0 : i32
      %dma_wait3A_119 = arith.constant 0 : i32
      %dma_wait3A_120 = tpu.memref_slice %arg2[%dma_wait3A_118, %dma_wait3A_119] : memref<10000x128xf32, #tpu.memory_space<hbm>> -> memref<10000x128xf32, #tpu.memory_space<hbm>>
      tpu.wait_indirect_dma semaphore(%arg15 : memref<!tpu.dma_semaphore, #tpu.memory_space<semaphore_mem>>) src(%dma_wait3A_120 : memref<10000x128xf32, #tpu.memory_space<hbm>>) dst(%arg12 : memref<128x128xf32, #tpu.memory_space<vmem>>)
      %add3A_121 = arith.constant 80 : i32
      %add3A_122 = arith.addi %mul3A_76, %add3A_121 : i32
      "tpu.region"() ({
        %run_scoped3A = tpu.sem_alloc : memref<!tpu.dma_semaphore, #tpu.memory_space<semaphore_mem>>
        %dma_start3A_145 = arith.constant 0 : i32
        %dma_start3A_146 = arith.constant 0 : i32
        %dma_start3A_147 = tpu.memref_slice %arg10[%dma_start3A_145, %dma_start3A_146] : memref<40x128xi32, #tpu.memory_space<vmem>> -> memref<40x128xi32, #tpu.memory_space<vmem>>
        %dma_start3A_148 = arith.constant 0 : i32
        %dma_start3A_149 = tpu.memref_slice %arg3[%add3A_122, %dma_start3A_148] : memref<2560x128xi32, #tpu.memory_space<hbm>> -> memref<40x128xi32, #tpu.memory_space<hbm>>
        %dma_start3A_150 = arith.constant 0 : i32
        %dma_start3A_151 = arith.constant 0 : i32
        %dma_start3A_152 = tpu.memref_slice %arg10[%dma_start3A_150, %dma_start3A_151] : memref<40x128xi32, #tpu.memory_space<vmem>> -> memref<40x128xi32, #tpu.memory_space<vmem>>
        %dma_start3A_153 = arith.constant 0 : i32
        %dma_start3A_154 = tpu.memref_slice %arg3[%add3A_122, %dma_start3A_153] : memref<2560x128xi32, #tpu.memory_space<hbm>> -> memref<40x128xi32, #tpu.memory_space<hbm>>
        tpu.enqueue_dma source(%dma_start3A_154 : memref<40x128xi32, #tpu.memory_space<hbm>>) target(%dma_start3A_152 : memref<40x128xi32, #tpu.memory_space<vmem>>) target_semaphore(%run_scoped3A : memref<!tpu.dma_semaphore, #tpu.memory_space<semaphore_mem>>)
        %dma_wait3A_155 = arith.constant 0 : i32
        %dma_wait3A_156 = arith.constant 0 : i32
        %dma_wait3A_157 = tpu.memref_slice %arg10[%dma_wait3A_155, %dma_wait3A_156] : memref<40x128xi32, #tpu.memory_space<vmem>> -> memref<40x128xi32, #tpu.memory_space<vmem>>
        %dma_wait3A_158 = arith.constant 0 : i32
        %dma_wait3A_159 = tpu.memref_slice %arg3[%add3A_122, %dma_wait3A_158] : memref<2560x128xi32, #tpu.memory_space<hbm>> -> memref<40x128xi32, #tpu.memory_space<hbm>>
        %dma_wait3A_160 = arith.constant 0 : i32
        %dma_wait3A_161 = arith.constant 0 : i32
        %dma_wait3A_162 = tpu.memref_slice %arg10[%dma_wait3A_160, %dma_wait3A_161] : memref<40x128xi32, #tpu.memory_space<vmem>> -> memref<40x128xi32, #tpu.memory_space<vmem>>
        %dma_wait3A_163 = arith.constant 0 : i32
        %dma_wait3A_164 = tpu.memref_slice %arg3[%add3A_122, %dma_wait3A_163] : memref<2560x128xi32, #tpu.memory_space<hbm>> -> memref<40x128xi32, #tpu.memory_space<hbm>>
        tpu.wait_dma2 semaphore(%run_scoped3A : memref<!tpu.dma_semaphore, #tpu.memory_space<semaphore_mem>>) src(%dma_wait3A_164 : memref<40x128xi32, #tpu.memory_space<hbm>>) dst(%dma_wait3A_162 : memref<40x128xi32, #tpu.memory_space<vmem>>)
        tpu.yield
      }) : () -> ()
      %add3A_123 = arith.constant 80 : i32
      %add3A_124 = arith.addi %mul3A_76, %add3A_123 : i32
      "tpu.region"() ({
        %run_scoped3A = tpu.sem_alloc : memref<!tpu.dma_semaphore, #tpu.memory_space<semaphore_mem>>
        %dma_start3A_145 = arith.constant 0 : i32
        %dma_start3A_146 = arith.constant 0 : i32
        %dma_start3A_147 = tpu.memref_slice %arg11[%dma_start3A_145, %dma_start3A_146] : memref<40x128xi32, #tpu.memory_space<vmem>> -> memref<40x128xi32, #tpu.memory_space<vmem>>
        %dma_start3A_148 = arith.constant 0 : i32
        %dma_start3A_149 = tpu.memref_slice %arg4[%add3A_124, %dma_start3A_148] : memref<2560x128xi32, #tpu.memory_space<hbm>> -> memref<40x128xi32, #tpu.memory_space<hbm>>
        %dma_start3A_150 = arith.constant 0 : i32
        %dma_start3A_151 = arith.constant 0 : i32
        %dma_start3A_152 = tpu.memref_slice %arg11[%dma_start3A_150, %dma_start3A_151] : memref<40x128xi32, #tpu.memory_space<vmem>> -> memref<40x128xi32, #tpu.memory_space<vmem>>
        %dma_start3A_153 = arith.constant 0 : i32
        %dma_start3A_154 = tpu.memref_slice %arg4[%add3A_124, %dma_start3A_153] : memref<2560x128xi32, #tpu.memory_space<hbm>> -> memref<40x128xi32, #tpu.memory_space<hbm>>
        tpu.enqueue_dma source(%dma_start3A_154 : memref<40x128xi32, #tpu.memory_space<hbm>>) target(%dma_start3A_152 : memref<40x128xi32, #tpu.memory_space<vmem>>) target_semaphore(%run_scoped3A : memref<!tpu.dma_semaphore, #tpu.memory_space<semaphore_mem>>)
        %dma_wait3A_155 = arith.constant 0 : i32
        %dma_wait3A_156 = arith.constant 0 : i32
        %dma_wait3A_157 = tpu.memref_slice %arg11[%dma_wait3A_155, %dma_wait3A_156] : memref<40x128xi32, #tpu.memory_space<vmem>> -> memref<40x128xi32, #tpu.memory_space<vmem>>
        %dma_wait3A_158 = arith.constant 0 : i32
        %dma_wait3A_159 = tpu.memref_slice %arg4[%add3A_124, %dma_wait3A_158] : memref<2560x128xi32, #tpu.memory_space<hbm>> -> memref<40x128xi32, #tpu.memory_space<hbm>>
        %dma_wait3A_160 = arith.constant 0 : i32
        %dma_wait3A_161 = arith.constant 0 : i32
        %dma_wait3A_162 = tpu.memref_slice %arg11[%dma_wait3A_160, %dma_wait3A_161] : memref<40x128xi32, #tpu.memory_space<vmem>> -> memref<40x128xi32, #tpu.memory_space<vmem>>
        %dma_wait3A_163 = arith.constant 0 : i32
        %dma_wait3A_164 = tpu.memref_slice %arg4[%add3A_124, %dma_wait3A_163] : memref<2560x128xi32, #tpu.memory_space<hbm>> -> memref<40x128xi32, #tpu.memory_space<hbm>>
        tpu.wait_dma2 semaphore(%run_scoped3A : memref<!tpu.dma_semaphore, #tpu.memory_space<semaphore_mem>>) src(%dma_wait3A_164 : memref<40x128xi32, #tpu.memory_space<hbm>>) dst(%dma_wait3A_162 : memref<40x128xi32, #tpu.memory_space<vmem>>)
        tpu.yield
      }) : () -> ()
      %dma_start3A_125 = arith.constant 0 : i32
      %dma_start3A_126 = arith.constant 0 : i32
      %dma_start3A_127 = tpu.memref_slice %arg10[%dma_start3A_125, %dma_start3A_126] : memref<40x128xi32, #tpu.memory_space<vmem>> -> memref<1x128xi32, #tpu.memory_space<vmem>>
      %dma_start3A_128 = tpu.memref_squeeze %dma_start3A_127 : memref<1x128xi32, #tpu.memory_space<vmem>> -> memref<128xi32, #tpu.memory_space<vmem>>
      %dma_start3A_129 = arith.constant 0 : i32
      %dma_start3A_130 = arith.constant 0 : i32
      %dma_start3A_131 = tpu.memref_slice %arg2[%dma_start3A_129, %dma_start3A_130] : memref<10000x128xf32, #tpu.memory_space<hbm>> -> memref<10000x128xf32, #tpu.memory_space<hbm>>
      tpu.enqueue_indirect_dma source(%dma_start3A_131 : memref<10000x128xf32, #tpu.memory_space<hbm>>) target(%arg12 : memref<128x128xf32, #tpu.memory_space<vmem>>) offsets(%dma_start3A_128 : memref<128xi32, #tpu.memory_space<vmem>>) semaphore(%arg15 : memref<!tpu.dma_semaphore, #tpu.memory_space<semaphore_mem>>)
      %scan3A_132 = arith.constant 0 : i32
      %scan3A_133 = arith.constant 0 : i32
      %scan3A_134 = arith.constant 20 : i32
      %scan3A_135 = arith.addi %scan3A_133, %scan3A_134 : i32
      %scan3A_136 = arith.constant 1 : i32
      scf.for %scan3A_145 = %scan3A_133 to %scan3A_135 step %scan3A_136  : i32 {
        %mul3A_146 = arith.constant 2 : i32
        %mul3A_147 = arith.muli %mul3A_146, %scan3A_145 : i32
        %add3A_148 = arith.constant 1 : i32
        %add3A_149 = arith.addi %mul3A_147, %add3A_148 : i32
        %dma_start3A_150 = arith.constant 0 : i32
        %dma_start3A_151 = tpu.memref_slice %arg10[%add3A_149, %dma_start3A_150] : memref<40x128xi32, #tpu.memory_space<vmem>> -> memref<1x128xi32, #tpu.memory_space<vmem>>
        %dma_start3A_152 = tpu.memref_squeeze %dma_start3A_151 : memref<1x128xi32, #tpu.memory_space<vmem>> -> memref<128xi32, #tpu.memory_space<vmem>>
        %dma_start3A_153 = arith.constant 0 : i32
        %dma_start3A_154 = arith.constant 0 : i32
        %dma_start3A_155 = tpu.memref_slice %arg2[%dma_start3A_153, %dma_start3A_154] : memref<10000x128xf32, #tpu.memory_space<hbm>> -> memref<10000x128xf32, #tpu.memory_space<hbm>>
        tpu.enqueue_indirect_dma source(%dma_start3A_155 : memref<10000x128xf32, #tpu.memory_space<hbm>>) target(%arg13 : memref<128x128xf32, #tpu.memory_space<vmem>>) offsets(%dma_start3A_152 : memref<128xi32, #tpu.memory_space<vmem>>) semaphore(%arg16 : memref<!tpu.dma_semaphore, #tpu.memory_space<semaphore_mem>>)
        %dma_wait3A_156 = arith.constant 0 : i32
        %dma_wait3A_157 = arith.constant 0 : i32
        %dma_wait3A_158 = tpu.memref_slice %arg10[%dma_wait3A_156, %dma_wait3A_157] : memref<40x128xi32, #tpu.memory_space<vmem>> -> memref<1x128xi32, #tpu.memory_space<vmem>>
        %dma_wait3A_159 = tpu.memref_squeeze %dma_wait3A_158 : memref<1x128xi32, #tpu.memory_space<vmem>> -> memref<128xi32, #tpu.memory_space<vmem>>
        %dma_wait3A_160 = arith.constant 0 : i32
        %dma_wait3A_161 = arith.constant 0 : i32
        %dma_wait3A_162 = tpu.memref_slice %arg2[%dma_wait3A_160, %dma_wait3A_161] : memref<10000x128xf32, #tpu.memory_space<hbm>> -> memref<10000x128xf32, #tpu.memory_space<hbm>>
        tpu.wait_indirect_dma semaphore(%arg15 : memref<!tpu.dma_semaphore, #tpu.memory_space<semaphore_mem>>) src(%dma_wait3A_162 : memref<10000x128xf32, #tpu.memory_space<hbm>>) dst(%arg12 : memref<128x128xf32, #tpu.memory_space<vmem>>)
        "tpu.region"() ({
          %run_scoped3A = tpu.sem_alloc : memref<!tpu.dma_semaphore, #tpu.memory_space<semaphore_mem>>
          %dma_start3A_181 = arith.constant 0 : i32
          %dma_start3A_182 = tpu.memref_slice %arg11[%mul3A_147, %dma_start3A_181] : memref<40x128xi32, #tpu.memory_space<vmem>> -> memref<1x128xi32, #tpu.memory_space<vmem>>
          %dma_start3A_183 = tpu.memref_squeeze %dma_start3A_182 : memref<1x128xi32, #tpu.memory_space<vmem>> -> memref<128xi32, #tpu.memory_space<vmem>>
          %dma_start3A_184 = arith.constant 0 : i32
          %dma_start3A_185 = arith.constant 0 : i32
          %dma_start3A_186 = tpu.memref_slice %arg14[%dma_start3A_184, %dma_start3A_185] : memref<10112x128xf32, #tpu.memory_space<vmem_shared>> -> memref<10112x128xf32, #tpu.memory_space<vmem_shared>>
          tpu.enqueue_indirect_dma source(%arg12 : memref<128x128xf32, #tpu.memory_space<vmem>>) target(%dma_start3A_186 : memref<10112x128xf32, #tpu.memory_space<vmem_shared>>) offsets(%dma_start3A_183 : memref<128xi32, #tpu.memory_space<vmem>>) semaphore(%run_scoped3A : memref<!tpu.dma_semaphore, #tpu.memory_space<semaphore_mem>>) {add = true}
          %dma_wait3A_187 = arith.constant 0 : i32
          %dma_wait3A_188 = tpu.memref_slice %arg11[%mul3A_147, %dma_wait3A_187] : memref<40x128xi32, #tpu.memory_space<vmem>> -> memref<1x128xi32, #tpu.memory_space<vmem>>
          %dma_wait3A_189 = tpu.memref_squeeze %dma_wait3A_188 : memref<1x128xi32, #tpu.memory_space<vmem>> -> memref<128xi32, #tpu.memory_space<vmem>>
          %dma_wait3A_190 = arith.constant 0 : i32
          %dma_wait3A_191 = arith.constant 0 : i32
          %dma_wait3A_192 = tpu.memref_slice %arg14[%dma_wait3A_190, %dma_wait3A_191] : memref<10112x128xf32, #tpu.memory_space<vmem_shared>> -> memref<10112x128xf32, #tpu.memory_space<vmem_shared>>
          tpu.wait_indirect_dma semaphore(%run_scoped3A : memref<!tpu.dma_semaphore, #tpu.memory_space<semaphore_mem>>) src(%arg12 : memref<128x128xf32, #tpu.memory_space<vmem>>) dst(%dma_wait3A_192 : memref<10112x128xf32, #tpu.memory_space<vmem_shared>>)
          tpu.yield
        }) : () -> ()
        "tpu.region"() ({
          %run_scoped3A = tpu.sem_alloc : memref<!tpu.dma_semaphore, #tpu.memory_space<semaphore_mem>>
          %dma_start3A_181 = arith.constant 0 : i32
          %dma_start3A_182 = tpu.memref_slice %arg11[%mul3A_147, %dma_start3A_181] : memref<40x128xi32, #tpu.memory_space<vmem>> -> memref<1x128xi32, #tpu.memory_space<vmem>>
          %dma_start3A_183 = tpu.memref_squeeze %dma_start3A_182 : memref<1x128xi32, #tpu.memory_space<vmem>> -> memref<128xi32, #tpu.memory_space<vmem>>
          %dma_start3A_184 = arith.constant 0 : i32
          %dma_start3A_185 = tpu.memref_slice %arg17[%dma_start3A_184] : memref<10240xf32, #tpu.memory_space<vmem_shared>> -> memref<10240xf32, #tpu.memory_space<vmem_shared>>
          tpu.enqueue_indirect_dma source(%arg18 : memref<128xf32, #tpu.memory_space<vmem>>) target(%dma_start3A_185 : memref<10240xf32, #tpu.memory_space<vmem_shared>>) offsets(%dma_start3A_183 : memref<128xi32, #tpu.memory_space<vmem>>) semaphore(%run_scoped3A : memref<!tpu.dma_semaphore, #tpu.memory_space<semaphore_mem>>) {add = true}
          %dma_wait3A_186 = arith.constant 0 : i32
          %dma_wait3A_187 = tpu.memref_slice %arg11[%mul3A_147, %dma_wait3A_186] : memref<40x128xi32, #tpu.memory_space<vmem>> -> memref<1x128xi32, #tpu.memory_space<vmem>>
          %dma_wait3A_188 = tpu.memref_squeeze %dma_wait3A_187 : memref<1x128xi32, #tpu.memory_space<vmem>> -> memref<128xi32, #tpu.memory_space<vmem>>
          %dma_wait3A_189 = arith.constant 0 : i32
          %dma_wait3A_190 = tpu.memref_slice %arg17[%dma_wait3A_189] : memref<10240xf32, #tpu.memory_space<vmem_shared>> -> memref<10240xf32, #tpu.memory_space<vmem_shared>>
          tpu.wait_indirect_dma semaphore(%run_scoped3A : memref<!tpu.dma_semaphore, #tpu.memory_space<semaphore_mem>>) src(%arg18 : memref<128xf32, #tpu.memory_space<vmem>>) dst(%dma_wait3A_190 : memref<10240xf32, #tpu.memory_space<vmem_shared>>)
          tpu.yield
        }) : () -> ()
        %add3A_163 = arith.constant 2 : i32
        %add3A_164 = arith.addi %mul3A_147, %add3A_163 : i32
        %min3A = arith.constant 39 : i32
        %min3A_165 = arith.minsi %add3A_164, %min3A : i32
        %dma_start3A_166 = arith.constant 0 : i32
        %dma_start3A_167 = tpu.memref_slice %arg10[%min3A_165, %dma_start3A_166] : memref<40x128xi32, #tpu.memory_space<vmem>> -> memref<1x128xi32, #tpu.memory_space<vmem>>
        %dma_start3A_168 = tpu.memref_squeeze %dma_start3A_167 : memref<1x128xi32, #tpu.memory_space<vmem>> -> memref<128xi32, #tpu.memory_space<vmem>>
        %dma_start3A_169 = arith.constant 0 : i32
        %dma_start3A_170 = arith.constant 0 : i32
        %dma_start3A_171 = tpu.memref_slice %arg2[%dma_start3A_169, %dma_start3A_170] : memref<10000x128xf32, #tpu.memory_space<hbm>> -> memref<10000x128xf32, #tpu.memory_space<hbm>>
        tpu.enqueue_indirect_dma source(%dma_start3A_171 : memref<10000x128xf32, #tpu.memory_space<hbm>>) target(%arg12 : memref<128x128xf32, #tpu.memory_space<vmem>>) offsets(%dma_start3A_168 : memref<128xi32, #tpu.memory_space<vmem>>) semaphore(%arg15 : memref<!tpu.dma_semaphore, #tpu.memory_space<semaphore_mem>>)
        %dma_wait3A_172 = arith.constant 0 : i32
        %dma_wait3A_173 = arith.constant 0 : i32
        %dma_wait3A_174 = tpu.memref_slice %arg10[%dma_wait3A_172, %dma_wait3A_173] : memref<40x128xi32, #tpu.memory_space<vmem>> -> memref<1x128xi32, #tpu.memory_space<vmem>>
        %dma_wait3A_175 = tpu.memref_squeeze %dma_wait3A_174 : memref<1x128xi32, #tpu.memory_space<vmem>> -> memref<128xi32, #tpu.memory_space<vmem>>
        %dma_wait3A_176 = arith.constant 0 : i32
        %dma_wait3A_177 = arith.constant 0 : i32
        %dma_wait3A_178 = tpu.memref_slice %arg2[%dma_wait3A_176, %dma_wait3A_177] : memref<10000x128xf32, #tpu.memory_space<hbm>> -> memref<10000x128xf32, #tpu.memory_space<hbm>>
        tpu.wait_indirect_dma semaphore(%arg16 : memref<!tpu.dma_semaphore, #tpu.memory_space<semaphore_mem>>) src(%dma_wait3A_178 : memref<10000x128xf32, #tpu.memory_space<hbm>>) dst(%arg13 : memref<128x128xf32, #tpu.memory_space<vmem>>)
        %add3A_179 = arith.constant 1 : i32
        %add3A_180 = arith.addi %mul3A_147, %add3A_179 : i32
        "tpu.region"() ({
          %run_scoped3A = tpu.sem_alloc : memref<!tpu.dma_semaphore, #tpu.memory_space<semaphore_mem>>
          %dma_start3A_181 = arith.constant 0 : i32
          %dma_start3A_182 = tpu.memref_slice %arg11[%add3A_180, %dma_start3A_181] : memref<40x128xi32, #tpu.memory_space<vmem>> -> memref<1x128xi32, #tpu.memory_space<vmem>>
          %dma_start3A_183 = tpu.memref_squeeze %dma_start3A_182 : memref<1x128xi32, #tpu.memory_space<vmem>> -> memref<128xi32, #tpu.memory_space<vmem>>
          %dma_start3A_184 = arith.constant 0 : i32
          %dma_start3A_185 = arith.constant 0 : i32
          %dma_start3A_186 = tpu.memref_slice %arg14[%dma_start3A_184, %dma_start3A_185] : memref<10112x128xf32, #tpu.memory_space<vmem_shared>> -> memref<10112x128xf32, #tpu.memory_space<vmem_shared>>
          tpu.enqueue_indirect_dma source(%arg13 : memref<128x128xf32, #tpu.memory_space<vmem>>) target(%dma_start3A_186 : memref<10112x128xf32, #tpu.memory_space<vmem_shared>>) offsets(%dma_start3A_183 : memref<128xi32, #tpu.memory_space<vmem>>) semaphore(%run_scoped3A : memref<!tpu.dma_semaphore, #tpu.memory_space<semaphore_mem>>) {add = true}
          %dma_wait3A_187 = arith.constant 0 : i32
          %dma_wait3A_188 = tpu.memref_slice %arg11[%add3A_180, %dma_wait3A_187] : memref<40x128xi32, #tpu.memory_space<vmem>> -> memref<1x128xi32, #tpu.memory_space<vmem>>
          %dma_wait3A_189 = tpu.memref_squeeze %dma_wait3A_188 : memref<1x128xi32, #tpu.memory_space<vmem>> -> memref<128xi32, #tpu.memory_space<vmem>>
          %dma_wait3A_190 = arith.constant 0 : i32
          %dma_wait3A_191 = arith.constant 0 : i32
          %dma_wait3A_192 = tpu.memref_slice %arg14[%dma_wait3A_190, %dma_wait3A_191] : memref<10112x128xf32, #tpu.memory_space<vmem_shared>> -> memref<10112x128xf32, #tpu.memory_space<vmem_shared>>
          tpu.wait_indirect_dma semaphore(%run_scoped3A : memref<!tpu.dma_semaphore, #tpu.memory_space<semaphore_mem>>) src(%arg13 : memref<128x128xf32, #tpu.memory_space<vmem>>) dst(%dma_wait3A_192 : memref<10112x128xf32, #tpu.memory_space<vmem_shared>>)
          tpu.yield
        }) : () -> ()
        "tpu.region"() ({
          %run_scoped3A = tpu.sem_alloc : memref<!tpu.dma_semaphore, #tpu.memory_space<semaphore_mem>>
          %dma_start3A_181 = arith.constant 0 : i32
          %dma_start3A_182 = tpu.memref_slice %arg11[%add3A_180, %dma_start3A_181] : memref<40x128xi32, #tpu.memory_space<vmem>> -> memref<1x128xi32, #tpu.memory_space<vmem>>
          %dma_start3A_183 = tpu.memref_squeeze %dma_start3A_182 : memref<1x128xi32, #tpu.memory_space<vmem>> -> memref<128xi32, #tpu.memory_space<vmem>>
          %dma_start3A_184 = arith.constant 0 : i32
          %dma_start3A_185 = tpu.memref_slice %arg17[%dma_start3A_184] : memref<10240xf32, #tpu.memory_space<vmem_shared>> -> memref<10240xf32, #tpu.memory_space<vmem_shared>>
          tpu.enqueue_indirect_dma source(%arg18 : memref<128xf32, #tpu.memory_space<vmem>>) target(%dma_start3A_185 : memref<10240xf32, #tpu.memory_space<vmem_shared>>) offsets(%dma_start3A_183 : memref<128xi32, #tpu.memory_space<vmem>>) semaphore(%run_scoped3A : memref<!tpu.dma_semaphore, #tpu.memory_space<semaphore_mem>>) {add = true}
          %dma_wait3A_186 = arith.constant 0 : i32
          %dma_wait3A_187 = tpu.memref_slice %arg11[%add3A_180, %dma_wait3A_186] : memref<40x128xi32, #tpu.memory_space<vmem>> -> memref<1x128xi32, #tpu.memory_space<vmem>>
          %dma_wait3A_188 = tpu.memref_squeeze %dma_wait3A_187 : memref<1x128xi32, #tpu.memory_space<vmem>> -> memref<128xi32, #tpu.memory_space<vmem>>
          %dma_wait3A_189 = arith.constant 0 : i32
          %dma_wait3A_190 = tpu.memref_slice %arg17[%dma_wait3A_189] : memref<10240xf32, #tpu.memory_space<vmem_shared>> -> memref<10240xf32, #tpu.memory_space<vmem_shared>>
          tpu.wait_indirect_dma semaphore(%run_scoped3A : memref<!tpu.dma_semaphore, #tpu.memory_space<semaphore_mem>>) src(%arg18 : memref<128xf32, #tpu.memory_space<vmem>>) dst(%dma_wait3A_190 : memref<10240xf32, #tpu.memory_space<vmem_shared>>)
          tpu.yield
        }) : () -> ()
      }
      %scan3A_137 = arith.constant 20 : i32
      %dma_wait3A_138 = arith.constant 0 : i32
      %dma_wait3A_139 = arith.constant 0 : i32
      %dma_wait3A_140 = tpu.memref_slice %arg10[%dma_wait3A_138, %dma_wait3A_139] : memref<40x128xi32, #tpu.memory_space<vmem>> -> memref<1x128xi32, #tpu.memory_space<vmem>>
      %dma_wait3A_141 = tpu.memref_squeeze %dma_wait3A_140 : memref<1x128xi32, #tpu.memory_space<vmem>> -> memref<128xi32, #tpu.memory_space<vmem>>
      %dma_wait3A_142 = arith.constant 0 : i32
      %dma_wait3A_143 = arith.constant 0 : i32
      %dma_wait3A_144 = tpu.memref_slice %arg2[%dma_wait3A_142, %dma_wait3A_143] : memref<10000x128xf32, #tpu.memory_space<hbm>> -> memref<10000x128xf32, #tpu.memory_space<hbm>>
      tpu.wait_indirect_dma semaphore(%arg15 : memref<!tpu.dma_semaphore, #tpu.memory_space<semaphore_mem>>) src(%dma_wait3A_144 : memref<10000x128xf32, #tpu.memory_space<hbm>>) dst(%arg12 : memref<128x128xf32, #tpu.memory_space<vmem>>)
    } else {
    }
    %eq3A_55 = arith.constant 1 : i32
    %eq3A_56 = arith.cmpi eq, %arg0, %eq3A_55 : i32
    %convert_element_type3A_57 = arith.extui %eq3A_56 : i1 to i32
    %cond3A_58 = arith.constant 0 : i32
    %cond3A_59 = arith.cmpi ne, %convert_element_type3A_57, %cond3A_58 : i32
    scf.if %cond3A_59 {
      %mul3A_75 = arith.constant 40 : i32
      %mul3A_76 = arith.muli %arg1, %mul3A_75 : i32
      %add3A = arith.constant 1920 : i32
      %add3A_77 = arith.addi %add3A, %mul3A_76 : i32
      %add3A_78 = arith.constant 0 : i32
      %add3A_79 = arith.addi %add3A_77, %add3A_78 : i32
      "tpu.region"() ({
        %run_scoped3A = tpu.sem_alloc : memref<!tpu.dma_semaphore, #tpu.memory_space<semaphore_mem>>
        %dma_start3A_99 = arith.constant 0 : i32
        %dma_start3A_100 = arith.constant 0 : i32
        %dma_start3A_101 = tpu.memref_slice %arg10[%dma_start3A_99, %dma_start3A_100] : memref<40x128xi32, #tpu.memory_space<vmem>> -> memref<40x128xi32, #tpu.memory_space<vmem>>
        %dma_start3A_102 = arith.constant 0 : i32
        %dma_start3A_103 = tpu.memref_slice %arg3[%add3A_79, %dma_start3A_102] : memref<2560x128xi32, #tpu.memory_space<hbm>> -> memref<40x128xi32, #tpu.memory_space<hbm>>
        %dma_start3A_104 = arith.constant 0 : i32
        %dma_start3A_105 = arith.constant 0 : i32
        %dma_start3A_106 = tpu.memref_slice %arg10[%dma_start3A_104, %dma_start3A_105] : memref<40x128xi32, #tpu.memory_space<vmem>> -> memref<40x128xi32, #tpu.memory_space<vmem>>
        %dma_start3A_107 = arith.constant 0 : i32
        %dma_start3A_108 = tpu.memref_slice %arg3[%add3A_79, %dma_start3A_107] : memref<2560x128xi32, #tpu.memory_space<hbm>> -> memref<40x128xi32, #tpu.memory_space<hbm>>
        tpu.enqueue_dma source(%dma_start3A_108 : memref<40x128xi32, #tpu.memory_space<hbm>>) target(%dma_start3A_106 : memref<40x128xi32, #tpu.memory_space<vmem>>) target_semaphore(%run_scoped3A : memref<!tpu.dma_semaphore, #tpu.memory_space<semaphore_mem>>)
        %dma_wait3A_109 = arith.constant 0 : i32
        %dma_wait3A_110 = arith.constant 0 : i32
        %dma_wait3A_111 = tpu.memref_slice %arg10[%dma_wait3A_109, %dma_wait3A_110] : memref<40x128xi32, #tpu.memory_space<vmem>> -> memref<40x128xi32, #tpu.memory_space<vmem>>
        %dma_wait3A_112 = arith.constant 0 : i32
        %dma_wait3A_113 = tpu.memref_slice %arg3[%add3A_79, %dma_wait3A_112] : memref<2560x128xi32, #tpu.memory_space<hbm>> -> memref<40x128xi32, #tpu.memory_space<hbm>>
        %dma_wait3A_114 = arith.constant 0 : i32
        %dma_wait3A_115 = arith.constant 0 : i32
        %dma_wait3A_116 = tpu.memref_slice %arg10[%dma_wait3A_114, %dma_wait3A_115] : memref<40x128xi32, #tpu.memory_space<vmem>> -> memref<40x128xi32, #tpu.memory_space<vmem>>
        %dma_wait3A_117 = arith.constant 0 : i32
        %dma_wait3A_118 = tpu.memref_slice %arg3[%add3A_79, %dma_wait3A_117] : memref<2560x128xi32, #tpu.memory_space<hbm>> -> memref<40x128xi32, #tpu.memory_space<hbm>>
        tpu.wait_dma2 semaphore(%run_scoped3A : memref<!tpu.dma_semaphore, #tpu.memory_space<semaphore_mem>>) src(%dma_wait3A_118 : memref<40x128xi32, #tpu.memory_space<hbm>>) dst(%dma_wait3A_116 : memref<40x128xi32, #tpu.memory_space<vmem>>)
        tpu.yield
      }) : () -> ()
      %add3A_80 = arith.constant 0 : i32
      %add3A_81 = arith.addi %add3A_77, %add3A_80 : i32
      "tpu.region"() ({
        %run_scoped3A = tpu.sem_alloc : memref<!tpu.dma_semaphore, #tpu.memory_space<semaphore_mem>>
        %dma_start3A_99 = arith.constant 0 : i32
        %dma_start3A_100 = arith.constant 0 : i32
        %dma_start3A_101 = tpu.memref_slice %arg11[%dma_start3A_99, %dma_start3A_100] : memref<40x128xi32, #tpu.memory_space<vmem>> -> memref<40x128xi32, #tpu.memory_space<vmem>>
        %dma_start3A_102 = arith.constant 0 : i32
        %dma_start3A_103 = tpu.memref_slice %arg4[%add3A_81, %dma_start3A_102] : memref<2560x128xi32, #tpu.memory_space<hbm>> -> memref<40x128xi32, #tpu.memory_space<hbm>>
        %dma_start3A_104 = arith.constant 0 : i32
        %dma_start3A_105 = arith.constant 0 : i32
        %dma_start3A_106 = tpu.memref_slice %arg11[%dma_start3A_104, %dma_start3A_105] : memref<40x128xi32, #tpu.memory_space<vmem>> -> memref<40x128xi32, #tpu.memory_space<vmem>>
        %dma_start3A_107 = arith.constant 0 : i32
        %dma_start3A_108 = tpu.memref_slice %arg4[%add3A_81, %dma_start3A_107] : memref<2560x128xi32, #tpu.memory_space<hbm>> -> memref<40x128xi32, #tpu.memory_space<hbm>>
        tpu.enqueue_dma source(%dma_start3A_108 : memref<40x128xi32, #tpu.memory_space<hbm>>) target(%dma_start3A_106 : memref<40x128xi32, #tpu.memory_space<vmem>>) target_semaphore(%run_scoped3A : memref<!tpu.dma_semaphore, #tpu.memory_space<semaphore_mem>>)
        %dma_wait3A_109 = arith.constant 0 : i32
        %dma_wait3A_110 = arith.constant 0 : i32
        %dma_wait3A_111 = tpu.memref_slice %arg11[%dma_wait3A_109, %dma_wait3A_110] : memref<40x128xi32, #tpu.memory_space<vmem>> -> memref<40x128xi32, #tpu.memory_space<vmem>>
        %dma_wait3A_112 = arith.constant 0 : i32
        %dma_wait3A_113 = tpu.memref_slice %arg4[%add3A_81, %dma_wait3A_112] : memref<2560x128xi32, #tpu.memory_space<hbm>> -> memref<40x128xi32, #tpu.memory_space<hbm>>
        %dma_wait3A_114 = arith.constant 0 : i32
        %dma_wait3A_115 = arith.constant 0 : i32
        %dma_wait3A_116 = tpu.memref_slice %arg11[%dma_wait3A_114, %dma_wait3A_115] : memref<40x128xi32, #tpu.memory_space<vmem>> -> memref<40x128xi32, #tpu.memory_space<vmem>>
        %dma_wait3A_117 = arith.constant 0 : i32
        %dma_wait3A_118 = tpu.memref_slice %arg4[%add3A_81, %dma_wait3A_117] : memref<2560x128xi32, #tpu.memory_space<hbm>> -> memref<40x128xi32, #tpu.memory_space<hbm>>
        tpu.wait_dma2 semaphore(%run_scoped3A : memref<!tpu.dma_semaphore, #tpu.memory_space<semaphore_mem>>) src(%dma_wait3A_118 : memref<40x128xi32, #tpu.memory_space<hbm>>) dst(%dma_wait3A_116 : memref<40x128xi32, #tpu.memory_space<vmem>>)
        tpu.yield
      }) : () -> ()
      %dma_start3A = arith.constant 0 : i32
      %dma_start3A_82 = arith.constant 0 : i32
      %dma_start3A_83 = tpu.memref_slice %arg10[%dma_start3A, %dma_start3A_82] : memref<40x128xi32, #tpu.memory_space<vmem>> -> memref<1x128xi32, #tpu.memory_space<vmem>>
      %dma_start3A_84 = tpu.memref_squeeze %dma_start3A_83 : memref<1x128xi32, #tpu.memory_space<vmem>> -> memref<128xi32, #tpu.memory_space<vmem>>
      %dma_start3A_85 = arith.constant 0 : i32
      %dma_start3A_86 = arith.constant 0 : i32
      %dma_start3A_87 = tpu.memref_slice %arg2[%dma_start3A_85, %dma_start3A_86] : memref<10000x128xf32, #tpu.memory_space<hbm>> -> memref<10000x128xf32, #tpu.memory_space<hbm>>
      tpu.enqueue_indirect_dma source(%dma_start3A_87 : memref<10000x128xf32, #tpu.memory_space<hbm>>) target(%arg12 : memref<128x128xf32, #tpu.memory_space<vmem>>) offsets(%dma_start3A_84 : memref<128xi32, #tpu.memory_space<vmem>>) semaphore(%arg15 : memref<!tpu.dma_semaphore, #tpu.memory_space<semaphore_mem>>)
      %scan3A = arith.constant 0 : i32
      %scan3A_88 = arith.constant 0 : i32
      %scan3A_89 = arith.constant 20 : i32
      %scan3A_90 = arith.addi %scan3A_88, %scan3A_89 : i32
      %scan3A_91 = arith.constant 1 : i32
      scf.for %scan3A_99 = %scan3A_88 to %scan3A_90 step %scan3A_91  : i32 {
        %mul3A_100 = arith.constant 2 : i32
        %mul3A_101 = arith.muli %mul3A_100, %scan3A_99 : i32
        %add3A_102 = arith.constant 1 : i32
        %add3A_103 = arith.addi %mul3A_101, %add3A_102 : i32
        %dma_start3A_104 = arith.constant 0 : i32
        %dma_start3A_105 = tpu.memref_slice %arg10[%add3A_103, %dma_start3A_104] : memref<40x128xi32, #tpu.memory_space<vmem>> -> memref<1x128xi32, #tpu.memory_space<vmem>>
        %dma_start3A_106 = tpu.memref_squeeze %dma_start3A_105 : memref<1x128xi32, #tpu.memory_space<vmem>> -> memref<128xi32, #tpu.memory_space<vmem>>
        %dma_start3A_107 = arith.constant 0 : i32
        %dma_start3A_108 = arith.constant 0 : i32
        %dma_start3A_109 = tpu.memref_slice %arg2[%dma_start3A_107, %dma_start3A_108] : memref<10000x128xf32, #tpu.memory_space<hbm>> -> memref<10000x128xf32, #tpu.memory_space<hbm>>
        tpu.enqueue_indirect_dma source(%dma_start3A_109 : memref<10000x128xf32, #tpu.memory_space<hbm>>) target(%arg13 : memref<128x128xf32, #tpu.memory_space<vmem>>) offsets(%dma_start3A_106 : memref<128xi32, #tpu.memory_space<vmem>>) semaphore(%arg16 : memref<!tpu.dma_semaphore, #tpu.memory_space<semaphore_mem>>)
        %dma_wait3A_110 = arith.constant 0 : i32
        %dma_wait3A_111 = arith.constant 0 : i32
        %dma_wait3A_112 = tpu.memref_slice %arg10[%dma_wait3A_110, %dma_wait3A_111] : memref<40x128xi32, #tpu.memory_space<vmem>> -> memref<1x128xi32, #tpu.memory_space<vmem>>
        %dma_wait3A_113 = tpu.memref_squeeze %dma_wait3A_112 : memref<1x128xi32, #tpu.memory_space<vmem>> -> memref<128xi32, #tpu.memory_space<vmem>>
        %dma_wait3A_114 = arith.constant 0 : i32
        %dma_wait3A_115 = arith.constant 0 : i32
        %dma_wait3A_116 = tpu.memref_slice %arg2[%dma_wait3A_114, %dma_wait3A_115] : memref<10000x128xf32, #tpu.memory_space<hbm>> -> memref<10000x128xf32, #tpu.memory_space<hbm>>
        tpu.wait_indirect_dma semaphore(%arg15 : memref<!tpu.dma_semaphore, #tpu.memory_space<semaphore_mem>>) src(%dma_wait3A_116 : memref<10000x128xf32, #tpu.memory_space<hbm>>) dst(%arg12 : memref<128x128xf32, #tpu.memory_space<vmem>>)
        "tpu.region"() ({
          %run_scoped3A = tpu.sem_alloc : memref<!tpu.dma_semaphore, #tpu.memory_space<semaphore_mem>>
          %dma_start3A_135 = arith.constant 0 : i32
          %dma_start3A_136 = tpu.memref_slice %arg11[%mul3A_101, %dma_start3A_135] : memref<40x128xi32, #tpu.memory_space<vmem>> -> memref<1x128xi32, #tpu.memory_space<vmem>>
          %dma_start3A_137 = tpu.memref_squeeze %dma_start3A_136 : memref<1x128xi32, #tpu.memory_space<vmem>> -> memref<128xi32, #tpu.memory_space<vmem>>
          %dma_start3A_138 = arith.constant 0 : i32
          %dma_start3A_139 = arith.constant 0 : i32
          %dma_start3A_140 = tpu.memref_slice %arg14[%dma_start3A_138, %dma_start3A_139] : memref<10112x128xf32, #tpu.memory_space<vmem_shared>> -> memref<10112x128xf32, #tpu.memory_space<vmem_shared>>
          tpu.enqueue_indirect_dma source(%arg12 : memref<128x128xf32, #tpu.memory_space<vmem>>) target(%dma_start3A_140 : memref<10112x128xf32, #tpu.memory_space<vmem_shared>>) offsets(%dma_start3A_137 : memref<128xi32, #tpu.memory_space<vmem>>) semaphore(%run_scoped3A : memref<!tpu.dma_semaphore, #tpu.memory_space<semaphore_mem>>) {add = true}
          %dma_wait3A_141 = arith.constant 0 : i32
          %dma_wait3A_142 = tpu.memref_slice %arg11[%mul3A_101, %dma_wait3A_141] : memref<40x128xi32, #tpu.memory_space<vmem>> -> memref<1x128xi32, #tpu.memory_space<vmem>>
          %dma_wait3A_143 = tpu.memref_squeeze %dma_wait3A_142 : memref<1x128xi32, #tpu.memory_space<vmem>> -> memref<128xi32, #tpu.memory_space<vmem>>
          %dma_wait3A_144 = arith.constant 0 : i32
          %dma_wait3A_145 = arith.constant 0 : i32
          %dma_wait3A_146 = tpu.memref_slice %arg14[%dma_wait3A_144, %dma_wait3A_145] : memref<10112x128xf32, #tpu.memory_space<vmem_shared>> -> memref<10112x128xf32, #tpu.memory_space<vmem_shared>>
          tpu.wait_indirect_dma semaphore(%run_scoped3A : memref<!tpu.dma_semaphore, #tpu.memory_space<semaphore_mem>>) src(%arg12 : memref<128x128xf32, #tpu.memory_space<vmem>>) dst(%dma_wait3A_146 : memref<10112x128xf32, #tpu.memory_space<vmem_shared>>)
          tpu.yield
        }) : () -> ()
        "tpu.region"() ({
          %run_scoped3A = tpu.sem_alloc : memref<!tpu.dma_semaphore, #tpu.memory_space<semaphore_mem>>
          %dma_start3A_135 = arith.constant 0 : i32
          %dma_start3A_136 = tpu.memref_slice %arg11[%mul3A_101, %dma_start3A_135] : memref<40x128xi32, #tpu.memory_space<vmem>> -> memref<1x128xi32, #tpu.memory_space<vmem>>
          %dma_start3A_137 = tpu.memref_squeeze %dma_start3A_136 : memref<1x128xi32, #tpu.memory_space<vmem>> -> memref<128xi32, #tpu.memory_space<vmem>>
          %dma_start3A_138 = arith.constant 0 : i32
          %dma_start3A_139 = tpu.memref_slice %arg17[%dma_start3A_138] : memref<10240xf32, #tpu.memory_space<vmem_shared>> -> memref<10240xf32, #tpu.memory_space<vmem_shared>>
          tpu.enqueue_indirect_dma source(%arg18 : memref<128xf32, #tpu.memory_space<vmem>>) target(%dma_start3A_139 : memref<10240xf32, #tpu.memory_space<vmem_shared>>) offsets(%dma_start3A_137 : memref<128xi32, #tpu.memory_space<vmem>>) semaphore(%run_scoped3A : memref<!tpu.dma_semaphore, #tpu.memory_space<semaphore_mem>>) {add = true}
          %dma_wait3A_140 = arith.constant 0 : i32
          %dma_wait3A_141 = tpu.memref_slice %arg11[%mul3A_101, %dma_wait3A_140] : memref<40x128xi32, #tpu.memory_space<vmem>> -> memref<1x128xi32, #tpu.memory_space<vmem>>
          %dma_wait3A_142 = tpu.memref_squeeze %dma_wait3A_141 : memref<1x128xi32, #tpu.memory_space<vmem>> -> memref<128xi32, #tpu.memory_space<vmem>>
          %dma_wait3A_143 = arith.constant 0 : i32
          %dma_wait3A_144 = tpu.memref_slice %arg17[%dma_wait3A_143] : memref<10240xf32, #tpu.memory_space<vmem_shared>> -> memref<10240xf32, #tpu.memory_space<vmem_shared>>
          tpu.wait_indirect_dma semaphore(%run_scoped3A : memref<!tpu.dma_semaphore, #tpu.memory_space<semaphore_mem>>) src(%arg18 : memref<128xf32, #tpu.memory_space<vmem>>) dst(%dma_wait3A_144 : memref<10240xf32, #tpu.memory_space<vmem_shared>>)
          tpu.yield
        }) : () -> ()
        %add3A_117 = arith.constant 2 : i32
        %add3A_118 = arith.addi %mul3A_101, %add3A_117 : i32
        %min3A = arith.constant 39 : i32
        %min3A_119 = arith.minsi %add3A_118, %min3A : i32
        %dma_start3A_120 = arith.constant 0 : i32
        %dma_start3A_121 = tpu.memref_slice %arg10[%min3A_119, %dma_start3A_120] : memref<40x128xi32, #tpu.memory_space<vmem>> -> memref<1x128xi32, #tpu.memory_space<vmem>>
        %dma_start3A_122 = tpu.memref_squeeze %dma_start3A_121 : memref<1x128xi32, #tpu.memory_space<vmem>> -> memref<128xi32, #tpu.memory_space<vmem>>
        %dma_start3A_123 = arith.constant 0 : i32
        %dma_start3A_124 = arith.constant 0 : i32
        %dma_start3A_125 = tpu.memref_slice %arg2[%dma_start3A_123, %dma_start3A_124] : memref<10000x128xf32, #tpu.memory_space<hbm>> -> memref<10000x128xf32, #tpu.memory_space<hbm>>
        tpu.enqueue_indirect_dma source(%dma_start3A_125 : memref<10000x128xf32, #tpu.memory_space<hbm>>) target(%arg12 : memref<128x128xf32, #tpu.memory_space<vmem>>) offsets(%dma_start3A_122 : memref<128xi32, #tpu.memory_space<vmem>>) semaphore(%arg15 : memref<!tpu.dma_semaphore, #tpu.memory_space<semaphore_mem>>)
        %dma_wait3A_126 = arith.constant 0 : i32
        %dma_wait3A_127 = arith.constant 0 : i32
        %dma_wait3A_128 = tpu.memref_slice %arg10[%dma_wait3A_126, %dma_wait3A_127] : memref<40x128xi32, #tpu.memory_space<vmem>> -> memref<1x128xi32, #tpu.memory_space<vmem>>
        %dma_wait3A_129 = tpu.memref_squeeze %dma_wait3A_128 : memref<1x128xi32, #tpu.memory_space<vmem>> -> memref<128xi32, #tpu.memory_space<vmem>>
        %dma_wait3A_130 = arith.constant 0 : i32
        %dma_wait3A_131 = arith.constant 0 : i32
        %dma_wait3A_132 = tpu.memref_slice %arg2[%dma_wait3A_130, %dma_wait3A_131] : memref<10000x128xf32, #tpu.memory_space<hbm>> -> memref<10000x128xf32, #tpu.memory_space<hbm>>
        tpu.wait_indirect_dma semaphore(%arg16 : memref<!tpu.dma_semaphore, #tpu.memory_space<semaphore_mem>>) src(%dma_wait3A_132 : memref<10000x128xf32, #tpu.memory_space<hbm>>) dst(%arg13 : memref<128x128xf32, #tpu.memory_space<vmem>>)
        %add3A_133 = arith.constant 1 : i32
        %add3A_134 = arith.addi %mul3A_101, %add3A_133 : i32
        "tpu.region"() ({
          %run_scoped3A = tpu.sem_alloc : memref<!tpu.dma_semaphore, #tpu.memory_space<semaphore_mem>>
          %dma_start3A_135 = arith.constant 0 : i32
          %dma_start3A_136 = tpu.memref_slice %arg11[%add3A_134, %dma_start3A_135] : memref<40x128xi32, #tpu.memory_space<vmem>> -> memref<1x128xi32, #tpu.memory_space<vmem>>
          %dma_start3A_137 = tpu.memref_squeeze %dma_start3A_136 : memref<1x128xi32, #tpu.memory_space<vmem>> -> memref<128xi32, #tpu.memory_space<vmem>>
          %dma_start3A_138 = arith.constant 0 : i32
          %dma_start3A_139 = arith.constant 0 : i32
          %dma_start3A_140 = tpu.memref_slice %arg14[%dma_start3A_138, %dma_start3A_139] : memref<10112x128xf32, #tpu.memory_space<vmem_shared>> -> memref<10112x128xf32, #tpu.memory_space<vmem_shared>>
          tpu.enqueue_indirect_dma source(%arg13 : memref<128x128xf32, #tpu.memory_space<vmem>>) target(%dma_start3A_140 : memref<10112x128xf32, #tpu.memory_space<vmem_shared>>) offsets(%dma_start3A_137 : memref<128xi32, #tpu.memory_space<vmem>>) semaphore(%run_scoped3A : memref<!tpu.dma_semaphore, #tpu.memory_space<semaphore_mem>>) {add = true}
          %dma_wait3A_141 = arith.constant 0 : i32
          %dma_wait3A_142 = tpu.memref_slice %arg11[%add3A_134, %dma_wait3A_141] : memref<40x128xi32, #tpu.memory_space<vmem>> -> memref<1x128xi32, #tpu.memory_space<vmem>>
          %dma_wait3A_143 = tpu.memref_squeeze %dma_wait3A_142 : memref<1x128xi32, #tpu.memory_space<vmem>> -> memref<128xi32, #tpu.memory_space<vmem>>
          %dma_wait3A_144 = arith.constant 0 : i32
          %dma_wait3A_145 = arith.constant 0 : i32
          %dma_wait3A_146 = tpu.memref_slice %arg14[%dma_wait3A_144, %dma_wait3A_145] : memref<10112x128xf32, #tpu.memory_space<vmem_shared>> -> memref<10112x128xf32, #tpu.memory_space<vmem_shared>>
          tpu.wait_indirect_dma semaphore(%run_scoped3A : memref<!tpu.dma_semaphore, #tpu.memory_space<semaphore_mem>>) src(%arg13 : memref<128x128xf32, #tpu.memory_space<vmem>>) dst(%dma_wait3A_146 : memref<10112x128xf32, #tpu.memory_space<vmem_shared>>)
          tpu.yield
        }) : () -> ()
        "tpu.region"() ({
          %run_scoped3A = tpu.sem_alloc : memref<!tpu.dma_semaphore, #tpu.memory_space<semaphore_mem>>
          %dma_start3A_135 = arith.constant 0 : i32
          %dma_start3A_136 = tpu.memref_slice %arg11[%add3A_134, %dma_start3A_135] : memref<40x128xi32, #tpu.memory_space<vmem>> -> memref<1x128xi32, #tpu.memory_space<vmem>>
          %dma_start3A_137 = tpu.memref_squeeze %dma_start3A_136 : memref<1x128xi32, #tpu.memory_space<vmem>> -> memref<128xi32, #tpu.memory_space<vmem>>
          %dma_start3A_138 = arith.constant 0 : i32
          %dma_start3A_139 = tpu.memref_slice %arg17[%dma_start3A_138] : memref<10240xf32, #tpu.memory_space<vmem_shared>> -> memref<10240xf32, #tpu.memory_space<vmem_shared>>
          tpu.enqueue_indirect_dma source(%arg18 : memref<128xf32, #tpu.memory_space<vmem>>) target(%dma_start3A_139 : memref<10240xf32, #tpu.memory_space<vmem_shared>>) offsets(%dma_start3A_137 : memref<128xi32, #tpu.memory_space<vmem>>) semaphore(%run_scoped3A : memref<!tpu.dma_semaphore, #tpu.memory_space<semaphore_mem>>) {add = true}
          %dma_wait3A_140 = arith.constant 0 : i32
          %dma_wait3A_141 = tpu.memref_slice %arg11[%add3A_134, %dma_wait3A_140] : memref<40x128xi32, #tpu.memory_space<vmem>> -> memref<1x128xi32, #tpu.memory_space<vmem>>
          %dma_wait3A_142 = tpu.memref_squeeze %dma_wait3A_141 : memref<1x128xi32, #tpu.memory_space<vmem>> -> memref<128xi32, #tpu.memory_space<vmem>>
          %dma_wait3A_143 = arith.constant 0 : i32
          %dma_wait3A_144 = tpu.memref_slice %arg17[%dma_wait3A_143] : memref<10240xf32, #tpu.memory_space<vmem_shared>> -> memref<10240xf32, #tpu.memory_space<vmem_shared>>
          tpu.wait_indirect_dma semaphore(%run_scoped3A : memref<!tpu.dma_semaphore, #tpu.memory_space<semaphore_mem>>) src(%arg18 : memref<128xf32, #tpu.memory_space<vmem>>) dst(%dma_wait3A_144 : memref<10240xf32, #tpu.memory_space<vmem_shared>>)
          tpu.yield
        }) : () -> ()
      }
      %scan3A_92 = arith.constant 20 : i32
      %dma_wait3A = arith.constant 0 : i32
      %dma_wait3A_93 = arith.constant 0 : i32
      %dma_wait3A_94 = tpu.memref_slice %arg10[%dma_wait3A, %dma_wait3A_93] : memref<40x128xi32, #tpu.memory_space<vmem>> -> memref<1x128xi32, #tpu.memory_space<vmem>>
      %dma_wait3A_95 = tpu.memref_squeeze %dma_wait3A_94 : memref<1x128xi32, #tpu.memory_space<vmem>> -> memref<128xi32, #tpu.memory_space<vmem>>
      %dma_wait3A_96 = arith.constant 0 : i32
      %dma_wait3A_97 = arith.constant 0 : i32
      %dma_wait3A_98 = tpu.memref_slice %arg2[%dma_wait3A_96, %dma_wait3A_97] : memref<10000x128xf32, #tpu.memory_space<hbm>> -> memref<10000x128xf32, #tpu.memory_space<hbm>>
      tpu.wait_indirect_dma semaphore(%arg15 : memref<!tpu.dma_semaphore, #tpu.memory_space<semaphore_mem>>) src(%dma_wait3A_98 : memref<10000x128xf32, #tpu.memory_space<hbm>>) dst(%arg12 : memref<128x128xf32, #tpu.memory_space<vmem>>)
    } else {
    }
    %barrier3A_60 = arith.constant 0 : index
    tpu.barrier barrier_id(%barrier3A_60)
    %mul3A_61 = arith.constant 632 : i32
    %mul3A_62 = arith.muli %arg1, %mul3A_61 : i32
    %mul3A_63 = arith.constant 632 : i32
    %mul3A_64 = arith.muli %arg1, %mul3A_63 : i32
    "tpu.region"() ({
      %run_scoped3A = tpu.sem_alloc : memref<!tpu.dma_semaphore, #tpu.memory_space<semaphore_mem>>
      %dma_start3A = arith.constant 0 : i32
      %dma_start3A_75 = tpu.memref_slice %arg7[%arg0, %mul3A_64, %dma_start3A] : memref<2x10112x128xf32, #tpu.memory_space<hbm>> -> memref<1x632x128xf32, #tpu.memory_space<hbm>>
      %dma_start3A_76 = tpu.memref_squeeze %dma_start3A_75 : memref<1x632x128xf32, #tpu.memory_space<hbm>> -> memref<632x128xf32, #tpu.memory_space<hbm>>
      %dma_start3A_77 = arith.constant 0 : i32
      %dma_start3A_78 = tpu.memref_slice %arg14[%mul3A_62, %dma_start3A_77] : memref<10112x128xf32, #tpu.memory_space<vmem_shared>> -> memref<632x128xf32, #tpu.memory_space<vmem_shared>>
      tpu.enqueue_dma source(%dma_start3A_78 : memref<632x128xf32, #tpu.memory_space<vmem_shared>>) target(%dma_start3A_76 : memref<632x128xf32, #tpu.memory_space<hbm>>) target_semaphore(%run_scoped3A : memref<!tpu.dma_semaphore, #tpu.memory_space<semaphore_mem>>)
      %dma_wait3A = arith.constant 0 : i32
      %dma_wait3A_79 = tpu.memref_slice %arg7[%arg0, %mul3A_64, %dma_wait3A] : memref<2x10112x128xf32, #tpu.memory_space<hbm>> -> memref<1x632x128xf32, #tpu.memory_space<hbm>>
      %dma_wait3A_80 = tpu.memref_squeeze %dma_wait3A_79 : memref<1x632x128xf32, #tpu.memory_space<hbm>> -> memref<632x128xf32, #tpu.memory_space<hbm>>
      %dma_wait3A_81 = arith.constant 0 : i32
      %dma_wait3A_82 = tpu.memref_slice %arg14[%mul3A_62, %dma_wait3A_81] : memref<10112x128xf32, #tpu.memory_space<vmem_shared>> -> memref<632x128xf32, #tpu.memory_space<vmem_shared>>
      tpu.wait_dma2 semaphore(%run_scoped3A : memref<!tpu.dma_semaphore, #tpu.memory_space<semaphore_mem>>) src(%dma_wait3A_82 : memref<632x128xf32, #tpu.memory_space<vmem_shared>>) dst(%dma_wait3A_80 : memref<632x128xf32, #tpu.memory_space<hbm>>)
      tpu.yield
    }) : () -> ()
    %eq3A_65 = arith.constant 0 : i32
    %eq3A_66 = arith.cmpi eq, %arg0, %eq3A_65 : i32
    %convert_element_type3A_67 = arith.extui %eq3A_66 : i1 to i32
    %cond3A_68 = arith.constant 0 : i32
    %cond3A_69 = arith.cmpi ne, %convert_element_type3A_67, %cond3A_68 : i32
    scf.if %cond3A_69 {
      %mul3A_75 = arith.constant 640 : i32
      %mul3A_76 = arith.muli %arg1, %mul3A_75 : i32
      %mul3A_77 = arith.constant 640 : i32
      %mul3A_78 = arith.muli %arg1, %mul3A_77 : i32
      "tpu.region"() ({
        %run_scoped3A = tpu.sem_alloc : memref<!tpu.dma_semaphore, #tpu.memory_space<semaphore_mem>>
        %dma_start3A = tpu.memref_slice %arg8[%mul3A_78] : memref<10240xf32, #tpu.memory_space<hbm>> -> memref<640xf32, #tpu.memory_space<hbm>>
        %dma_start3A_79 = tpu.memref_slice %arg17[%mul3A_76] : memref<10240xf32, #tpu.memory_space<vmem_shared>> -> memref<640xf32, #tpu.memory_space<vmem_shared>>
        tpu.enqueue_dma source(%dma_start3A_79 : memref<640xf32, #tpu.memory_space<vmem_shared>>) target(%dma_start3A : memref<640xf32, #tpu.memory_space<hbm>>) target_semaphore(%run_scoped3A : memref<!tpu.dma_semaphore, #tpu.memory_space<semaphore_mem>>)
        %dma_wait3A = tpu.memref_slice %arg8[%mul3A_78] : memref<10240xf32, #tpu.memory_space<hbm>> -> memref<640xf32, #tpu.memory_space<hbm>>
        %dma_wait3A_80 = tpu.memref_slice %arg17[%mul3A_76] : memref<10240xf32, #tpu.memory_space<vmem_shared>> -> memref<640xf32, #tpu.memory_space<vmem_shared>>
        tpu.wait_dma2 semaphore(%run_scoped3A : memref<!tpu.dma_semaphore, #tpu.memory_space<semaphore_mem>>) src(%dma_wait3A_80 : memref<640xf32, #tpu.memory_space<vmem_shared>>) dst(%dma_wait3A : memref<640xf32, #tpu.memory_space<hbm>>)
        tpu.yield
      }) : () -> ()
    } else {
    }
    %eq3A_70 = arith.constant 1 : i32
    %eq3A_71 = arith.cmpi eq, %arg0, %eq3A_70 : i32
    %convert_element_type3A_72 = arith.extui %eq3A_71 : i1 to i32
    %cond3A_73 = arith.constant 0 : i32
    %cond3A_74 = arith.cmpi ne, %convert_element_type3A_72, %cond3A_73 : i32
    scf.if %cond3A_74 {
      %mul3A_75 = arith.constant 640 : i32
      %mul3A_76 = arith.muli %arg1, %mul3A_75 : i32
      %mul3A_77 = arith.constant 640 : i32
      %mul3A_78 = arith.muli %arg1, %mul3A_77 : i32
      "tpu.region"() ({
        %run_scoped3A = tpu.sem_alloc : memref<!tpu.dma_semaphore, #tpu.memory_space<semaphore_mem>>
        %dma_start3A = tpu.memref_slice %arg9[%mul3A_78] : memref<10240xf32, #tpu.memory_space<hbm>> -> memref<640xf32, #tpu.memory_space<hbm>>
        %dma_start3A_79 = tpu.memref_slice %arg17[%mul3A_76] : memref<10240xf32, #tpu.memory_space<vmem_shared>> -> memref<640xf32, #tpu.memory_space<vmem_shared>>
        tpu.enqueue_dma source(%dma_start3A_79 : memref<640xf32, #tpu.memory_space<vmem_shared>>) target(%dma_start3A : memref<640xf32, #tpu.memory_space<hbm>>) target_semaphore(%run_scoped3A : memref<!tpu.dma_semaphore, #tpu.memory_space<semaphore_mem>>)
        %dma_wait3A = tpu.memref_slice %arg9[%mul3A_78] : memref<10240xf32, #tpu.memory_space<hbm>> -> memref<640xf32, #tpu.memory_space<hbm>>
        %dma_wait3A_80 = tpu.memref_slice %arg17[%mul3A_76] : memref<10240xf32, #tpu.memory_space<vmem_shared>> -> memref<640xf32, #tpu.memory_space<vmem_shared>>
        tpu.wait_dma2 semaphore(%run_scoped3A : memref<!tpu.dma_semaphore, #tpu.memory_space<semaphore_mem>>) src(%dma_wait3A_80 : memref<640xf32, #tpu.memory_space<vmem_shared>>) dst(%dma_wait3A : memref<640xf32, #tpu.memory_space<hbm>>)
        tpu.yield
      }) : () -> ()
    } else {
    }
    return
  }
}

#map = affine_map<(d0, d1) -> (0, 0)>
#map1 = affine_map<(d0, d1) -> (0)>
#map2 = affine_map<(d0, d1) -> (0, 0, 0)>
module attributes {stable_mosaic.version = 14 : i64} {
  func.func @agg(%arg0: i32, %arg1: i32, %arg2: memref<10000x128xf32, #tpu.memory_space<hbm>>, %arg3: memref<2560x128xi32, #tpu.memory_space<hbm>>, %arg4: memref<2560x128xi32, #tpu.memory_space<hbm>>, %arg5: memref<10112x128xf32, #tpu.memory_space<hbm>>, %arg6: memref<10240xf32, #tpu.memory_space<hbm>>, %arg7: memref<2x10112x128xf32, #tpu.memory_space<hbm>>, %arg8: memref<40x128xi32, #tpu.memory_space<vmem>>, %arg9: memref<40x128xi32, #tpu.memory_space<vmem>>, %arg10: memref<128x128xf32, #tpu.memory_space<vmem>>, %arg11: memref<128x128xf32, #tpu.memory_space<vmem>>, %arg12: memref<10112x128xf32, #tpu.memory_space<vmem_shared>>, %arg13: memref<!tpu.dma_semaphore, #tpu.memory_space<semaphore_mem>>, %arg14: memref<!tpu.dma_semaphore, #tpu.memory_space<semaphore_mem>>) attributes {dimension_semantics = [#tpu.dimension_semantics<core_parallel>, #tpu.dimension_semantics<subcore_parallel>], iteration_bounds = array<i64: 2, 16>, scalar_prefetch = 0 : i64, scratch_operands = 7 : i64, tpu.core_type = #tpu.core_type<sc_vector_subcore>, window_params = [{transform_indices = #map}, {transform_indices = #map}, {transform_indices = #map}, {transform_indices = #map}, {transform_indices = #map1}, {transform_indices = #map2}]} {
    %mul3A = arith.constant 632 : i32
    %mul3A_0 = arith.muli %arg1, %mul3A : i32
    %mul3A_1 = arith.constant 632 : i32
    %mul3A_2 = arith.muli %arg1, %mul3A_1 : i32
    "tpu.region"() ({
      %run_scoped3A = tpu.sem_alloc : memref<!tpu.dma_semaphore, #tpu.memory_space<semaphore_mem>>
      %dma_start3A = arith.constant 0 : i32
      %dma_start3A_15 = tpu.memref_slice %arg12[%mul3A_2, %dma_start3A] : memref<10112x128xf32, #tpu.memory_space<vmem_shared>> -> memref<632x128xf32, #tpu.memory_space<vmem_shared>>
      %dma_start3A_16 = arith.constant 0 : i32
      %dma_start3A_17 = tpu.memref_slice %arg5[%mul3A_0, %dma_start3A_16] : memref<10112x128xf32, #tpu.memory_space<hbm>> -> memref<632x128xf32, #tpu.memory_space<hbm>>
      tpu.enqueue_dma source(%dma_start3A_17 : memref<632x128xf32, #tpu.memory_space<hbm>>) target(%dma_start3A_15 : memref<632x128xf32, #tpu.memory_space<vmem_shared>>) target_semaphore(%run_scoped3A : memref<!tpu.dma_semaphore, #tpu.memory_space<semaphore_mem>>)
      %dma_wait3A = arith.constant 0 : i32
      %dma_wait3A_18 = tpu.memref_slice %arg12[%mul3A_2, %dma_wait3A] : memref<10112x128xf32, #tpu.memory_space<vmem_shared>> -> memref<632x128xf32, #tpu.memory_space<vmem_shared>>
      %dma_wait3A_19 = arith.constant 0 : i32
      %dma_wait3A_20 = tpu.memref_slice %arg5[%mul3A_0, %dma_wait3A_19] : memref<10112x128xf32, #tpu.memory_space<hbm>> -> memref<632x128xf32, #tpu.memory_space<hbm>>
      tpu.wait_dma2 semaphore(%run_scoped3A : memref<!tpu.dma_semaphore, #tpu.memory_space<semaphore_mem>>) src(%dma_wait3A_20 : memref<632x128xf32, #tpu.memory_space<hbm>>) dst(%dma_wait3A_18 : memref<632x128xf32, #tpu.memory_space<vmem_shared>>)
      tpu.yield
    }) : () -> ()
    %barrier3A = arith.constant 0 : index
    tpu.barrier barrier_id(%barrier3A)
    %eq3A = arith.constant 0 : i32
    %eq3A_3 = arith.cmpi eq, %arg0, %eq3A : i32
    %convert_element_type3A = arith.extui %eq3A_3 : i1 to i32
    %cond3A = arith.constant 0 : i32
    %cond3A_4 = arith.cmpi ne, %convert_element_type3A, %cond3A : i32
    scf.if %cond3A_4 {
      %mul3A_15 = arith.constant 120 : i32
      %mul3A_16 = arith.muli %arg1, %mul3A_15 : i32
      %add3A = arith.constant 0 : i32
      %add3A_17 = arith.addi %mul3A_16, %add3A : i32
      "tpu.region"() ({
        %run_scoped3A = tpu.sem_alloc : memref<!tpu.dma_semaphore, #tpu.memory_space<semaphore_mem>>
        %dma_start3A_85 = arith.constant 0 : i32
        %dma_start3A_86 = arith.constant 0 : i32
        %dma_start3A_87 = tpu.memref_slice %arg8[%dma_start3A_85, %dma_start3A_86] : memref<40x128xi32, #tpu.memory_space<vmem>> -> memref<40x128xi32, #tpu.memory_space<vmem>>
        %dma_start3A_88 = arith.constant 0 : i32
        %dma_start3A_89 = tpu.memref_slice %arg3[%add3A_17, %dma_start3A_88] : memref<2560x128xi32, #tpu.memory_space<hbm>> -> memref<40x128xi32, #tpu.memory_space<hbm>>
        %dma_start3A_90 = arith.constant 0 : i32
        %dma_start3A_91 = arith.constant 0 : i32
        %dma_start3A_92 = tpu.memref_slice %arg8[%dma_start3A_90, %dma_start3A_91] : memref<40x128xi32, #tpu.memory_space<vmem>> -> memref<40x128xi32, #tpu.memory_space<vmem>>
        %dma_start3A_93 = arith.constant 0 : i32
        %dma_start3A_94 = tpu.memref_slice %arg3[%add3A_17, %dma_start3A_93] : memref<2560x128xi32, #tpu.memory_space<hbm>> -> memref<40x128xi32, #tpu.memory_space<hbm>>
        tpu.enqueue_dma source(%dma_start3A_94 : memref<40x128xi32, #tpu.memory_space<hbm>>) target(%dma_start3A_92 : memref<40x128xi32, #tpu.memory_space<vmem>>) target_semaphore(%run_scoped3A : memref<!tpu.dma_semaphore, #tpu.memory_space<semaphore_mem>>)
        %dma_wait3A_95 = arith.constant 0 : i32
        %dma_wait3A_96 = arith.constant 0 : i32
        %dma_wait3A_97 = tpu.memref_slice %arg8[%dma_wait3A_95, %dma_wait3A_96] : memref<40x128xi32, #tpu.memory_space<vmem>> -> memref<40x128xi32, #tpu.memory_space<vmem>>
        %dma_wait3A_98 = arith.constant 0 : i32
        %dma_wait3A_99 = tpu.memref_slice %arg3[%add3A_17, %dma_wait3A_98] : memref<2560x128xi32, #tpu.memory_space<hbm>> -> memref<40x128xi32, #tpu.memory_space<hbm>>
        %dma_wait3A_100 = arith.constant 0 : i32
        %dma_wait3A_101 = arith.constant 0 : i32
        %dma_wait3A_102 = tpu.memref_slice %arg8[%dma_wait3A_100, %dma_wait3A_101] : memref<40x128xi32, #tpu.memory_space<vmem>> -> memref<40x128xi32, #tpu.memory_space<vmem>>
        %dma_wait3A_103 = arith.constant 0 : i32
        %dma_wait3A_104 = tpu.memref_slice %arg3[%add3A_17, %dma_wait3A_103] : memref<2560x128xi32, #tpu.memory_space<hbm>> -> memref<40x128xi32, #tpu.memory_space<hbm>>
        tpu.wait_dma2 semaphore(%run_scoped3A : memref<!tpu.dma_semaphore, #tpu.memory_space<semaphore_mem>>) src(%dma_wait3A_104 : memref<40x128xi32, #tpu.memory_space<hbm>>) dst(%dma_wait3A_102 : memref<40x128xi32, #tpu.memory_space<vmem>>)
        tpu.yield
      }) : () -> ()
      %add3A_18 = arith.constant 0 : i32
      %add3A_19 = arith.addi %mul3A_16, %add3A_18 : i32
      "tpu.region"() ({
        %run_scoped3A = tpu.sem_alloc : memref<!tpu.dma_semaphore, #tpu.memory_space<semaphore_mem>>
        %dma_start3A_85 = arith.constant 0 : i32
        %dma_start3A_86 = arith.constant 0 : i32
        %dma_start3A_87 = tpu.memref_slice %arg9[%dma_start3A_85, %dma_start3A_86] : memref<40x128xi32, #tpu.memory_space<vmem>> -> memref<40x128xi32, #tpu.memory_space<vmem>>
        %dma_start3A_88 = arith.constant 0 : i32
        %dma_start3A_89 = tpu.memref_slice %arg4[%add3A_19, %dma_start3A_88] : memref<2560x128xi32, #tpu.memory_space<hbm>> -> memref<40x128xi32, #tpu.memory_space<hbm>>
        %dma_start3A_90 = arith.constant 0 : i32
        %dma_start3A_91 = arith.constant 0 : i32
        %dma_start3A_92 = tpu.memref_slice %arg9[%dma_start3A_90, %dma_start3A_91] : memref<40x128xi32, #tpu.memory_space<vmem>> -> memref<40x128xi32, #tpu.memory_space<vmem>>
        %dma_start3A_93 = arith.constant 0 : i32
        %dma_start3A_94 = tpu.memref_slice %arg4[%add3A_19, %dma_start3A_93] : memref<2560x128xi32, #tpu.memory_space<hbm>> -> memref<40x128xi32, #tpu.memory_space<hbm>>
        tpu.enqueue_dma source(%dma_start3A_94 : memref<40x128xi32, #tpu.memory_space<hbm>>) target(%dma_start3A_92 : memref<40x128xi32, #tpu.memory_space<vmem>>) target_semaphore(%run_scoped3A : memref<!tpu.dma_semaphore, #tpu.memory_space<semaphore_mem>>)
        %dma_wait3A_95 = arith.constant 0 : i32
        %dma_wait3A_96 = arith.constant 0 : i32
        %dma_wait3A_97 = tpu.memref_slice %arg9[%dma_wait3A_95, %dma_wait3A_96] : memref<40x128xi32, #tpu.memory_space<vmem>> -> memref<40x128xi32, #tpu.memory_space<vmem>>
        %dma_wait3A_98 = arith.constant 0 : i32
        %dma_wait3A_99 = tpu.memref_slice %arg4[%add3A_19, %dma_wait3A_98] : memref<2560x128xi32, #tpu.memory_space<hbm>> -> memref<40x128xi32, #tpu.memory_space<hbm>>
        %dma_wait3A_100 = arith.constant 0 : i32
        %dma_wait3A_101 = arith.constant 0 : i32
        %dma_wait3A_102 = tpu.memref_slice %arg9[%dma_wait3A_100, %dma_wait3A_101] : memref<40x128xi32, #tpu.memory_space<vmem>> -> memref<40x128xi32, #tpu.memory_space<vmem>>
        %dma_wait3A_103 = arith.constant 0 : i32
        %dma_wait3A_104 = tpu.memref_slice %arg4[%add3A_19, %dma_wait3A_103] : memref<2560x128xi32, #tpu.memory_space<hbm>> -> memref<40x128xi32, #tpu.memory_space<hbm>>
        tpu.wait_dma2 semaphore(%run_scoped3A : memref<!tpu.dma_semaphore, #tpu.memory_space<semaphore_mem>>) src(%dma_wait3A_104 : memref<40x128xi32, #tpu.memory_space<hbm>>) dst(%dma_wait3A_102 : memref<40x128xi32, #tpu.memory_space<vmem>>)
        tpu.yield
      }) : () -> ()
      %dma_start3A = arith.constant 0 : i32
      %dma_start3A_20 = arith.constant 0 : i32
      %dma_start3A_21 = tpu.memref_slice %arg8[%dma_start3A, %dma_start3A_20] : memref<40x128xi32, #tpu.memory_space<vmem>> -> memref<1x128xi32, #tpu.memory_space<vmem>>
      %dma_start3A_22 = tpu.memref_squeeze %dma_start3A_21 : memref<1x128xi32, #tpu.memory_space<vmem>> -> memref<128xi32, #tpu.memory_space<vmem>>
      %dma_start3A_23 = arith.constant 0 : i32
      %dma_start3A_24 = arith.constant 0 : i32
      %dma_start3A_25 = tpu.memref_slice %arg2[%dma_start3A_23, %dma_start3A_24] : memref<10000x128xf32, #tpu.memory_space<hbm>> -> memref<10000x128xf32, #tpu.memory_space<hbm>>
      tpu.enqueue_indirect_dma source(%dma_start3A_25 : memref<10000x128xf32, #tpu.memory_space<hbm>>) target(%arg10 : memref<128x128xf32, #tpu.memory_space<vmem>>) offsets(%dma_start3A_22 : memref<128xi32, #tpu.memory_space<vmem>>) semaphore(%arg13 : memref<!tpu.dma_semaphore, #tpu.memory_space<semaphore_mem>>)
      %scan3A = arith.constant 0 : i32
      %scan3A_26 = arith.constant 0 : i32
      %scan3A_27 = arith.constant 20 : i32
      %scan3A_28 = arith.addi %scan3A_26, %scan3A_27 : i32
      %scan3A_29 = arith.constant 1 : i32
      scf.for %scan3A_85 = %scan3A_26 to %scan3A_28 step %scan3A_29  : i32 {
        %mul3A_86 = arith.constant 2 : i32
        %mul3A_87 = arith.muli %mul3A_86, %scan3A_85 : i32
        %add3A_88 = arith.constant 1 : i32
        %add3A_89 = arith.addi %mul3A_87, %add3A_88 : i32
        %dma_start3A_90 = arith.constant 0 : i32
        %dma_start3A_91 = tpu.memref_slice %arg8[%add3A_89, %dma_start3A_90] : memref<40x128xi32, #tpu.memory_space<vmem>> -> memref<1x128xi32, #tpu.memory_space<vmem>>
        %dma_start3A_92 = tpu.memref_squeeze %dma_start3A_91 : memref<1x128xi32, #tpu.memory_space<vmem>> -> memref<128xi32, #tpu.memory_space<vmem>>
        %dma_start3A_93 = arith.constant 0 : i32
        %dma_start3A_94 = arith.constant 0 : i32
        %dma_start3A_95 = tpu.memref_slice %arg2[%dma_start3A_93, %dma_start3A_94] : memref<10000x128xf32, #tpu.memory_space<hbm>> -> memref<10000x128xf32, #tpu.memory_space<hbm>>
        tpu.enqueue_indirect_dma source(%dma_start3A_95 : memref<10000x128xf32, #tpu.memory_space<hbm>>) target(%arg11 : memref<128x128xf32, #tpu.memory_space<vmem>>) offsets(%dma_start3A_92 : memref<128xi32, #tpu.memory_space<vmem>>) semaphore(%arg14 : memref<!tpu.dma_semaphore, #tpu.memory_space<semaphore_mem>>)
        %dma_wait3A_96 = arith.constant 0 : i32
        %dma_wait3A_97 = arith.constant 0 : i32
        %dma_wait3A_98 = tpu.memref_slice %arg8[%dma_wait3A_96, %dma_wait3A_97] : memref<40x128xi32, #tpu.memory_space<vmem>> -> memref<1x128xi32, #tpu.memory_space<vmem>>
        %dma_wait3A_99 = tpu.memref_squeeze %dma_wait3A_98 : memref<1x128xi32, #tpu.memory_space<vmem>> -> memref<128xi32, #tpu.memory_space<vmem>>
        %dma_wait3A_100 = arith.constant 0 : i32
        %dma_wait3A_101 = arith.constant 0 : i32
        %dma_wait3A_102 = tpu.memref_slice %arg2[%dma_wait3A_100, %dma_wait3A_101] : memref<10000x128xf32, #tpu.memory_space<hbm>> -> memref<10000x128xf32, #tpu.memory_space<hbm>>
        tpu.wait_indirect_dma semaphore(%arg13 : memref<!tpu.dma_semaphore, #tpu.memory_space<semaphore_mem>>) src(%dma_wait3A_102 : memref<10000x128xf32, #tpu.memory_space<hbm>>) dst(%arg10 : memref<128x128xf32, #tpu.memory_space<vmem>>)
        "tpu.region"() ({
          %run_scoped3A = tpu.sem_alloc : memref<!tpu.dma_semaphore, #tpu.memory_space<semaphore_mem>>
          %dma_start3A_121 = arith.constant 0 : i32
          %dma_start3A_122 = tpu.memref_slice %arg9[%mul3A_87, %dma_start3A_121] : memref<40x128xi32, #tpu.memory_space<vmem>> -> memref<1x128xi32, #tpu.memory_space<vmem>>
          %dma_start3A_123 = tpu.memref_squeeze %dma_start3A_122 : memref<1x128xi32, #tpu.memory_space<vmem>> -> memref<128xi32, #tpu.memory_space<vmem>>
          %dma_start3A_124 = arith.constant 0 : i32
          %dma_start3A_125 = arith.constant 0 : i32
          %dma_start3A_126 = tpu.memref_slice %arg12[%dma_start3A_124, %dma_start3A_125] : memref<10112x128xf32, #tpu.memory_space<vmem_shared>> -> memref<10112x128xf32, #tpu.memory_space<vmem_shared>>
          tpu.enqueue_indirect_dma source(%arg10 : memref<128x128xf32, #tpu.memory_space<vmem>>) target(%dma_start3A_126 : memref<10112x128xf32, #tpu.memory_space<vmem_shared>>) offsets(%dma_start3A_123 : memref<128xi32, #tpu.memory_space<vmem>>) semaphore(%run_scoped3A : memref<!tpu.dma_semaphore, #tpu.memory_space<semaphore_mem>>) {add = true}
          %dma_wait3A_127 = arith.constant 0 : i32
          %dma_wait3A_128 = tpu.memref_slice %arg9[%mul3A_87, %dma_wait3A_127] : memref<40x128xi32, #tpu.memory_space<vmem>> -> memref<1x128xi32, #tpu.memory_space<vmem>>
          %dma_wait3A_129 = tpu.memref_squeeze %dma_wait3A_128 : memref<1x128xi32, #tpu.memory_space<vmem>> -> memref<128xi32, #tpu.memory_space<vmem>>
          %dma_wait3A_130 = arith.constant 0 : i32
          %dma_wait3A_131 = arith.constant 0 : i32
          %dma_wait3A_132 = tpu.memref_slice %arg12[%dma_wait3A_130, %dma_wait3A_131] : memref<10112x128xf32, #tpu.memory_space<vmem_shared>> -> memref<10112x128xf32, #tpu.memory_space<vmem_shared>>
          tpu.wait_indirect_dma semaphore(%run_scoped3A : memref<!tpu.dma_semaphore, #tpu.memory_space<semaphore_mem>>) src(%arg10 : memref<128x128xf32, #tpu.memory_space<vmem>>) dst(%dma_wait3A_132 : memref<10112x128xf32, #tpu.memory_space<vmem_shared>>)
          tpu.yield
        }) : () -> ()
        %add3A_103 = arith.constant 2 : i32
        %add3A_104 = arith.addi %mul3A_87, %add3A_103 : i32
        %min3A = arith.constant 39 : i32
        %min3A_105 = arith.minsi %add3A_104, %min3A : i32
        %dma_start3A_106 = arith.constant 0 : i32
        %dma_start3A_107 = tpu.memref_slice %arg8[%min3A_105, %dma_start3A_106] : memref<40x128xi32, #tpu.memory_space<vmem>> -> memref<1x128xi32, #tpu.memory_space<vmem>>
        %dma_start3A_108 = tpu.memref_squeeze %dma_start3A_107 : memref<1x128xi32, #tpu.memory_space<vmem>> -> memref<128xi32, #tpu.memory_space<vmem>>
        %dma_start3A_109 = arith.constant 0 : i32
        %dma_start3A_110 = arith.constant 0 : i32
        %dma_start3A_111 = tpu.memref_slice %arg2[%dma_start3A_109, %dma_start3A_110] : memref<10000x128xf32, #tpu.memory_space<hbm>> -> memref<10000x128xf32, #tpu.memory_space<hbm>>
        tpu.enqueue_indirect_dma source(%dma_start3A_111 : memref<10000x128xf32, #tpu.memory_space<hbm>>) target(%arg10 : memref<128x128xf32, #tpu.memory_space<vmem>>) offsets(%dma_start3A_108 : memref<128xi32, #tpu.memory_space<vmem>>) semaphore(%arg13 : memref<!tpu.dma_semaphore, #tpu.memory_space<semaphore_mem>>)
        %dma_wait3A_112 = arith.constant 0 : i32
        %dma_wait3A_113 = arith.constant 0 : i32
        %dma_wait3A_114 = tpu.memref_slice %arg8[%dma_wait3A_112, %dma_wait3A_113] : memref<40x128xi32, #tpu.memory_space<vmem>> -> memref<1x128xi32, #tpu.memory_space<vmem>>
        %dma_wait3A_115 = tpu.memref_squeeze %dma_wait3A_114 : memref<1x128xi32, #tpu.memory_space<vmem>> -> memref<128xi32, #tpu.memory_space<vmem>>
        %dma_wait3A_116 = arith.constant 0 : i32
        %dma_wait3A_117 = arith.constant 0 : i32
        %dma_wait3A_118 = tpu.memref_slice %arg2[%dma_wait3A_116, %dma_wait3A_117] : memref<10000x128xf32, #tpu.memory_space<hbm>> -> memref<10000x128xf32, #tpu.memory_space<hbm>>
        tpu.wait_indirect_dma semaphore(%arg14 : memref<!tpu.dma_semaphore, #tpu.memory_space<semaphore_mem>>) src(%dma_wait3A_118 : memref<10000x128xf32, #tpu.memory_space<hbm>>) dst(%arg11 : memref<128x128xf32, #tpu.memory_space<vmem>>)
        %add3A_119 = arith.constant 1 : i32
        %add3A_120 = arith.addi %mul3A_87, %add3A_119 : i32
        "tpu.region"() ({
          %run_scoped3A = tpu.sem_alloc : memref<!tpu.dma_semaphore, #tpu.memory_space<semaphore_mem>>
          %dma_start3A_121 = arith.constant 0 : i32
          %dma_start3A_122 = tpu.memref_slice %arg9[%add3A_120, %dma_start3A_121] : memref<40x128xi32, #tpu.memory_space<vmem>> -> memref<1x128xi32, #tpu.memory_space<vmem>>
          %dma_start3A_123 = tpu.memref_squeeze %dma_start3A_122 : memref<1x128xi32, #tpu.memory_space<vmem>> -> memref<128xi32, #tpu.memory_space<vmem>>
          %dma_start3A_124 = arith.constant 0 : i32
          %dma_start3A_125 = arith.constant 0 : i32
          %dma_start3A_126 = tpu.memref_slice %arg12[%dma_start3A_124, %dma_start3A_125] : memref<10112x128xf32, #tpu.memory_space<vmem_shared>> -> memref<10112x128xf32, #tpu.memory_space<vmem_shared>>
          tpu.enqueue_indirect_dma source(%arg11 : memref<128x128xf32, #tpu.memory_space<vmem>>) target(%dma_start3A_126 : memref<10112x128xf32, #tpu.memory_space<vmem_shared>>) offsets(%dma_start3A_123 : memref<128xi32, #tpu.memory_space<vmem>>) semaphore(%run_scoped3A : memref<!tpu.dma_semaphore, #tpu.memory_space<semaphore_mem>>) {add = true}
          %dma_wait3A_127 = arith.constant 0 : i32
          %dma_wait3A_128 = tpu.memref_slice %arg9[%add3A_120, %dma_wait3A_127] : memref<40x128xi32, #tpu.memory_space<vmem>> -> memref<1x128xi32, #tpu.memory_space<vmem>>
          %dma_wait3A_129 = tpu.memref_squeeze %dma_wait3A_128 : memref<1x128xi32, #tpu.memory_space<vmem>> -> memref<128xi32, #tpu.memory_space<vmem>>
          %dma_wait3A_130 = arith.constant 0 : i32
          %dma_wait3A_131 = arith.constant 0 : i32
          %dma_wait3A_132 = tpu.memref_slice %arg12[%dma_wait3A_130, %dma_wait3A_131] : memref<10112x128xf32, #tpu.memory_space<vmem_shared>> -> memref<10112x128xf32, #tpu.memory_space<vmem_shared>>
          tpu.wait_indirect_dma semaphore(%run_scoped3A : memref<!tpu.dma_semaphore, #tpu.memory_space<semaphore_mem>>) src(%arg11 : memref<128x128xf32, #tpu.memory_space<vmem>>) dst(%dma_wait3A_132 : memref<10112x128xf32, #tpu.memory_space<vmem_shared>>)
          tpu.yield
        }) : () -> ()
      }
      %scan3A_30 = arith.constant 20 : i32
      %dma_wait3A = arith.constant 0 : i32
      %dma_wait3A_31 = arith.constant 0 : i32
      %dma_wait3A_32 = tpu.memref_slice %arg8[%dma_wait3A, %dma_wait3A_31] : memref<40x128xi32, #tpu.memory_space<vmem>> -> memref<1x128xi32, #tpu.memory_space<vmem>>
      %dma_wait3A_33 = tpu.memref_squeeze %dma_wait3A_32 : memref<1x128xi32, #tpu.memory_space<vmem>> -> memref<128xi32, #tpu.memory_space<vmem>>
      %dma_wait3A_34 = arith.constant 0 : i32
      %dma_wait3A_35 = arith.constant 0 : i32
      %dma_wait3A_36 = tpu.memref_slice %arg2[%dma_wait3A_34, %dma_wait3A_35] : memref<10000x128xf32, #tpu.memory_space<hbm>> -> memref<10000x128xf32, #tpu.memory_space<hbm>>
      tpu.wait_indirect_dma semaphore(%arg13 : memref<!tpu.dma_semaphore, #tpu.memory_space<semaphore_mem>>) src(%dma_wait3A_36 : memref<10000x128xf32, #tpu.memory_space<hbm>>) dst(%arg10 : memref<128x128xf32, #tpu.memory_space<vmem>>)
      %add3A_37 = arith.constant 40 : i32
      %add3A_38 = arith.addi %mul3A_16, %add3A_37 : i32
      "tpu.region"() ({
        %run_scoped3A = tpu.sem_alloc : memref<!tpu.dma_semaphore, #tpu.memory_space<semaphore_mem>>
        %dma_start3A_85 = arith.constant 0 : i32
        %dma_start3A_86 = arith.constant 0 : i32
        %dma_start3A_87 = tpu.memref_slice %arg8[%dma_start3A_85, %dma_start3A_86] : memref<40x128xi32, #tpu.memory_space<vmem>> -> memref<40x128xi32, #tpu.memory_space<vmem>>
        %dma_start3A_88 = arith.constant 0 : i32
        %dma_start3A_89 = tpu.memref_slice %arg3[%add3A_38, %dma_start3A_88] : memref<2560x128xi32, #tpu.memory_space<hbm>> -> memref<40x128xi32, #tpu.memory_space<hbm>>
        %dma_start3A_90 = arith.constant 0 : i32
        %dma_start3A_91 = arith.constant 0 : i32
        %dma_start3A_92 = tpu.memref_slice %arg8[%dma_start3A_90, %dma_start3A_91] : memref<40x128xi32, #tpu.memory_space<vmem>> -> memref<40x128xi32, #tpu.memory_space<vmem>>
        %dma_start3A_93 = arith.constant 0 : i32
        %dma_start3A_94 = tpu.memref_slice %arg3[%add3A_38, %dma_start3A_93] : memref<2560x128xi32, #tpu.memory_space<hbm>> -> memref<40x128xi32, #tpu.memory_space<hbm>>
        tpu.enqueue_dma source(%dma_start3A_94 : memref<40x128xi32, #tpu.memory_space<hbm>>) target(%dma_start3A_92 : memref<40x128xi32, #tpu.memory_space<vmem>>) target_semaphore(%run_scoped3A : memref<!tpu.dma_semaphore, #tpu.memory_space<semaphore_mem>>)
        %dma_wait3A_95 = arith.constant 0 : i32
        %dma_wait3A_96 = arith.constant 0 : i32
        %dma_wait3A_97 = tpu.memref_slice %arg8[%dma_wait3A_95, %dma_wait3A_96] : memref<40x128xi32, #tpu.memory_space<vmem>> -> memref<40x128xi32, #tpu.memory_space<vmem>>
        %dma_wait3A_98 = arith.constant 0 : i32
        %dma_wait3A_99 = tpu.memref_slice %arg3[%add3A_38, %dma_wait3A_98] : memref<2560x128xi32, #tpu.memory_space<hbm>> -> memref<40x128xi32, #tpu.memory_space<hbm>>
        %dma_wait3A_100 = arith.constant 0 : i32
        %dma_wait3A_101 = arith.constant 0 : i32
        %dma_wait3A_102 = tpu.memref_slice %arg8[%dma_wait3A_100, %dma_wait3A_101] : memref<40x128xi32, #tpu.memory_space<vmem>> -> memref<40x128xi32, #tpu.memory_space<vmem>>
        %dma_wait3A_103 = arith.constant 0 : i32
        %dma_wait3A_104 = tpu.memref_slice %arg3[%add3A_38, %dma_wait3A_103] : memref<2560x128xi32, #tpu.memory_space<hbm>> -> memref<40x128xi32, #tpu.memory_space<hbm>>
        tpu.wait_dma2 semaphore(%run_scoped3A : memref<!tpu.dma_semaphore, #tpu.memory_space<semaphore_mem>>) src(%dma_wait3A_104 : memref<40x128xi32, #tpu.memory_space<hbm>>) dst(%dma_wait3A_102 : memref<40x128xi32, #tpu.memory_space<vmem>>)
        tpu.yield
      }) : () -> ()
      %add3A_39 = arith.constant 40 : i32
      %add3A_40 = arith.addi %mul3A_16, %add3A_39 : i32
      "tpu.region"() ({
        %run_scoped3A = tpu.sem_alloc : memref<!tpu.dma_semaphore, #tpu.memory_space<semaphore_mem>>
        %dma_start3A_85 = arith.constant 0 : i32
        %dma_start3A_86 = arith.constant 0 : i32
        %dma_start3A_87 = tpu.memref_slice %arg9[%dma_start3A_85, %dma_start3A_86] : memref<40x128xi32, #tpu.memory_space<vmem>> -> memref<40x128xi32, #tpu.memory_space<vmem>>
        %dma_start3A_88 = arith.constant 0 : i32
        %dma_start3A_89 = tpu.memref_slice %arg4[%add3A_40, %dma_start3A_88] : memref<2560x128xi32, #tpu.memory_space<hbm>> -> memref<40x128xi32, #tpu.memory_space<hbm>>
        %dma_start3A_90 = arith.constant 0 : i32
        %dma_start3A_91 = arith.constant 0 : i32
        %dma_start3A_92 = tpu.memref_slice %arg9[%dma_start3A_90, %dma_start3A_91] : memref<40x128xi32, #tpu.memory_space<vmem>> -> memref<40x128xi32, #tpu.memory_space<vmem>>
        %dma_start3A_93 = arith.constant 0 : i32
        %dma_start3A_94 = tpu.memref_slice %arg4[%add3A_40, %dma_start3A_93] : memref<2560x128xi32, #tpu.memory_space<hbm>> -> memref<40x128xi32, #tpu.memory_space<hbm>>
        tpu.enqueue_dma source(%dma_start3A_94 : memref<40x128xi32, #tpu.memory_space<hbm>>) target(%dma_start3A_92 : memref<40x128xi32, #tpu.memory_space<vmem>>) target_semaphore(%run_scoped3A : memref<!tpu.dma_semaphore, #tpu.memory_space<semaphore_mem>>)
        %dma_wait3A_95 = arith.constant 0 : i32
        %dma_wait3A_96 = arith.constant 0 : i32
        %dma_wait3A_97 = tpu.memref_slice %arg9[%dma_wait3A_95, %dma_wait3A_96] : memref<40x128xi32, #tpu.memory_space<vmem>> -> memref<40x128xi32, #tpu.memory_space<vmem>>
        %dma_wait3A_98 = arith.constant 0 : i32
        %dma_wait3A_99 = tpu.memref_slice %arg4[%add3A_40, %dma_wait3A_98] : memref<2560x128xi32, #tpu.memory_space<hbm>> -> memref<40x128xi32, #tpu.memory_space<hbm>>
        %dma_wait3A_100 = arith.constant 0 : i32
        %dma_wait3A_101 = arith.constant 0 : i32
        %dma_wait3A_102 = tpu.memref_slice %arg9[%dma_wait3A_100, %dma_wait3A_101] : memref<40x128xi32, #tpu.memory_space<vmem>> -> memref<40x128xi32, #tpu.memory_space<vmem>>
        %dma_wait3A_103 = arith.constant 0 : i32
        %dma_wait3A_104 = tpu.memref_slice %arg4[%add3A_40, %dma_wait3A_103] : memref<2560x128xi32, #tpu.memory_space<hbm>> -> memref<40x128xi32, #tpu.memory_space<hbm>>
        tpu.wait_dma2 semaphore(%run_scoped3A : memref<!tpu.dma_semaphore, #tpu.memory_space<semaphore_mem>>) src(%dma_wait3A_104 : memref<40x128xi32, #tpu.memory_space<hbm>>) dst(%dma_wait3A_102 : memref<40x128xi32, #tpu.memory_space<vmem>>)
        tpu.yield
      }) : () -> ()
      %dma_start3A_41 = arith.constant 0 : i32
      %dma_start3A_42 = arith.constant 0 : i32
      %dma_start3A_43 = tpu.memref_slice %arg8[%dma_start3A_41, %dma_start3A_42] : memref<40x128xi32, #tpu.memory_space<vmem>> -> memref<1x128xi32, #tpu.memory_space<vmem>>
      %dma_start3A_44 = tpu.memref_squeeze %dma_start3A_43 : memref<1x128xi32, #tpu.memory_space<vmem>> -> memref<128xi32, #tpu.memory_space<vmem>>
      %dma_start3A_45 = arith.constant 0 : i32
      %dma_start3A_46 = arith.constant 0 : i32
      %dma_start3A_47 = tpu.memref_slice %arg2[%dma_start3A_45, %dma_start3A_46] : memref<10000x128xf32, #tpu.memory_space<hbm>> -> memref<10000x128xf32, #tpu.memory_space<hbm>>
      tpu.enqueue_indirect_dma source(%dma_start3A_47 : memref<10000x128xf32, #tpu.memory_space<hbm>>) target(%arg10 : memref<128x128xf32, #tpu.memory_space<vmem>>) offsets(%dma_start3A_44 : memref<128xi32, #tpu.memory_space<vmem>>) semaphore(%arg13 : memref<!tpu.dma_semaphore, #tpu.memory_space<semaphore_mem>>)
      %scan3A_48 = arith.constant 0 : i32
      %scan3A_49 = arith.constant 0 : i32
      %scan3A_50 = arith.constant 20 : i32
      %scan3A_51 = arith.addi %scan3A_49, %scan3A_50 : i32
      %scan3A_52 = arith.constant 1 : i32
      scf.for %scan3A_85 = %scan3A_49 to %scan3A_51 step %scan3A_52  : i32 {
        %mul3A_86 = arith.constant 2 : i32
        %mul3A_87 = arith.muli %mul3A_86, %scan3A_85 : i32
        %add3A_88 = arith.constant 1 : i32
        %add3A_89 = arith.addi %mul3A_87, %add3A_88 : i32
        %dma_start3A_90 = arith.constant 0 : i32
        %dma_start3A_91 = tpu.memref_slice %arg8[%add3A_89, %dma_start3A_90] : memref<40x128xi32, #tpu.memory_space<vmem>> -> memref<1x128xi32, #tpu.memory_space<vmem>>
        %dma_start3A_92 = tpu.memref_squeeze %dma_start3A_91 : memref<1x128xi32, #tpu.memory_space<vmem>> -> memref<128xi32, #tpu.memory_space<vmem>>
        %dma_start3A_93 = arith.constant 0 : i32
        %dma_start3A_94 = arith.constant 0 : i32
        %dma_start3A_95 = tpu.memref_slice %arg2[%dma_start3A_93, %dma_start3A_94] : memref<10000x128xf32, #tpu.memory_space<hbm>> -> memref<10000x128xf32, #tpu.memory_space<hbm>>
        tpu.enqueue_indirect_dma source(%dma_start3A_95 : memref<10000x128xf32, #tpu.memory_space<hbm>>) target(%arg11 : memref<128x128xf32, #tpu.memory_space<vmem>>) offsets(%dma_start3A_92 : memref<128xi32, #tpu.memory_space<vmem>>) semaphore(%arg14 : memref<!tpu.dma_semaphore, #tpu.memory_space<semaphore_mem>>)
        %dma_wait3A_96 = arith.constant 0 : i32
        %dma_wait3A_97 = arith.constant 0 : i32
        %dma_wait3A_98 = tpu.memref_slice %arg8[%dma_wait3A_96, %dma_wait3A_97] : memref<40x128xi32, #tpu.memory_space<vmem>> -> memref<1x128xi32, #tpu.memory_space<vmem>>
        %dma_wait3A_99 = tpu.memref_squeeze %dma_wait3A_98 : memref<1x128xi32, #tpu.memory_space<vmem>> -> memref<128xi32, #tpu.memory_space<vmem>>
        %dma_wait3A_100 = arith.constant 0 : i32
        %dma_wait3A_101 = arith.constant 0 : i32
        %dma_wait3A_102 = tpu.memref_slice %arg2[%dma_wait3A_100, %dma_wait3A_101] : memref<10000x128xf32, #tpu.memory_space<hbm>> -> memref<10000x128xf32, #tpu.memory_space<hbm>>
        tpu.wait_indirect_dma semaphore(%arg13 : memref<!tpu.dma_semaphore, #tpu.memory_space<semaphore_mem>>) src(%dma_wait3A_102 : memref<10000x128xf32, #tpu.memory_space<hbm>>) dst(%arg10 : memref<128x128xf32, #tpu.memory_space<vmem>>)
        "tpu.region"() ({
          %run_scoped3A = tpu.sem_alloc : memref<!tpu.dma_semaphore, #tpu.memory_space<semaphore_mem>>
          %dma_start3A_121 = arith.constant 0 : i32
          %dma_start3A_122 = tpu.memref_slice %arg9[%mul3A_87, %dma_start3A_121] : memref<40x128xi32, #tpu.memory_space<vmem>> -> memref<1x128xi32, #tpu.memory_space<vmem>>
          %dma_start3A_123 = tpu.memref_squeeze %dma_start3A_122 : memref<1x128xi32, #tpu.memory_space<vmem>> -> memref<128xi32, #tpu.memory_space<vmem>>
          %dma_start3A_124 = arith.constant 0 : i32
          %dma_start3A_125 = arith.constant 0 : i32
          %dma_start3A_126 = tpu.memref_slice %arg12[%dma_start3A_124, %dma_start3A_125] : memref<10112x128xf32, #tpu.memory_space<vmem_shared>> -> memref<10112x128xf32, #tpu.memory_space<vmem_shared>>
          tpu.enqueue_indirect_dma source(%arg10 : memref<128x128xf32, #tpu.memory_space<vmem>>) target(%dma_start3A_126 : memref<10112x128xf32, #tpu.memory_space<vmem_shared>>) offsets(%dma_start3A_123 : memref<128xi32, #tpu.memory_space<vmem>>) semaphore(%run_scoped3A : memref<!tpu.dma_semaphore, #tpu.memory_space<semaphore_mem>>) {add = true}
          %dma_wait3A_127 = arith.constant 0 : i32
          %dma_wait3A_128 = tpu.memref_slice %arg9[%mul3A_87, %dma_wait3A_127] : memref<40x128xi32, #tpu.memory_space<vmem>> -> memref<1x128xi32, #tpu.memory_space<vmem>>
          %dma_wait3A_129 = tpu.memref_squeeze %dma_wait3A_128 : memref<1x128xi32, #tpu.memory_space<vmem>> -> memref<128xi32, #tpu.memory_space<vmem>>
          %dma_wait3A_130 = arith.constant 0 : i32
          %dma_wait3A_131 = arith.constant 0 : i32
          %dma_wait3A_132 = tpu.memref_slice %arg12[%dma_wait3A_130, %dma_wait3A_131] : memref<10112x128xf32, #tpu.memory_space<vmem_shared>> -> memref<10112x128xf32, #tpu.memory_space<vmem_shared>>
          tpu.wait_indirect_dma semaphore(%run_scoped3A : memref<!tpu.dma_semaphore, #tpu.memory_space<semaphore_mem>>) src(%arg10 : memref<128x128xf32, #tpu.memory_space<vmem>>) dst(%dma_wait3A_132 : memref<10112x128xf32, #tpu.memory_space<vmem_shared>>)
          tpu.yield
        }) : () -> ()
        %add3A_103 = arith.constant 2 : i32
        %add3A_104 = arith.addi %mul3A_87, %add3A_103 : i32
        %min3A = arith.constant 39 : i32
        %min3A_105 = arith.minsi %add3A_104, %min3A : i32
        %dma_start3A_106 = arith.constant 0 : i32
        %dma_start3A_107 = tpu.memref_slice %arg8[%min3A_105, %dma_start3A_106] : memref<40x128xi32, #tpu.memory_space<vmem>> -> memref<1x128xi32, #tpu.memory_space<vmem>>
        %dma_start3A_108 = tpu.memref_squeeze %dma_start3A_107 : memref<1x128xi32, #tpu.memory_space<vmem>> -> memref<128xi32, #tpu.memory_space<vmem>>
        %dma_start3A_109 = arith.constant 0 : i32
        %dma_start3A_110 = arith.constant 0 : i32
        %dma_start3A_111 = tpu.memref_slice %arg2[%dma_start3A_109, %dma_start3A_110] : memref<10000x128xf32, #tpu.memory_space<hbm>> -> memref<10000x128xf32, #tpu.memory_space<hbm>>
        tpu.enqueue_indirect_dma source(%dma_start3A_111 : memref<10000x128xf32, #tpu.memory_space<hbm>>) target(%arg10 : memref<128x128xf32, #tpu.memory_space<vmem>>) offsets(%dma_start3A_108 : memref<128xi32, #tpu.memory_space<vmem>>) semaphore(%arg13 : memref<!tpu.dma_semaphore, #tpu.memory_space<semaphore_mem>>)
        %dma_wait3A_112 = arith.constant 0 : i32
        %dma_wait3A_113 = arith.constant 0 : i32
        %dma_wait3A_114 = tpu.memref_slice %arg8[%dma_wait3A_112, %dma_wait3A_113] : memref<40x128xi32, #tpu.memory_space<vmem>> -> memref<1x128xi32, #tpu.memory_space<vmem>>
        %dma_wait3A_115 = tpu.memref_squeeze %dma_wait3A_114 : memref<1x128xi32, #tpu.memory_space<vmem>> -> memref<128xi32, #tpu.memory_space<vmem>>
        %dma_wait3A_116 = arith.constant 0 : i32
        %dma_wait3A_117 = arith.constant 0 : i32
        %dma_wait3A_118 = tpu.memref_slice %arg2[%dma_wait3A_116, %dma_wait3A_117] : memref<10000x128xf32, #tpu.memory_space<hbm>> -> memref<10000x128xf32, #tpu.memory_space<hbm>>
        tpu.wait_indirect_dma semaphore(%arg14 : memref<!tpu.dma_semaphore, #tpu.memory_space<semaphore_mem>>) src(%dma_wait3A_118 : memref<10000x128xf32, #tpu.memory_space<hbm>>) dst(%arg11 : memref<128x128xf32, #tpu.memory_space<vmem>>)
        %add3A_119 = arith.constant 1 : i32
        %add3A_120 = arith.addi %mul3A_87, %add3A_119 : i32
        "tpu.region"() ({
          %run_scoped3A = tpu.sem_alloc : memref<!tpu.dma_semaphore, #tpu.memory_space<semaphore_mem>>
          %dma_start3A_121 = arith.constant 0 : i32
          %dma_start3A_122 = tpu.memref_slice %arg9[%add3A_120, %dma_start3A_121] : memref<40x128xi32, #tpu.memory_space<vmem>> -> memref<1x128xi32, #tpu.memory_space<vmem>>
          %dma_start3A_123 = tpu.memref_squeeze %dma_start3A_122 : memref<1x128xi32, #tpu.memory_space<vmem>> -> memref<128xi32, #tpu.memory_space<vmem>>
          %dma_start3A_124 = arith.constant 0 : i32
          %dma_start3A_125 = arith.constant 0 : i32
          %dma_start3A_126 = tpu.memref_slice %arg12[%dma_start3A_124, %dma_start3A_125] : memref<10112x128xf32, #tpu.memory_space<vmem_shared>> -> memref<10112x128xf32, #tpu.memory_space<vmem_shared>>
          tpu.enqueue_indirect_dma source(%arg11 : memref<128x128xf32, #tpu.memory_space<vmem>>) target(%dma_start3A_126 : memref<10112x128xf32, #tpu.memory_space<vmem_shared>>) offsets(%dma_start3A_123 : memref<128xi32, #tpu.memory_space<vmem>>) semaphore(%run_scoped3A : memref<!tpu.dma_semaphore, #tpu.memory_space<semaphore_mem>>) {add = true}
          %dma_wait3A_127 = arith.constant 0 : i32
          %dma_wait3A_128 = tpu.memref_slice %arg9[%add3A_120, %dma_wait3A_127] : memref<40x128xi32, #tpu.memory_space<vmem>> -> memref<1x128xi32, #tpu.memory_space<vmem>>
          %dma_wait3A_129 = tpu.memref_squeeze %dma_wait3A_128 : memref<1x128xi32, #tpu.memory_space<vmem>> -> memref<128xi32, #tpu.memory_space<vmem>>
          %dma_wait3A_130 = arith.constant 0 : i32
          %dma_wait3A_131 = arith.constant 0 : i32
          %dma_wait3A_132 = tpu.memref_slice %arg12[%dma_wait3A_130, %dma_wait3A_131] : memref<10112x128xf32, #tpu.memory_space<vmem_shared>> -> memref<10112x128xf32, #tpu.memory_space<vmem_shared>>
          tpu.wait_indirect_dma semaphore(%run_scoped3A : memref<!tpu.dma_semaphore, #tpu.memory_space<semaphore_mem>>) src(%arg11 : memref<128x128xf32, #tpu.memory_space<vmem>>) dst(%dma_wait3A_132 : memref<10112x128xf32, #tpu.memory_space<vmem_shared>>)
          tpu.yield
        }) : () -> ()
      }
      %scan3A_53 = arith.constant 20 : i32
      %dma_wait3A_54 = arith.constant 0 : i32
      %dma_wait3A_55 = arith.constant 0 : i32
      %dma_wait3A_56 = tpu.memref_slice %arg8[%dma_wait3A_54, %dma_wait3A_55] : memref<40x128xi32, #tpu.memory_space<vmem>> -> memref<1x128xi32, #tpu.memory_space<vmem>>
      %dma_wait3A_57 = tpu.memref_squeeze %dma_wait3A_56 : memref<1x128xi32, #tpu.memory_space<vmem>> -> memref<128xi32, #tpu.memory_space<vmem>>
      %dma_wait3A_58 = arith.constant 0 : i32
      %dma_wait3A_59 = arith.constant 0 : i32
      %dma_wait3A_60 = tpu.memref_slice %arg2[%dma_wait3A_58, %dma_wait3A_59] : memref<10000x128xf32, #tpu.memory_space<hbm>> -> memref<10000x128xf32, #tpu.memory_space<hbm>>
      tpu.wait_indirect_dma semaphore(%arg13 : memref<!tpu.dma_semaphore, #tpu.memory_space<semaphore_mem>>) src(%dma_wait3A_60 : memref<10000x128xf32, #tpu.memory_space<hbm>>) dst(%arg10 : memref<128x128xf32, #tpu.memory_space<vmem>>)
      %add3A_61 = arith.constant 80 : i32
      %add3A_62 = arith.addi %mul3A_16, %add3A_61 : i32
      "tpu.region"() ({
        %run_scoped3A = tpu.sem_alloc : memref<!tpu.dma_semaphore, #tpu.memory_space<semaphore_mem>>
        %dma_start3A_85 = arith.constant 0 : i32
        %dma_start3A_86 = arith.constant 0 : i32
        %dma_start3A_87 = tpu.memref_slice %arg8[%dma_start3A_85, %dma_start3A_86] : memref<40x128xi32, #tpu.memory_space<vmem>> -> memref<40x128xi32, #tpu.memory_space<vmem>>
        %dma_start3A_88 = arith.constant 0 : i32
        %dma_start3A_89 = tpu.memref_slice %arg3[%add3A_62, %dma_start3A_88] : memref<2560x128xi32, #tpu.memory_space<hbm>> -> memref<40x128xi32, #tpu.memory_space<hbm>>
        %dma_start3A_90 = arith.constant 0 : i32
        %dma_start3A_91 = arith.constant 0 : i32
        %dma_start3A_92 = tpu.memref_slice %arg8[%dma_start3A_90, %dma_start3A_91] : memref<40x128xi32, #tpu.memory_space<vmem>> -> memref<40x128xi32, #tpu.memory_space<vmem>>
        %dma_start3A_93 = arith.constant 0 : i32
        %dma_start3A_94 = tpu.memref_slice %arg3[%add3A_62, %dma_start3A_93] : memref<2560x128xi32, #tpu.memory_space<hbm>> -> memref<40x128xi32, #tpu.memory_space<hbm>>
        tpu.enqueue_dma source(%dma_start3A_94 : memref<40x128xi32, #tpu.memory_space<hbm>>) target(%dma_start3A_92 : memref<40x128xi32, #tpu.memory_space<vmem>>) target_semaphore(%run_scoped3A : memref<!tpu.dma_semaphore, #tpu.memory_space<semaphore_mem>>)
        %dma_wait3A_95 = arith.constant 0 : i32
        %dma_wait3A_96 = arith.constant 0 : i32
        %dma_wait3A_97 = tpu.memref_slice %arg8[%dma_wait3A_95, %dma_wait3A_96] : memref<40x128xi32, #tpu.memory_space<vmem>> -> memref<40x128xi32, #tpu.memory_space<vmem>>
        %dma_wait3A_98 = arith.constant 0 : i32
        %dma_wait3A_99 = tpu.memref_slice %arg3[%add3A_62, %dma_wait3A_98] : memref<2560x128xi32, #tpu.memory_space<hbm>> -> memref<40x128xi32, #tpu.memory_space<hbm>>
        %dma_wait3A_100 = arith.constant 0 : i32
        %dma_wait3A_101 = arith.constant 0 : i32
        %dma_wait3A_102 = tpu.memref_slice %arg8[%dma_wait3A_100, %dma_wait3A_101] : memref<40x128xi32, #tpu.memory_space<vmem>> -> memref<40x128xi32, #tpu.memory_space<vmem>>
        %dma_wait3A_103 = arith.constant 0 : i32
        %dma_wait3A_104 = tpu.memref_slice %arg3[%add3A_62, %dma_wait3A_103] : memref<2560x128xi32, #tpu.memory_space<hbm>> -> memref<40x128xi32, #tpu.memory_space<hbm>>
        tpu.wait_dma2 semaphore(%run_scoped3A : memref<!tpu.dma_semaphore, #tpu.memory_space<semaphore_mem>>) src(%dma_wait3A_104 : memref<40x128xi32, #tpu.memory_space<hbm>>) dst(%dma_wait3A_102 : memref<40x128xi32, #tpu.memory_space<vmem>>)
        tpu.yield
      }) : () -> ()
      %add3A_63 = arith.constant 80 : i32
      %add3A_64 = arith.addi %mul3A_16, %add3A_63 : i32
      "tpu.region"() ({
        %run_scoped3A = tpu.sem_alloc : memref<!tpu.dma_semaphore, #tpu.memory_space<semaphore_mem>>
        %dma_start3A_85 = arith.constant 0 : i32
        %dma_start3A_86 = arith.constant 0 : i32
        %dma_start3A_87 = tpu.memref_slice %arg9[%dma_start3A_85, %dma_start3A_86] : memref<40x128xi32, #tpu.memory_space<vmem>> -> memref<40x128xi32, #tpu.memory_space<vmem>>
        %dma_start3A_88 = arith.constant 0 : i32
        %dma_start3A_89 = tpu.memref_slice %arg4[%add3A_64, %dma_start3A_88] : memref<2560x128xi32, #tpu.memory_space<hbm>> -> memref<40x128xi32, #tpu.memory_space<hbm>>
        %dma_start3A_90 = arith.constant 0 : i32
        %dma_start3A_91 = arith.constant 0 : i32
        %dma_start3A_92 = tpu.memref_slice %arg9[%dma_start3A_90, %dma_start3A_91] : memref<40x128xi32, #tpu.memory_space<vmem>> -> memref<40x128xi32, #tpu.memory_space<vmem>>
        %dma_start3A_93 = arith.constant 0 : i32
        %dma_start3A_94 = tpu.memref_slice %arg4[%add3A_64, %dma_start3A_93] : memref<2560x128xi32, #tpu.memory_space<hbm>> -> memref<40x128xi32, #tpu.memory_space<hbm>>
        tpu.enqueue_dma source(%dma_start3A_94 : memref<40x128xi32, #tpu.memory_space<hbm>>) target(%dma_start3A_92 : memref<40x128xi32, #tpu.memory_space<vmem>>) target_semaphore(%run_scoped3A : memref<!tpu.dma_semaphore, #tpu.memory_space<semaphore_mem>>)
        %dma_wait3A_95 = arith.constant 0 : i32
        %dma_wait3A_96 = arith.constant 0 : i32
        %dma_wait3A_97 = tpu.memref_slice %arg9[%dma_wait3A_95, %dma_wait3A_96] : memref<40x128xi32, #tpu.memory_space<vmem>> -> memref<40x128xi32, #tpu.memory_space<vmem>>
        %dma_wait3A_98 = arith.constant 0 : i32
        %dma_wait3A_99 = tpu.memref_slice %arg4[%add3A_64, %dma_wait3A_98] : memref<2560x128xi32, #tpu.memory_space<hbm>> -> memref<40x128xi32, #tpu.memory_space<hbm>>
        %dma_wait3A_100 = arith.constant 0 : i32
        %dma_wait3A_101 = arith.constant 0 : i32
        %dma_wait3A_102 = tpu.memref_slice %arg9[%dma_wait3A_100, %dma_wait3A_101] : memref<40x128xi32, #tpu.memory_space<vmem>> -> memref<40x128xi32, #tpu.memory_space<vmem>>
        %dma_wait3A_103 = arith.constant 0 : i32
        %dma_wait3A_104 = tpu.memref_slice %arg4[%add3A_64, %dma_wait3A_103] : memref<2560x128xi32, #tpu.memory_space<hbm>> -> memref<40x128xi32, #tpu.memory_space<hbm>>
        tpu.wait_dma2 semaphore(%run_scoped3A : memref<!tpu.dma_semaphore, #tpu.memory_space<semaphore_mem>>) src(%dma_wait3A_104 : memref<40x128xi32, #tpu.memory_space<hbm>>) dst(%dma_wait3A_102 : memref<40x128xi32, #tpu.memory_space<vmem>>)
        tpu.yield
      }) : () -> ()
      %dma_start3A_65 = arith.constant 0 : i32
      %dma_start3A_66 = arith.constant 0 : i32
      %dma_start3A_67 = tpu.memref_slice %arg8[%dma_start3A_65, %dma_start3A_66] : memref<40x128xi32, #tpu.memory_space<vmem>> -> memref<1x128xi32, #tpu.memory_space<vmem>>
      %dma_start3A_68 = tpu.memref_squeeze %dma_start3A_67 : memref<1x128xi32, #tpu.memory_space<vmem>> -> memref<128xi32, #tpu.memory_space<vmem>>
      %dma_start3A_69 = arith.constant 0 : i32
      %dma_start3A_70 = arith.constant 0 : i32
      %dma_start3A_71 = tpu.memref_slice %arg2[%dma_start3A_69, %dma_start3A_70] : memref<10000x128xf32, #tpu.memory_space<hbm>> -> memref<10000x128xf32, #tpu.memory_space<hbm>>
      tpu.enqueue_indirect_dma source(%dma_start3A_71 : memref<10000x128xf32, #tpu.memory_space<hbm>>) target(%arg10 : memref<128x128xf32, #tpu.memory_space<vmem>>) offsets(%dma_start3A_68 : memref<128xi32, #tpu.memory_space<vmem>>) semaphore(%arg13 : memref<!tpu.dma_semaphore, #tpu.memory_space<semaphore_mem>>)
      %scan3A_72 = arith.constant 0 : i32
      %scan3A_73 = arith.constant 0 : i32
      %scan3A_74 = arith.constant 20 : i32
      %scan3A_75 = arith.addi %scan3A_73, %scan3A_74 : i32
      %scan3A_76 = arith.constant 1 : i32
      scf.for %scan3A_85 = %scan3A_73 to %scan3A_75 step %scan3A_76  : i32 {
        %mul3A_86 = arith.constant 2 : i32
        %mul3A_87 = arith.muli %mul3A_86, %scan3A_85 : i32
        %add3A_88 = arith.constant 1 : i32
        %add3A_89 = arith.addi %mul3A_87, %add3A_88 : i32
        %dma_start3A_90 = arith.constant 0 : i32
        %dma_start3A_91 = tpu.memref_slice %arg8[%add3A_89, %dma_start3A_90] : memref<40x128xi32, #tpu.memory_space<vmem>> -> memref<1x128xi32, #tpu.memory_space<vmem>>
        %dma_start3A_92 = tpu.memref_squeeze %dma_start3A_91 : memref<1x128xi32, #tpu.memory_space<vmem>> -> memref<128xi32, #tpu.memory_space<vmem>>
        %dma_start3A_93 = arith.constant 0 : i32
        %dma_start3A_94 = arith.constant 0 : i32
        %dma_start3A_95 = tpu.memref_slice %arg2[%dma_start3A_93, %dma_start3A_94] : memref<10000x128xf32, #tpu.memory_space<hbm>> -> memref<10000x128xf32, #tpu.memory_space<hbm>>
        tpu.enqueue_indirect_dma source(%dma_start3A_95 : memref<10000x128xf32, #tpu.memory_space<hbm>>) target(%arg11 : memref<128x128xf32, #tpu.memory_space<vmem>>) offsets(%dma_start3A_92 : memref<128xi32, #tpu.memory_space<vmem>>) semaphore(%arg14 : memref<!tpu.dma_semaphore, #tpu.memory_space<semaphore_mem>>)
        %dma_wait3A_96 = arith.constant 0 : i32
        %dma_wait3A_97 = arith.constant 0 : i32
        %dma_wait3A_98 = tpu.memref_slice %arg8[%dma_wait3A_96, %dma_wait3A_97] : memref<40x128xi32, #tpu.memory_space<vmem>> -> memref<1x128xi32, #tpu.memory_space<vmem>>
        %dma_wait3A_99 = tpu.memref_squeeze %dma_wait3A_98 : memref<1x128xi32, #tpu.memory_space<vmem>> -> memref<128xi32, #tpu.memory_space<vmem>>
        %dma_wait3A_100 = arith.constant 0 : i32
        %dma_wait3A_101 = arith.constant 0 : i32
        %dma_wait3A_102 = tpu.memref_slice %arg2[%dma_wait3A_100, %dma_wait3A_101] : memref<10000x128xf32, #tpu.memory_space<hbm>> -> memref<10000x128xf32, #tpu.memory_space<hbm>>
        tpu.wait_indirect_dma semaphore(%arg13 : memref<!tpu.dma_semaphore, #tpu.memory_space<semaphore_mem>>) src(%dma_wait3A_102 : memref<10000x128xf32, #tpu.memory_space<hbm>>) dst(%arg10 : memref<128x128xf32, #tpu.memory_space<vmem>>)
        "tpu.region"() ({
          %run_scoped3A = tpu.sem_alloc : memref<!tpu.dma_semaphore, #tpu.memory_space<semaphore_mem>>
          %dma_start3A_121 = arith.constant 0 : i32
          %dma_start3A_122 = tpu.memref_slice %arg9[%mul3A_87, %dma_start3A_121] : memref<40x128xi32, #tpu.memory_space<vmem>> -> memref<1x128xi32, #tpu.memory_space<vmem>>
          %dma_start3A_123 = tpu.memref_squeeze %dma_start3A_122 : memref<1x128xi32, #tpu.memory_space<vmem>> -> memref<128xi32, #tpu.memory_space<vmem>>
          %dma_start3A_124 = arith.constant 0 : i32
          %dma_start3A_125 = arith.constant 0 : i32
          %dma_start3A_126 = tpu.memref_slice %arg12[%dma_start3A_124, %dma_start3A_125] : memref<10112x128xf32, #tpu.memory_space<vmem_shared>> -> memref<10112x128xf32, #tpu.memory_space<vmem_shared>>
          tpu.enqueue_indirect_dma source(%arg10 : memref<128x128xf32, #tpu.memory_space<vmem>>) target(%dma_start3A_126 : memref<10112x128xf32, #tpu.memory_space<vmem_shared>>) offsets(%dma_start3A_123 : memref<128xi32, #tpu.memory_space<vmem>>) semaphore(%run_scoped3A : memref<!tpu.dma_semaphore, #tpu.memory_space<semaphore_mem>>) {add = true}
          %dma_wait3A_127 = arith.constant 0 : i32
          %dma_wait3A_128 = tpu.memref_slice %arg9[%mul3A_87, %dma_wait3A_127] : memref<40x128xi32, #tpu.memory_space<vmem>> -> memref<1x128xi32, #tpu.memory_space<vmem>>
          %dma_wait3A_129 = tpu.memref_squeeze %dma_wait3A_128 : memref<1x128xi32, #tpu.memory_space<vmem>> -> memref<128xi32, #tpu.memory_space<vmem>>
          %dma_wait3A_130 = arith.constant 0 : i32
          %dma_wait3A_131 = arith.constant 0 : i32
          %dma_wait3A_132 = tpu.memref_slice %arg12[%dma_wait3A_130, %dma_wait3A_131] : memref<10112x128xf32, #tpu.memory_space<vmem_shared>> -> memref<10112x128xf32, #tpu.memory_space<vmem_shared>>
          tpu.wait_indirect_dma semaphore(%run_scoped3A : memref<!tpu.dma_semaphore, #tpu.memory_space<semaphore_mem>>) src(%arg10 : memref<128x128xf32, #tpu.memory_space<vmem>>) dst(%dma_wait3A_132 : memref<10112x128xf32, #tpu.memory_space<vmem_shared>>)
          tpu.yield
        }) : () -> ()
        %add3A_103 = arith.constant 2 : i32
        %add3A_104 = arith.addi %mul3A_87, %add3A_103 : i32
        %min3A = arith.constant 39 : i32
        %min3A_105 = arith.minsi %add3A_104, %min3A : i32
        %dma_start3A_106 = arith.constant 0 : i32
        %dma_start3A_107 = tpu.memref_slice %arg8[%min3A_105, %dma_start3A_106] : memref<40x128xi32, #tpu.memory_space<vmem>> -> memref<1x128xi32, #tpu.memory_space<vmem>>
        %dma_start3A_108 = tpu.memref_squeeze %dma_start3A_107 : memref<1x128xi32, #tpu.memory_space<vmem>> -> memref<128xi32, #tpu.memory_space<vmem>>
        %dma_start3A_109 = arith.constant 0 : i32
        %dma_start3A_110 = arith.constant 0 : i32
        %dma_start3A_111 = tpu.memref_slice %arg2[%dma_start3A_109, %dma_start3A_110] : memref<10000x128xf32, #tpu.memory_space<hbm>> -> memref<10000x128xf32, #tpu.memory_space<hbm>>
        tpu.enqueue_indirect_dma source(%dma_start3A_111 : memref<10000x128xf32, #tpu.memory_space<hbm>>) target(%arg10 : memref<128x128xf32, #tpu.memory_space<vmem>>) offsets(%dma_start3A_108 : memref<128xi32, #tpu.memory_space<vmem>>) semaphore(%arg13 : memref<!tpu.dma_semaphore, #tpu.memory_space<semaphore_mem>>)
        %dma_wait3A_112 = arith.constant 0 : i32
        %dma_wait3A_113 = arith.constant 0 : i32
        %dma_wait3A_114 = tpu.memref_slice %arg8[%dma_wait3A_112, %dma_wait3A_113] : memref<40x128xi32, #tpu.memory_space<vmem>> -> memref<1x128xi32, #tpu.memory_space<vmem>>
        %dma_wait3A_115 = tpu.memref_squeeze %dma_wait3A_114 : memref<1x128xi32, #tpu.memory_space<vmem>> -> memref<128xi32, #tpu.memory_space<vmem>>
        %dma_wait3A_116 = arith.constant 0 : i32
        %dma_wait3A_117 = arith.constant 0 : i32
        %dma_wait3A_118 = tpu.memref_slice %arg2[%dma_wait3A_116, %dma_wait3A_117] : memref<10000x128xf32, #tpu.memory_space<hbm>> -> memref<10000x128xf32, #tpu.memory_space<hbm>>
        tpu.wait_indirect_dma semaphore(%arg14 : memref<!tpu.dma_semaphore, #tpu.memory_space<semaphore_mem>>) src(%dma_wait3A_118 : memref<10000x128xf32, #tpu.memory_space<hbm>>) dst(%arg11 : memref<128x128xf32, #tpu.memory_space<vmem>>)
        %add3A_119 = arith.constant 1 : i32
        %add3A_120 = arith.addi %mul3A_87, %add3A_119 : i32
        "tpu.region"() ({
          %run_scoped3A = tpu.sem_alloc : memref<!tpu.dma_semaphore, #tpu.memory_space<semaphore_mem>>
          %dma_start3A_121 = arith.constant 0 : i32
          %dma_start3A_122 = tpu.memref_slice %arg9[%add3A_120, %dma_start3A_121] : memref<40x128xi32, #tpu.memory_space<vmem>> -> memref<1x128xi32, #tpu.memory_space<vmem>>
          %dma_start3A_123 = tpu.memref_squeeze %dma_start3A_122 : memref<1x128xi32, #tpu.memory_space<vmem>> -> memref<128xi32, #tpu.memory_space<vmem>>
          %dma_start3A_124 = arith.constant 0 : i32
          %dma_start3A_125 = arith.constant 0 : i32
          %dma_start3A_126 = tpu.memref_slice %arg12[%dma_start3A_124, %dma_start3A_125] : memref<10112x128xf32, #tpu.memory_space<vmem_shared>> -> memref<10112x128xf32, #tpu.memory_space<vmem_shared>>
          tpu.enqueue_indirect_dma source(%arg11 : memref<128x128xf32, #tpu.memory_space<vmem>>) target(%dma_start3A_126 : memref<10112x128xf32, #tpu.memory_space<vmem_shared>>) offsets(%dma_start3A_123 : memref<128xi32, #tpu.memory_space<vmem>>) semaphore(%run_scoped3A : memref<!tpu.dma_semaphore, #tpu.memory_space<semaphore_mem>>) {add = true}
          %dma_wait3A_127 = arith.constant 0 : i32
          %dma_wait3A_128 = tpu.memref_slice %arg9[%add3A_120, %dma_wait3A_127] : memref<40x128xi32, #tpu.memory_space<vmem>> -> memref<1x128xi32, #tpu.memory_space<vmem>>
          %dma_wait3A_129 = tpu.memref_squeeze %dma_wait3A_128 : memref<1x128xi32, #tpu.memory_space<vmem>> -> memref<128xi32, #tpu.memory_space<vmem>>
          %dma_wait3A_130 = arith.constant 0 : i32
          %dma_wait3A_131 = arith.constant 0 : i32
          %dma_wait3A_132 = tpu.memref_slice %arg12[%dma_wait3A_130, %dma_wait3A_131] : memref<10112x128xf32, #tpu.memory_space<vmem_shared>> -> memref<10112x128xf32, #tpu.memory_space<vmem_shared>>
          tpu.wait_indirect_dma semaphore(%run_scoped3A : memref<!tpu.dma_semaphore, #tpu.memory_space<semaphore_mem>>) src(%arg11 : memref<128x128xf32, #tpu.memory_space<vmem>>) dst(%dma_wait3A_132 : memref<10112x128xf32, #tpu.memory_space<vmem_shared>>)
          tpu.yield
        }) : () -> ()
      }
      %scan3A_77 = arith.constant 20 : i32
      %dma_wait3A_78 = arith.constant 0 : i32
      %dma_wait3A_79 = arith.constant 0 : i32
      %dma_wait3A_80 = tpu.memref_slice %arg8[%dma_wait3A_78, %dma_wait3A_79] : memref<40x128xi32, #tpu.memory_space<vmem>> -> memref<1x128xi32, #tpu.memory_space<vmem>>
      %dma_wait3A_81 = tpu.memref_squeeze %dma_wait3A_80 : memref<1x128xi32, #tpu.memory_space<vmem>> -> memref<128xi32, #tpu.memory_space<vmem>>
      %dma_wait3A_82 = arith.constant 0 : i32
      %dma_wait3A_83 = arith.constant 0 : i32
      %dma_wait3A_84 = tpu.memref_slice %arg2[%dma_wait3A_82, %dma_wait3A_83] : memref<10000x128xf32, #tpu.memory_space<hbm>> -> memref<10000x128xf32, #tpu.memory_space<hbm>>
      tpu.wait_indirect_dma semaphore(%arg13 : memref<!tpu.dma_semaphore, #tpu.memory_space<semaphore_mem>>) src(%dma_wait3A_84 : memref<10000x128xf32, #tpu.memory_space<hbm>>) dst(%arg10 : memref<128x128xf32, #tpu.memory_space<vmem>>)
    } else {
    }
    %eq3A_5 = arith.constant 1 : i32
    %eq3A_6 = arith.cmpi eq, %arg0, %eq3A_5 : i32
    %convert_element_type3A_7 = arith.extui %eq3A_6 : i1 to i32
    %cond3A_8 = arith.constant 0 : i32
    %cond3A_9 = arith.cmpi ne, %convert_element_type3A_7, %cond3A_8 : i32
    scf.if %cond3A_9 {
      %mul3A_15 = arith.constant 40 : i32
      %mul3A_16 = arith.muli %arg1, %mul3A_15 : i32
      %add3A = arith.constant 1920 : i32
      %add3A_17 = arith.addi %add3A, %mul3A_16 : i32
      %add3A_18 = arith.constant 0 : i32
      %add3A_19 = arith.addi %add3A_17, %add3A_18 : i32
      "tpu.region"() ({
        %run_scoped3A = tpu.sem_alloc : memref<!tpu.dma_semaphore, #tpu.memory_space<semaphore_mem>>
        %dma_start3A_39 = arith.constant 0 : i32
        %dma_start3A_40 = arith.constant 0 : i32
        %dma_start3A_41 = tpu.memref_slice %arg8[%dma_start3A_39, %dma_start3A_40] : memref<40x128xi32, #tpu.memory_space<vmem>> -> memref<40x128xi32, #tpu.memory_space<vmem>>
        %dma_start3A_42 = arith.constant 0 : i32
        %dma_start3A_43 = tpu.memref_slice %arg3[%add3A_19, %dma_start3A_42] : memref<2560x128xi32, #tpu.memory_space<hbm>> -> memref<40x128xi32, #tpu.memory_space<hbm>>
        %dma_start3A_44 = arith.constant 0 : i32
        %dma_start3A_45 = arith.constant 0 : i32
        %dma_start3A_46 = tpu.memref_slice %arg8[%dma_start3A_44, %dma_start3A_45] : memref<40x128xi32, #tpu.memory_space<vmem>> -> memref<40x128xi32, #tpu.memory_space<vmem>>
        %dma_start3A_47 = arith.constant 0 : i32
        %dma_start3A_48 = tpu.memref_slice %arg3[%add3A_19, %dma_start3A_47] : memref<2560x128xi32, #tpu.memory_space<hbm>> -> memref<40x128xi32, #tpu.memory_space<hbm>>
        tpu.enqueue_dma source(%dma_start3A_48 : memref<40x128xi32, #tpu.memory_space<hbm>>) target(%dma_start3A_46 : memref<40x128xi32, #tpu.memory_space<vmem>>) target_semaphore(%run_scoped3A : memref<!tpu.dma_semaphore, #tpu.memory_space<semaphore_mem>>)
        %dma_wait3A_49 = arith.constant 0 : i32
        %dma_wait3A_50 = arith.constant 0 : i32
        %dma_wait3A_51 = tpu.memref_slice %arg8[%dma_wait3A_49, %dma_wait3A_50] : memref<40x128xi32, #tpu.memory_space<vmem>> -> memref<40x128xi32, #tpu.memory_space<vmem>>
        %dma_wait3A_52 = arith.constant 0 : i32
        %dma_wait3A_53 = tpu.memref_slice %arg3[%add3A_19, %dma_wait3A_52] : memref<2560x128xi32, #tpu.memory_space<hbm>> -> memref<40x128xi32, #tpu.memory_space<hbm>>
        %dma_wait3A_54 = arith.constant 0 : i32
        %dma_wait3A_55 = arith.constant 0 : i32
        %dma_wait3A_56 = tpu.memref_slice %arg8[%dma_wait3A_54, %dma_wait3A_55] : memref<40x128xi32, #tpu.memory_space<vmem>> -> memref<40x128xi32, #tpu.memory_space<vmem>>
        %dma_wait3A_57 = arith.constant 0 : i32
        %dma_wait3A_58 = tpu.memref_slice %arg3[%add3A_19, %dma_wait3A_57] : memref<2560x128xi32, #tpu.memory_space<hbm>> -> memref<40x128xi32, #tpu.memory_space<hbm>>
        tpu.wait_dma2 semaphore(%run_scoped3A : memref<!tpu.dma_semaphore, #tpu.memory_space<semaphore_mem>>) src(%dma_wait3A_58 : memref<40x128xi32, #tpu.memory_space<hbm>>) dst(%dma_wait3A_56 : memref<40x128xi32, #tpu.memory_space<vmem>>)
        tpu.yield
      }) : () -> ()
      %add3A_20 = arith.constant 0 : i32
      %add3A_21 = arith.addi %add3A_17, %add3A_20 : i32
      "tpu.region"() ({
        %run_scoped3A = tpu.sem_alloc : memref<!tpu.dma_semaphore, #tpu.memory_space<semaphore_mem>>
        %dma_start3A_39 = arith.constant 0 : i32
        %dma_start3A_40 = arith.constant 0 : i32
        %dma_start3A_41 = tpu.memref_slice %arg9[%dma_start3A_39, %dma_start3A_40] : memref<40x128xi32, #tpu.memory_space<vmem>> -> memref<40x128xi32, #tpu.memory_space<vmem>>
        %dma_start3A_42 = arith.constant 0 : i32
        %dma_start3A_43 = tpu.memref_slice %arg4[%add3A_21, %dma_start3A_42] : memref<2560x128xi32, #tpu.memory_space<hbm>> -> memref<40x128xi32, #tpu.memory_space<hbm>>
        %dma_start3A_44 = arith.constant 0 : i32
        %dma_start3A_45 = arith.constant 0 : i32
        %dma_start3A_46 = tpu.memref_slice %arg9[%dma_start3A_44, %dma_start3A_45] : memref<40x128xi32, #tpu.memory_space<vmem>> -> memref<40x128xi32, #tpu.memory_space<vmem>>
        %dma_start3A_47 = arith.constant 0 : i32
        %dma_start3A_48 = tpu.memref_slice %arg4[%add3A_21, %dma_start3A_47] : memref<2560x128xi32, #tpu.memory_space<hbm>> -> memref<40x128xi32, #tpu.memory_space<hbm>>
        tpu.enqueue_dma source(%dma_start3A_48 : memref<40x128xi32, #tpu.memory_space<hbm>>) target(%dma_start3A_46 : memref<40x128xi32, #tpu.memory_space<vmem>>) target_semaphore(%run_scoped3A : memref<!tpu.dma_semaphore, #tpu.memory_space<semaphore_mem>>)
        %dma_wait3A_49 = arith.constant 0 : i32
        %dma_wait3A_50 = arith.constant 0 : i32
        %dma_wait3A_51 = tpu.memref_slice %arg9[%dma_wait3A_49, %dma_wait3A_50] : memref<40x128xi32, #tpu.memory_space<vmem>> -> memref<40x128xi32, #tpu.memory_space<vmem>>
        %dma_wait3A_52 = arith.constant 0 : i32
        %dma_wait3A_53 = tpu.memref_slice %arg4[%add3A_21, %dma_wait3A_52] : memref<2560x128xi32, #tpu.memory_space<hbm>> -> memref<40x128xi32, #tpu.memory_space<hbm>>
        %dma_wait3A_54 = arith.constant 0 : i32
        %dma_wait3A_55 = arith.constant 0 : i32
        %dma_wait3A_56 = tpu.memref_slice %arg9[%dma_wait3A_54, %dma_wait3A_55] : memref<40x128xi32, #tpu.memory_space<vmem>> -> memref<40x128xi32, #tpu.memory_space<vmem>>
        %dma_wait3A_57 = arith.constant 0 : i32
        %dma_wait3A_58 = tpu.memref_slice %arg4[%add3A_21, %dma_wait3A_57] : memref<2560x128xi32, #tpu.memory_space<hbm>> -> memref<40x128xi32, #tpu.memory_space<hbm>>
        tpu.wait_dma2 semaphore(%run_scoped3A : memref<!tpu.dma_semaphore, #tpu.memory_space<semaphore_mem>>) src(%dma_wait3A_58 : memref<40x128xi32, #tpu.memory_space<hbm>>) dst(%dma_wait3A_56 : memref<40x128xi32, #tpu.memory_space<vmem>>)
        tpu.yield
      }) : () -> ()
      %dma_start3A = arith.constant 0 : i32
      %dma_start3A_22 = arith.constant 0 : i32
      %dma_start3A_23 = tpu.memref_slice %arg8[%dma_start3A, %dma_start3A_22] : memref<40x128xi32, #tpu.memory_space<vmem>> -> memref<1x128xi32, #tpu.memory_space<vmem>>
      %dma_start3A_24 = tpu.memref_squeeze %dma_start3A_23 : memref<1x128xi32, #tpu.memory_space<vmem>> -> memref<128xi32, #tpu.memory_space<vmem>>
      %dma_start3A_25 = arith.constant 0 : i32
      %dma_start3A_26 = arith.constant 0 : i32
      %dma_start3A_27 = tpu.memref_slice %arg2[%dma_start3A_25, %dma_start3A_26] : memref<10000x128xf32, #tpu.memory_space<hbm>> -> memref<10000x128xf32, #tpu.memory_space<hbm>>
      tpu.enqueue_indirect_dma source(%dma_start3A_27 : memref<10000x128xf32, #tpu.memory_space<hbm>>) target(%arg10 : memref<128x128xf32, #tpu.memory_space<vmem>>) offsets(%dma_start3A_24 : memref<128xi32, #tpu.memory_space<vmem>>) semaphore(%arg13 : memref<!tpu.dma_semaphore, #tpu.memory_space<semaphore_mem>>)
      %scan3A = arith.constant 0 : i32
      %scan3A_28 = arith.constant 0 : i32
      %scan3A_29 = arith.constant 20 : i32
      %scan3A_30 = arith.addi %scan3A_28, %scan3A_29 : i32
      %scan3A_31 = arith.constant 1 : i32
      scf.for %scan3A_39 = %scan3A_28 to %scan3A_30 step %scan3A_31  : i32 {
        %mul3A_40 = arith.constant 2 : i32
        %mul3A_41 = arith.muli %mul3A_40, %scan3A_39 : i32
        %add3A_42 = arith.constant 1 : i32
        %add3A_43 = arith.addi %mul3A_41, %add3A_42 : i32
        %dma_start3A_44 = arith.constant 0 : i32
        %dma_start3A_45 = tpu.memref_slice %arg8[%add3A_43, %dma_start3A_44] : memref<40x128xi32, #tpu.memory_space<vmem>> -> memref<1x128xi32, #tpu.memory_space<vmem>>
        %dma_start3A_46 = tpu.memref_squeeze %dma_start3A_45 : memref<1x128xi32, #tpu.memory_space<vmem>> -> memref<128xi32, #tpu.memory_space<vmem>>
        %dma_start3A_47 = arith.constant 0 : i32
        %dma_start3A_48 = arith.constant 0 : i32
        %dma_start3A_49 = tpu.memref_slice %arg2[%dma_start3A_47, %dma_start3A_48] : memref<10000x128xf32, #tpu.memory_space<hbm>> -> memref<10000x128xf32, #tpu.memory_space<hbm>>
        tpu.enqueue_indirect_dma source(%dma_start3A_49 : memref<10000x128xf32, #tpu.memory_space<hbm>>) target(%arg11 : memref<128x128xf32, #tpu.memory_space<vmem>>) offsets(%dma_start3A_46 : memref<128xi32, #tpu.memory_space<vmem>>) semaphore(%arg14 : memref<!tpu.dma_semaphore, #tpu.memory_space<semaphore_mem>>)
        %dma_wait3A_50 = arith.constant 0 : i32
        %dma_wait3A_51 = arith.constant 0 : i32
        %dma_wait3A_52 = tpu.memref_slice %arg8[%dma_wait3A_50, %dma_wait3A_51] : memref<40x128xi32, #tpu.memory_space<vmem>> -> memref<1x128xi32, #tpu.memory_space<vmem>>
        %dma_wait3A_53 = tpu.memref_squeeze %dma_wait3A_52 : memref<1x128xi32, #tpu.memory_space<vmem>> -> memref<128xi32, #tpu.memory_space<vmem>>
        %dma_wait3A_54 = arith.constant 0 : i32
        %dma_wait3A_55 = arith.constant 0 : i32
        %dma_wait3A_56 = tpu.memref_slice %arg2[%dma_wait3A_54, %dma_wait3A_55] : memref<10000x128xf32, #tpu.memory_space<hbm>> -> memref<10000x128xf32, #tpu.memory_space<hbm>>
        tpu.wait_indirect_dma semaphore(%arg13 : memref<!tpu.dma_semaphore, #tpu.memory_space<semaphore_mem>>) src(%dma_wait3A_56 : memref<10000x128xf32, #tpu.memory_space<hbm>>) dst(%arg10 : memref<128x128xf32, #tpu.memory_space<vmem>>)
        "tpu.region"() ({
          %run_scoped3A = tpu.sem_alloc : memref<!tpu.dma_semaphore, #tpu.memory_space<semaphore_mem>>
          %dma_start3A_75 = arith.constant 0 : i32
          %dma_start3A_76 = tpu.memref_slice %arg9[%mul3A_41, %dma_start3A_75] : memref<40x128xi32, #tpu.memory_space<vmem>> -> memref<1x128xi32, #tpu.memory_space<vmem>>
          %dma_start3A_77 = tpu.memref_squeeze %dma_start3A_76 : memref<1x128xi32, #tpu.memory_space<vmem>> -> memref<128xi32, #tpu.memory_space<vmem>>
          %dma_start3A_78 = arith.constant 0 : i32
          %dma_start3A_79 = arith.constant 0 : i32
          %dma_start3A_80 = tpu.memref_slice %arg12[%dma_start3A_78, %dma_start3A_79] : memref<10112x128xf32, #tpu.memory_space<vmem_shared>> -> memref<10112x128xf32, #tpu.memory_space<vmem_shared>>
          tpu.enqueue_indirect_dma source(%arg10 : memref<128x128xf32, #tpu.memory_space<vmem>>) target(%dma_start3A_80 : memref<10112x128xf32, #tpu.memory_space<vmem_shared>>) offsets(%dma_start3A_77 : memref<128xi32, #tpu.memory_space<vmem>>) semaphore(%run_scoped3A : memref<!tpu.dma_semaphore, #tpu.memory_space<semaphore_mem>>) {add = true}
          %dma_wait3A_81 = arith.constant 0 : i32
          %dma_wait3A_82 = tpu.memref_slice %arg9[%mul3A_41, %dma_wait3A_81] : memref<40x128xi32, #tpu.memory_space<vmem>> -> memref<1x128xi32, #tpu.memory_space<vmem>>
          %dma_wait3A_83 = tpu.memref_squeeze %dma_wait3A_82 : memref<1x128xi32, #tpu.memory_space<vmem>> -> memref<128xi32, #tpu.memory_space<vmem>>
          %dma_wait3A_84 = arith.constant 0 : i32
          %dma_wait3A_85 = arith.constant 0 : i32
          %dma_wait3A_86 = tpu.memref_slice %arg12[%dma_wait3A_84, %dma_wait3A_85] : memref<10112x128xf32, #tpu.memory_space<vmem_shared>> -> memref<10112x128xf32, #tpu.memory_space<vmem_shared>>
          tpu.wait_indirect_dma semaphore(%run_scoped3A : memref<!tpu.dma_semaphore, #tpu.memory_space<semaphore_mem>>) src(%arg10 : memref<128x128xf32, #tpu.memory_space<vmem>>) dst(%dma_wait3A_86 : memref<10112x128xf32, #tpu.memory_space<vmem_shared>>)
          tpu.yield
        }) : () -> ()
        %add3A_57 = arith.constant 2 : i32
        %add3A_58 = arith.addi %mul3A_41, %add3A_57 : i32
        %min3A = arith.constant 39 : i32
        %min3A_59 = arith.minsi %add3A_58, %min3A : i32
        %dma_start3A_60 = arith.constant 0 : i32
        %dma_start3A_61 = tpu.memref_slice %arg8[%min3A_59, %dma_start3A_60] : memref<40x128xi32, #tpu.memory_space<vmem>> -> memref<1x128xi32, #tpu.memory_space<vmem>>
        %dma_start3A_62 = tpu.memref_squeeze %dma_start3A_61 : memref<1x128xi32, #tpu.memory_space<vmem>> -> memref<128xi32, #tpu.memory_space<vmem>>
        %dma_start3A_63 = arith.constant 0 : i32
        %dma_start3A_64 = arith.constant 0 : i32
        %dma_start3A_65 = tpu.memref_slice %arg2[%dma_start3A_63, %dma_start3A_64] : memref<10000x128xf32, #tpu.memory_space<hbm>> -> memref<10000x128xf32, #tpu.memory_space<hbm>>
        tpu.enqueue_indirect_dma source(%dma_start3A_65 : memref<10000x128xf32, #tpu.memory_space<hbm>>) target(%arg10 : memref<128x128xf32, #tpu.memory_space<vmem>>) offsets(%dma_start3A_62 : memref<128xi32, #tpu.memory_space<vmem>>) semaphore(%arg13 : memref<!tpu.dma_semaphore, #tpu.memory_space<semaphore_mem>>)
        %dma_wait3A_66 = arith.constant 0 : i32
        %dma_wait3A_67 = arith.constant 0 : i32
        %dma_wait3A_68 = tpu.memref_slice %arg8[%dma_wait3A_66, %dma_wait3A_67] : memref<40x128xi32, #tpu.memory_space<vmem>> -> memref<1x128xi32, #tpu.memory_space<vmem>>
        %dma_wait3A_69 = tpu.memref_squeeze %dma_wait3A_68 : memref<1x128xi32, #tpu.memory_space<vmem>> -> memref<128xi32, #tpu.memory_space<vmem>>
        %dma_wait3A_70 = arith.constant 0 : i32
        %dma_wait3A_71 = arith.constant 0 : i32
        %dma_wait3A_72 = tpu.memref_slice %arg2[%dma_wait3A_70, %dma_wait3A_71] : memref<10000x128xf32, #tpu.memory_space<hbm>> -> memref<10000x128xf32, #tpu.memory_space<hbm>>
        tpu.wait_indirect_dma semaphore(%arg14 : memref<!tpu.dma_semaphore, #tpu.memory_space<semaphore_mem>>) src(%dma_wait3A_72 : memref<10000x128xf32, #tpu.memory_space<hbm>>) dst(%arg11 : memref<128x128xf32, #tpu.memory_space<vmem>>)
        %add3A_73 = arith.constant 1 : i32
        %add3A_74 = arith.addi %mul3A_41, %add3A_73 : i32
        "tpu.region"() ({
          %run_scoped3A = tpu.sem_alloc : memref<!tpu.dma_semaphore, #tpu.memory_space<semaphore_mem>>
          %dma_start3A_75 = arith.constant 0 : i32
          %dma_start3A_76 = tpu.memref_slice %arg9[%add3A_74, %dma_start3A_75] : memref<40x128xi32, #tpu.memory_space<vmem>> -> memref<1x128xi32, #tpu.memory_space<vmem>>
          %dma_start3A_77 = tpu.memref_squeeze %dma_start3A_76 : memref<1x128xi32, #tpu.memory_space<vmem>> -> memref<128xi32, #tpu.memory_space<vmem>>
          %dma_start3A_78 = arith.constant 0 : i32
          %dma_start3A_79 = arith.constant 0 : i32
          %dma_start3A_80 = tpu.memref_slice %arg12[%dma_start3A_78, %dma_start3A_79] : memref<10112x128xf32, #tpu.memory_space<vmem_shared>> -> memref<10112x128xf32, #tpu.memory_space<vmem_shared>>
          tpu.enqueue_indirect_dma source(%arg11 : memref<128x128xf32, #tpu.memory_space<vmem>>) target(%dma_start3A_80 : memref<10112x128xf32, #tpu.memory_space<vmem_shared>>) offsets(%dma_start3A_77 : memref<128xi32, #tpu.memory_space<vmem>>) semaphore(%run_scoped3A : memref<!tpu.dma_semaphore, #tpu.memory_space<semaphore_mem>>) {add = true}
          %dma_wait3A_81 = arith.constant 0 : i32
          %dma_wait3A_82 = tpu.memref_slice %arg9[%add3A_74, %dma_wait3A_81] : memref<40x128xi32, #tpu.memory_space<vmem>> -> memref<1x128xi32, #tpu.memory_space<vmem>>
          %dma_wait3A_83 = tpu.memref_squeeze %dma_wait3A_82 : memref<1x128xi32, #tpu.memory_space<vmem>> -> memref<128xi32, #tpu.memory_space<vmem>>
          %dma_wait3A_84 = arith.constant 0 : i32
          %dma_wait3A_85 = arith.constant 0 : i32
          %dma_wait3A_86 = tpu.memref_slice %arg12[%dma_wait3A_84, %dma_wait3A_85] : memref<10112x128xf32, #tpu.memory_space<vmem_shared>> -> memref<10112x128xf32, #tpu.memory_space<vmem_shared>>
          tpu.wait_indirect_dma semaphore(%run_scoped3A : memref<!tpu.dma_semaphore, #tpu.memory_space<semaphore_mem>>) src(%arg11 : memref<128x128xf32, #tpu.memory_space<vmem>>) dst(%dma_wait3A_86 : memref<10112x128xf32, #tpu.memory_space<vmem_shared>>)
          tpu.yield
        }) : () -> ()
      }
      %scan3A_32 = arith.constant 20 : i32
      %dma_wait3A = arith.constant 0 : i32
      %dma_wait3A_33 = arith.constant 0 : i32
      %dma_wait3A_34 = tpu.memref_slice %arg8[%dma_wait3A, %dma_wait3A_33] : memref<40x128xi32, #tpu.memory_space<vmem>> -> memref<1x128xi32, #tpu.memory_space<vmem>>
      %dma_wait3A_35 = tpu.memref_squeeze %dma_wait3A_34 : memref<1x128xi32, #tpu.memory_space<vmem>> -> memref<128xi32, #tpu.memory_space<vmem>>
      %dma_wait3A_36 = arith.constant 0 : i32
      %dma_wait3A_37 = arith.constant 0 : i32
      %dma_wait3A_38 = tpu.memref_slice %arg2[%dma_wait3A_36, %dma_wait3A_37] : memref<10000x128xf32, #tpu.memory_space<hbm>> -> memref<10000x128xf32, #tpu.memory_space<hbm>>
      tpu.wait_indirect_dma semaphore(%arg13 : memref<!tpu.dma_semaphore, #tpu.memory_space<semaphore_mem>>) src(%dma_wait3A_38 : memref<10000x128xf32, #tpu.memory_space<hbm>>) dst(%arg10 : memref<128x128xf32, #tpu.memory_space<vmem>>)
    } else {
    }
    %barrier3A_10 = arith.constant 0 : index
    tpu.barrier barrier_id(%barrier3A_10)
    %mul3A_11 = arith.constant 632 : i32
    %mul3A_12 = arith.muli %arg1, %mul3A_11 : i32
    %mul3A_13 = arith.constant 632 : i32
    %mul3A_14 = arith.muli %arg1, %mul3A_13 : i32
    "tpu.region"() ({
      %run_scoped3A = tpu.sem_alloc : memref<!tpu.dma_semaphore, #tpu.memory_space<semaphore_mem>>
      %dma_start3A = arith.constant 0 : i32
      %dma_start3A_15 = tpu.memref_slice %arg7[%arg0, %mul3A_14, %dma_start3A] : memref<2x10112x128xf32, #tpu.memory_space<hbm>> -> memref<1x632x128xf32, #tpu.memory_space<hbm>>
      %dma_start3A_16 = tpu.memref_squeeze %dma_start3A_15 : memref<1x632x128xf32, #tpu.memory_space<hbm>> -> memref<632x128xf32, #tpu.memory_space<hbm>>
      %dma_start3A_17 = arith.constant 0 : i32
      %dma_start3A_18 = tpu.memref_slice %arg12[%mul3A_12, %dma_start3A_17] : memref<10112x128xf32, #tpu.memory_space<vmem_shared>> -> memref<632x128xf32, #tpu.memory_space<vmem_shared>>
      tpu.enqueue_dma source(%dma_start3A_18 : memref<632x128xf32, #tpu.memory_space<vmem_shared>>) target(%dma_start3A_16 : memref<632x128xf32, #tpu.memory_space<hbm>>) target_semaphore(%run_scoped3A : memref<!tpu.dma_semaphore, #tpu.memory_space<semaphore_mem>>)
      %dma_wait3A = arith.constant 0 : i32
      %dma_wait3A_19 = tpu.memref_slice %arg7[%arg0, %mul3A_14, %dma_wait3A] : memref<2x10112x128xf32, #tpu.memory_space<hbm>> -> memref<1x632x128xf32, #tpu.memory_space<hbm>>
      %dma_wait3A_20 = tpu.memref_squeeze %dma_wait3A_19 : memref<1x632x128xf32, #tpu.memory_space<hbm>> -> memref<632x128xf32, #tpu.memory_space<hbm>>
      %dma_wait3A_21 = arith.constant 0 : i32
      %dma_wait3A_22 = tpu.memref_slice %arg12[%mul3A_12, %dma_wait3A_21] : memref<10112x128xf32, #tpu.memory_space<vmem_shared>> -> memref<632x128xf32, #tpu.memory_space<vmem_shared>>
      tpu.wait_dma2 semaphore(%run_scoped3A : memref<!tpu.dma_semaphore, #tpu.memory_space<semaphore_mem>>) src(%dma_wait3A_22 : memref<632x128xf32, #tpu.memory_space<vmem_shared>>) dst(%dma_wait3A_20 : memref<632x128xf32, #tpu.memory_space<hbm>>)
      tpu.yield
    }) : () -> ()
    return
  }
}

module attributes {stable_mosaic.version = 14 : i64} {
  func.func @_k1_body(%arg0: i32, %arg1: memref<400x128xf32, #tpu.memory_space<vmem>>, %arg2: memref<128x128xf32, #tpu.memory_space<vmem>>, %arg3: memref<128x128xf32, #tpu.memory_space<vmem>>, %arg4: memref<128xf32, #tpu.memory_space<vmem>>, %arg5: memref<400x128xf32, #tpu.memory_space<vmem>>, %arg6: memref<400x128xf32, #tpu.memory_space<vmem>>) attributes {dimension_semantics = [#tpu.dimension_semantics<arbitrary>], iteration_bounds = array<i64: 25>, scalar_prefetch = 0 : i64, scratch_operands = 0 : i64, tpu.core_type = #tpu.core_type<tc>, window_params = [{transform_indices = @transform_0, window_bounds = array<i64: 400, 128>}, {pipeline_mode = #tpu.pipeline_mode<synchronous>, transform_indices = @transform_1, window_bounds = array<i64: 128, 128>}, {pipeline_mode = #tpu.pipeline_mode<synchronous>, transform_indices = @transform_2, window_bounds = array<i64: 128, 128>}, {pipeline_mode = #tpu.pipeline_mode<synchronous>, transform_indices = @transform_3, window_bounds = array<i64: 128>}, {transform_indices = @transform_4, window_bounds = array<i64: 400, 128>}, {transform_indices = @transform_5, window_bounds = array<i64: 400, 128>}]} {
    %get3A = arith.constant 0 : index
    %get3A_0 = arith.constant 0 : index
    %get3A_1 = vector.load %arg1[%get3A, %get3A_0] : memref<400x128xf32, #tpu.memory_space<vmem>>, vector<400x128xf32>
    %get3A_2 = arith.constant 0 : index
    %get3A_3 = arith.constant 0 : index
    %get3A_4 = vector.load %arg2[%get3A_2, %get3A_3] : memref<128x128xf32, #tpu.memory_space<vmem>>, vector<128x128xf32>
    %dot_general3A = arith.constant dense<0.000000e+00> : vector<400x128xf32>
    %dot_general3A_5 = tpu.matmul %get3A_1, %get3A_4, %dot_general3A {dimension_numbers = #tpu.dot_dimension_numbers<[1], [0], [0], [1], [0, 0, 1, 1], [], []>, transpose_lhs_hint = false} : vector<400x128xf32>, vector<128x128xf32>, vector<400x128xf32> -> vector<400x128xf32>
    %swap3A = arith.constant 0 : index
    %swap3A_6 = arith.constant 0 : index
    %swap3A_7 = vector.load %arg5[%swap3A, %swap3A_6] : memref<400x128xf32, #tpu.memory_space<vmem>>, vector<400x128xf32>
    tpu.vector_store %arg5[%swap3A, %swap3A_6], %dot_general3A_5 {strides = array<i32>} : memref<400x128xf32, #tpu.memory_space<vmem>>, vector<400x128xf32>,
    %get3A_8 = arith.constant 0 : index
    %get3A_9 = arith.constant 0 : index
    %get3A_10 = vector.load %arg3[%get3A_8, %get3A_9] : memref<128x128xf32, #tpu.memory_space<vmem>>, vector<128x128xf32>
    %dot_general3A_11 = arith.constant dense<0.000000e+00> : vector<400x128xf32>
    %dot_general3A_12 = tpu.matmul %get3A_1, %get3A_10, %dot_general3A_11 {dimension_numbers = #tpu.dot_dimension_numbers<[1], [0], [0], [1], [0, 0, 1, 1], [], []>, transpose_lhs_hint = false} : vector<400x128xf32>, vector<128x128xf32>, vector<400x128xf32> -> vector<400x128xf32>
    %get3A_13 = arith.constant 0 : index
    %get3A_14 = vector.load %arg4[%get3A_13] : memref<128xf32, #tpu.memory_space<vmem>>, vector<128xf32>
    %broadcast_in_dim3A = vector.shape_cast %get3A_14 : vector<128xf32> to vector<1x128xf32>
    %add3A = vector.broadcast %broadcast_in_dim3A : vector<1x128xf32> to vector<400x128xf32>
    %add3A_15 = arith.addf %dot_general3A_12, %add3A : vector<400x128xf32>
    %swap3A_16 = arith.constant 0 : index
    %swap3A_17 = arith.constant 0 : index
    %swap3A_18 = vector.load %arg6[%swap3A_16, %swap3A_17] : memref<400x128xf32, #tpu.memory_space<vmem>>, vector<400x128xf32>
    tpu.vector_store %arg6[%swap3A_16, %swap3A_17], %add3A_15 {strides = array<i32>} : memref<400x128xf32, #tpu.memory_space<vmem>>, vector<400x128xf32>,
    return
  }
  func.func @transform_0(%arg0: i32) -> (i32, i32) {
    %c0_i32 = arith.constant 0 : i32
    %c0_i32_0 = arith.constant 0 : i32
    return %arg0, %c0_i32 : i32, i32
  }
  func.func @transform_1(%arg0: i32) -> (i32, i32) {
    %c0_i32 = arith.constant 0 : i32
    %c0_i32_0 = arith.constant 0 : i32
    %c0_i32_1 = arith.constant 0 : i32
    return %c0_i32, %c0_i32_0 : i32, i32
  }
  func.func @transform_2(%arg0: i32) -> (i32, i32) {
    %c0_i32 = arith.constant 0 : i32
    %c0_i32_0 = arith.constant 0 : i32
    %c0_i32_1 = arith.constant 0 : i32
    return %c0_i32, %c0_i32_0 : i32, i32
  }
  func.func @transform_3(%arg0: i32) -> i32 {
    %c0_i32 = arith.constant 0 : i32
    %c0_i32_0 = arith.constant 0 : i32
    return %c0_i32 : i32
  }
  func.func @transform_4(%arg0: i32) -> (i32, i32) {
    %c0_i32 = arith.constant 0 : i32
    %c0_i32_0 = arith.constant 0 : i32
    return %arg0, %c0_i32 : i32, i32
  }
  func.func @transform_5(%arg0: i32) -> (i32, i32) {
    %c0_i32 = arith.constant 0 : i32
    %c0_i32_0 = arith.constant 0 : i32
    return %arg0, %c0_i32 : i32, i32
  }
}

module attributes {stable_mosaic.version = 14 : i64} {
  func.func @_k2_body(%arg0: i32, %arg1: memref<2x400x128xf32, #tpu.memory_space<vmem>>, %arg2: memref<400x128xf32, #tpu.memory_space<vmem>>, %arg3: memref<400x8xf32, #tpu.memory_space<vmem>>, %arg4: memref<128x64xf32, #tpu.memory_space<vmem>>, %arg5: memref<128x64xf32, #tpu.memory_space<vmem>>, %arg6: memref<64xf32, #tpu.memory_space<vmem>>, %arg7: memref<400x128xf32, #tpu.memory_space<vmem>>, %arg8: memref<400x64xf32, #tpu.memory_space<vmem>>) attributes {dimension_semantics = [#tpu.dimension_semantics<arbitrary>], iteration_bounds = array<i64: 25>, scalar_prefetch = 0 : i64, scratch_operands = 0 : i64, tpu.core_type = #tpu.core_type<tc>, window_params = [{transform_indices = @transform_0, window_bounds = array<i64: 2, 400, 128>}, {transform_indices = @transform_1, window_bounds = array<i64: 400, 128>}, {transform_indices = @transform_2, window_bounds = array<i64: 400, 8>}, {pipeline_mode = #tpu.pipeline_mode<synchronous>, transform_indices = @transform_3, window_bounds = array<i64: 128, 64>}, {pipeline_mode = #tpu.pipeline_mode<synchronous>, transform_indices = @transform_4, window_bounds = array<i64: 128, 64>}, {pipeline_mode = #tpu.pipeline_mode<synchronous>, transform_indices = @transform_5, window_bounds = array<i64: 64>}, {transform_indices = @transform_6, window_bounds = array<i64: 400, 128>}, {transform_indices = @transform_7, window_bounds = array<i64: 400, 64>}]} {
    %get3A = arith.constant 0 : index
    %get3A_0 = arith.constant 0 : index
    %get3A_1 = arith.constant 0 : index
    %get3A_2 = vector.load %arg1[%get3A, %get3A_0, %get3A_1] : memref<2x400x128xf32, #tpu.memory_space<vmem>>, vector<1x400x128xf32>
    %get3A_3 = vector.shape_cast %get3A_2 : vector<1x400x128xf32> to vector<400x128xf32>
    %get3A_4 = arith.constant 1 : index
    %get3A_5 = arith.constant 0 : index
    %get3A_6 = arith.constant 0 : index
    %get3A_7 = vector.load %arg1[%get3A_4, %get3A_5, %get3A_6] : memref<2x400x128xf32, #tpu.memory_space<vmem>>, vector<1x400x128xf32>
    %get3A_8 = vector.shape_cast %get3A_7 : vector<1x400x128xf32> to vector<400x128xf32>
    %add3A = arith.addf %get3A_3, %get3A_8 : vector<400x128xf32>
    %get3A_9 = arith.constant 0 : index
    %get3A_10 = arith.constant 0 : index
    %get3A_11 = vector.load %arg3[%get3A_9, %get3A_10] : memref<400x8xf32, #tpu.memory_space<vmem>>, vector<400x1xf32>
    %mul3A = vector.broadcast %get3A_11 : vector<400x1xf32> to vector<400x128xf32>
    %mul3A_12 = arith.mulf %add3A, %mul3A : vector<400x128xf32>
    %get3A_13 = arith.constant 0 : index
    %get3A_14 = arith.constant 0 : index
    %get3A_15 = vector.load %arg2[%get3A_13, %get3A_14] : memref<400x128xf32, #tpu.memory_space<vmem>>, vector<400x128xf32>
    %add3A_16 = arith.addf %mul3A_12, %get3A_15 : vector<400x128xf32>
    %max3A = arith.constant 0.000000e+00 : f32
    %max3A_17 = vector.broadcast %max3A : f32 to vector<400x128xf32>
    %max3A_18 = arith.maximumf %add3A_16, %max3A_17 : vector<400x128xf32>
    %get3A_19 = arith.constant 0 : index
    %get3A_20 = arith.constant 0 : index
    %get3A_21 = vector.load %arg4[%get3A_19, %get3A_20] : memref<128x64xf32, #tpu.memory_space<vmem>>, vector<128x64xf32>
    %dot_general3A = arith.constant dense<0.000000e+00> : vector<400x64xf32>
    %dot_general3A_22 = tpu.matmul %max3A_18, %get3A_21, %dot_general3A {dimension_numbers = #tpu.dot_dimension_numbers<[1], [0], [0], [1], [0, 0, 1, 1], [], []>, transpose_lhs_hint = false} : vector<400x128xf32>, vector<128x64xf32>, vector<400x64xf32> -> vector<400x64xf32>
    %broadcast_in_dim3A = arith.constant 0.000000e+00 : f32
    %broadcast_in_dim3A_23 = vector.broadcast %broadcast_in_dim3A : f32 to vector<400x64xf32>
    %concatenate3A = tpu.concatenate %dot_general3A_22, %broadcast_in_dim3A_23 in 1 : vector<400x64xf32>, vector<400x64xf32> -> vector<400x128xf32>
    %swap3A = arith.constant 0 : index
    %swap3A_24 = arith.constant 0 : index
    %swap3A_25 = vector.load %arg7[%swap3A, %swap3A_24] : memref<400x128xf32, #tpu.memory_space<vmem>>, vector<400x128xf32>
    tpu.vector_store %arg7[%swap3A, %swap3A_24], %concatenate3A {strides = array<i32>} : memref<400x128xf32, #tpu.memory_space<vmem>>, vector<400x128xf32>,
    %get3A_26 = arith.constant 0 : index
    %get3A_27 = arith.constant 0 : index
    %get3A_28 = vector.load %arg5[%get3A_26, %get3A_27] : memref<128x64xf32, #tpu.memory_space<vmem>>, vector<128x64xf32>
    %dot_general3A_29 = arith.constant dense<0.000000e+00> : vector<400x64xf32>
    %dot_general3A_30 = tpu.matmul %max3A_18, %get3A_28, %dot_general3A_29 {dimension_numbers = #tpu.dot_dimension_numbers<[1], [0], [0], [1], [0, 0, 1, 1], [], []>, transpose_lhs_hint = false} : vector<400x128xf32>, vector<128x64xf32>, vector<400x64xf32> -> vector<400x64xf32>
    %get3A_31 = arith.constant 0 : index
    %get3A_32 = vector.load %arg6[%get3A_31] : memref<64xf32, #tpu.memory_space<vmem>>, vector<64xf32>
    %broadcast_in_dim3A_33 = vector.shape_cast %get3A_32 : vector<64xf32> to vector<1x64xf32>
    %add3A_34 = vector.broadcast %broadcast_in_dim3A_33 : vector<1x64xf32> to vector<400x64xf32>
    %add3A_35 = arith.addf %dot_general3A_30, %add3A_34 : vector<400x64xf32>
    %swap3A_36 = arith.constant 0 : index
    %swap3A_37 = arith.constant 0 : index
    %swap3A_38 = vector.load %arg8[%swap3A_36, %swap3A_37] : memref<400x64xf32, #tpu.memory_space<vmem>>, vector<400x64xf32>
    tpu.vector_store %arg8[%swap3A_36, %swap3A_37], %add3A_35 {strides = array<i32>} : memref<400x64xf32, #tpu.memory_space<vmem>>, vector<400x64xf32>,
    return
  }
  func.func @transform_0(%arg0: i32) -> (i32, i32, i32) {
    %c0_i32 = arith.constant 0 : i32
    %c0_i32_0 = arith.constant 0 : i32
    %c0_i32_1 = arith.constant 0 : i32
    return %c0_i32, %arg0, %c0_i32_0 : i32, i32, i32
  }
  func.func @transform_1(%arg0: i32) -> (i32, i32) {
    %c0_i32 = arith.constant 0 : i32
    %c0_i32_0 = arith.constant 0 : i32
    return %arg0, %c0_i32 : i32, i32
  }
  func.func @transform_2(%arg0: i32) -> (i32, i32) {
    %c0_i32 = arith.constant 0 : i32
    %c0_i32_0 = arith.constant 0 : i32
    return %arg0, %c0_i32 : i32, i32
  }
  func.func @transform_3(%arg0: i32) -> (i32, i32) {
    %c0_i32 = arith.constant 0 : i32
    %c0_i32_0 = arith.constant 0 : i32
    %c0_i32_1 = arith.constant 0 : i32
    return %c0_i32, %c0_i32_0 : i32, i32
  }
  func.func @transform_4(%arg0: i32) -> (i32, i32) {
    %c0_i32 = arith.constant 0 : i32
    %c0_i32_0 = arith.constant 0 : i32
    %c0_i32_1 = arith.constant 0 : i32
    return %c0_i32, %c0_i32_0 : i32, i32
  }
  func.func @transform_5(%arg0: i32) -> i32 {
    %c0_i32 = arith.constant 0 : i32
    %c0_i32_0 = arith.constant 0 : i32
    return %c0_i32 : i32
  }
  func.func @transform_6(%arg0: i32) -> (i32, i32) {
    %c0_i32 = arith.constant 0 : i32
    %c0_i32_0 = arith.constant 0 : i32
    return %arg0, %c0_i32 : i32, i32
  }
  func.func @transform_7(%arg0: i32) -> (i32, i32) {
    %c0_i32 = arith.constant 0 : i32
    %c0_i32_0 = arith.constant 0 : i32
    return %arg0, %c0_i32 : i32, i32
  }
}

module attributes {stable_mosaic.version = 14 : i64} {
  func.func @_k3_body(%arg0: i32, %arg1: memref<2x400x128xf32, #tpu.memory_space<vmem>>, %arg2: memref<400x64xf32, #tpu.memory_space<vmem>>, %arg3: memref<400x8xf32, #tpu.memory_space<vmem>>, %arg4: memref<400x64xf32, #tpu.memory_space<vmem>>) attributes {dimension_semantics = [#tpu.dimension_semantics<arbitrary>], iteration_bounds = array<i64: 25>, scalar_prefetch = 0 : i64, scratch_operands = 0 : i64, tpu.core_type = #tpu.core_type<tc>, window_params = [{transform_indices = @transform_0, window_bounds = array<i64: 2, 400, 128>}, {transform_indices = @transform_1, window_bounds = array<i64: 400, 64>}, {transform_indices = @transform_2, window_bounds = array<i64: 400, 8>}, {transform_indices = @transform_3, window_bounds = array<i64: 400, 64>}]} {
    %get3A = arith.constant 0 : index
    %get3A_0 = arith.constant 0 : index
    %get3A_1 = arith.constant 0 : index
    %get3A_2 = vector.load %arg1[%get3A, %get3A_0, %get3A_1] : memref<2x400x128xf32, #tpu.memory_space<vmem>>, vector<1x400x128xf32>
    %get3A_3 = vector.shape_cast %get3A_2 : vector<1x400x128xf32> to vector<400x128xf32>
    %get3A_4 = arith.constant 1 : index
    %get3A_5 = arith.constant 0 : index
    %get3A_6 = arith.constant 0 : index
    %get3A_7 = vector.load %arg1[%get3A_4, %get3A_5, %get3A_6] : memref<2x400x128xf32, #tpu.memory_space<vmem>>, vector<1x400x128xf32>
    %get3A_8 = vector.shape_cast %get3A_7 : vector<1x400x128xf32> to vector<400x128xf32>
    %add3A = arith.addf %get3A_3, %get3A_8 : vector<400x128xf32>
    %slice3A = vector.extract_strided_slice %add3A {offsets = [0, 0], sizes = [400, 64], strides = [1, 1]} : vector<400x128xf32> to vector<400x64xf32>
    %get3A_9 = arith.constant 0 : index
    %get3A_10 = arith.constant 0 : index
    %get3A_11 = vector.load %arg3[%get3A_9, %get3A_10] : memref<400x8xf32, #tpu.memory_space<vmem>>, vector<400x1xf32>
    %mul3A = vector.broadcast %get3A_11 : vector<400x1xf32> to vector<400x64xf32>
    %mul3A_12 = arith.mulf %slice3A, %mul3A : vector<400x64xf32>
    %get3A_13 = arith.constant 0 : index
    %get3A_14 = arith.constant 0 : index
    %get3A_15 = vector.load %arg2[%get3A_13, %get3A_14] : memref<400x64xf32, #tpu.memory_space<vmem>>, vector<400x64xf32>
    %add3A_16 = arith.addf %mul3A_12, %get3A_15 : vector<400x64xf32>
    %reduce_max3A = arith.constant dense<0xFF800000> : vector<400xf32>
    %reduce_max3A_17 = vector.multi_reduction <maximumf>, %add3A_16, %reduce_max3A [1] : vector<400x64xf32> to vector<400xf32>
    %broadcast_in_dim3A = vector.shape_cast %reduce_max3A_17 : vector<400xf32> to vector<400x1xf32>
    %sub3A = vector.broadcast %broadcast_in_dim3A : vector<400x1xf32> to vector<400x64xf32>
    %sub3A_18 = arith.subf %add3A_16, %sub3A : vector<400x64xf32>
    %exp3A = math.exp %sub3A_18 : vector<400x64xf32>
    %reduce_sum3A = arith.constant dense<0.000000e+00> : vector<400xf32>
    %reduce_sum3A_19 = vector.multi_reduction <add>, %exp3A, %reduce_sum3A [1] : vector<400x64xf32> to vector<400xf32>
    %broadcast_in_dim3A_20 = vector.shape_cast %reduce_sum3A_19 : vector<400xf32> to vector<400x1xf32>
    %log3A = math.log %broadcast_in_dim3A_20 : vector<400x1xf32>
    %add3A_21 = arith.addf %log3A, %broadcast_in_dim3A : vector<400x1xf32>
    %sub3A_22 = vector.broadcast %add3A_21 : vector<400x1xf32> to vector<400x64xf32>
    %sub3A_23 = arith.subf %add3A_16, %sub3A_22 : vector<400x64xf32>
    %swap3A = arith.constant 0 : index
    %swap3A_24 = arith.constant 0 : index
    %swap3A_25 = vector.load %arg4[%swap3A, %swap3A_24] : memref<400x64xf32, #tpu.memory_space<vmem>>, vector<400x64xf32>
    tpu.vector_store %arg4[%swap3A, %swap3A_24], %sub3A_23 {strides = array<i32>} : memref<400x64xf32, #tpu.memory_space<vmem>>, vector<400x64xf32>,
    return
  }
  func.func @transform_0(%arg0: i32) -> (i32, i32, i32) {
    %c0_i32 = arith.constant 0 : i32
    %c0_i32_0 = arith.constant 0 : i32
    %c0_i32_1 = arith.constant 0 : i32
    return %c0_i32, %arg0, %c0_i32_0 : i32, i32, i32
  }
  func.func @transform_1(%arg0: i32) -> (i32, i32) {
    %c0_i32 = arith.constant 0 : i32
    %c0_i32_0 = arith.constant 0 : i32
    return %arg0, %c0_i32 : i32, i32
  }
  func.func @transform_2(%arg0: i32) -> (i32, i32) {
    %c0_i32 = arith.constant 0 : i32
    %c0_i32_0 = arith.constant 0 : i32
    return %arg0, %c0_i32 : i32, i32
  }
  func.func @transform_3(%arg0: i32) -> (i32, i32) {
    %c0_i32 = arith.constant 0 : i32
    %c0_i32_0 = arith.constant 0 : i32
    return %arg0, %c0_i32 : i32, i32
  }
}

</mosaic_0001>

<sc_bundles>
// kernel: kernel.10.cloned.1.call-start
scs
__scs_entry_jumppad:
0x0: {  	(pc) =	sbr.rel $0x88, $3  }
0x1: {  	(tag) =	ssettag $0x0;
	lr =	simm.s32 $0x1  }
0x2: {  	[smem:$0x3F99] =	sst lr;
	_ =	strace $0xD0000000  }
0x3: {  	_ = 	snop  }
0x4: {  	_ = 	snop  }
0x5: {  	_ = 	snop  }
0x6: {  	_ = 	snop  }
0x7: {  	_ = 	snop  }
__scs_overlays_trampoline_lowered:
0x8: {  	[smem:$0x3FA8] =	sst s0  }
0x9: {  	[smem:$0x3FA9] =	sst s1  }
0xa: {  	[smem:$0x3FAA] =	sst s2  }
0xb: {  	[smem:$0x3FAB] =	sst s3  }
0xc: {  	[smem:$0x3FAC] =	sst s4  }
0xd: {  	[smem:$0x3FAD] =	sst s5  }
0xe: {  	[smem:$0x3FAE] =	sst s6  }
0xf: {  	[smem:$0x3FAF] =	sst s7  }
0x10: {  	[smem:$0x3FB0] =	sst s8  }
0x11: {  	[smem:$0x3FB1] =	sst s9;
	s0 =	simm.s32 @!p0 $0x0  }
0x12: {  	s1 =	sld [smem:$0x3F97];
	s0 =	simm.s32 @p0 $0x1  }
0x13: {  	[smem:$0x3FB2] =	sst s0;
	s0 =	simm.s32 @!p1 $0x0  }
0x14: {  	s2 =	sld [smem:$0x3F96];
	s0 =	simm.s32 @p1 $0x1  }
0x15: {  	[smem:$0x3FB3] =	sst s0;
	s0 =	simm.s32 @!p2 $0x0  }
0x16: {  	s3 =	sld [smem:$0x3FDB];
	s0 =	simm.s32 @p2 $0x1  }
0x17: {  	s4 =	simm.s32 $0x1BF5;
	[smem:$0x3FB5] =	sst s0  }
0x18: {  	s0 =	sld [smem:$0x3F98];
	_ =	swait.ge [sflag:s4], $0x0  }
0x19: {  	s7 =	sld [smem:$0x3F99]  }
0x1a: {  	s8 =	sadd.s32 $0xFFFFE003, lr  }
0x1b: {  	s9 =	sadd.s32 $0xFFFFFEF7, lr;
	s5 =	simm.s32 $0xFFFFFFFF;
	p2 =	slt.u32 s8, $0xFFFFF086  }
0x1c: {  	p1 =	slt.u32 s9, $0xF7A;
	s5 =	simm.s32 @!p2 $0x0  }
0x1d: {  	s5 =	simm.s32 @p1 $0x1;
	p0 =	seq.s32 s7, s2  }
0x1e: {  	s7 =	smul.u32 @!p0 $0xF7A, s2;
	p2 =	seq.s32 @!p0 s5, $0x0  }
0x1f: {  	s9 =	smul.u32 $0xF7A, s1;
	s8 =	simm.s32 @!p0 $0x1BF5;
	p2 =	por !p2, p0  }
0x20: {  	[sflag:s8] =	ssyncset.s32 @!p0 $0xFFFFF086;
	s6 =	sadd.s32 @!p0 s3, s7;
	s7 =	simm.s32 @!p0 $0x108  }
0x21: {  	s3 =	sadd.s32 s3, s9;
	s6 =	sadd.s32 @!p0 $0x88, s6;
	s7 =	simm.s32 @p2 $0x1082  }
0x22: {  	[simem:s7], [sflag:s8] =	dma.local @!p0 [hbm:s6], $0xF7A  }
0x23: {  	s9 =	sor.u32 $0xD0000000, s2;
	s6 =	simm.s32 $0x108;
	_ =	swait.ge @!p0 [sflag:s8], $0x0  }
0x24: {  	s3 =	sadd.s32 $0x88, s3;
	s6 =	simm.s32 @!p1 $0x1082;
	[sflag:s4] =	ssyncset.s32 $0xFFFFF086  }
0x25: {  	[simem:s6], [sflag:s4] =	dma.local [hbm:s3], $0xF7A  }
0x26: {  	[smem:$0x3F99] =	sst s1;
	(tag) =	ssettag s2;
	_ =	strace s9  }
0x27: {  	s1 =	sld [smem:$0x3FA9]  }
0x28: {  	s2 =	sld [smem:$0x3FAA]  }
0x29: {  	s4 =	sld [smem:$0x3FAC]  }
0x2a: {  	p0 =	seq.s32 s5, $0x0;
	s5 =	sld [smem:$0x3FAD]  }
0x2b: {  	s6 =	sld [smem:$0x3FAE]  }
0x2c: {  	s7 =	sld [smem:$0x3FAF]  }
0x2d: {  	s3 =	simm.s32 $0x108;
	s8 =	sld [smem:$0x3FB0]  }
0x2e: {  	s3 =	simm.s32 @!p0 $0x1082;
	s9 =	sld [smem:$0x3FB1]  }
0x2f: {  	lr =	sadd.s32 s0, s3;
	s0 =	sld [smem:$0x3FA8]  }
0x30: {  	s3 =	sld [smem:$0x3FAB]  }
0x31: {  	[smem:$0x3FB4] =	sst s10  }
0x32: {  	s10 =	sld [smem:$0x3FB2];
	_ =	sdelay $0x3  }
0x33: {  	p0 =	seq.s32 s10, $0x1;
	s10 =	sld [smem:$0x3FB4];
	_ =	sdelay $0x3  }
0x34: {  	[smem:$0x3FB4] =	sst s10  }
0x35: {  	s10 =	sld [smem:$0x3FB3];
	_ =	sdelay $0x3  }
0x36: {  	p1 =	seq.s32 s10, $0x1;
	s10 =	sld [smem:$0x3FB4];
	_ =	sdelay $0x3  }
0x37: {  	[smem:$0x3FB4] =	sst s10  }
0x38: {  	s10 =	sld [smem:$0x3FB5]  }
0x39: {  	_ = 	snop;
	(pc) =	sbr.ind lr, $3  }
0x3a: {  	_ = 	snop  }
0x3b: {  	_ = 	snop  }
0x3c: {  	p2 =	seq.s32 s10, $0x1;
	s10 =	sld [smem:$0x3FB4]  }
0x3d: {  	_ =	shalt  }
0x3e: {  	_ =	shalt  }
0x3f: {  	_ =	shalt  }
0x40: {  	_ =	shalt  }
0x41: {  	_ =	shalt  }
0x42: {  	_ =	shalt  }
0x43: {  	_ =	shalt  }
0x44: {  	_ =	shalt  }
0x45: {  	_ =	shalt  }
0x46: {  	_ =	shalt  }
0x47: {  	_ =	shalt  }
0x48: {  	_ =	shalt  }
0x49: {  	_ =	shalt  }
0x4a: {  	_ =	shalt  }
0x4b: {  	_ =	shalt  }
0x4c: {  	_ =	shalt  }
0x4d: {  	_ =	shalt  }
0x4e: {  	_ =	shalt  }
0x4f: {  	_ =	shalt  }
0x50: {  	_ =	shalt  }
0x51: {  	_ =	shalt  }
0x52: {  	_ =	shalt  }
0x53: {  	_ =	shalt  }
0x54: {  	_ =	shalt  }
0x55: {  	_ =	shalt  }
0x56: {  	_ =	shalt  }
0x57: {  	_ =	shalt  }
0x58: {  	_ =	shalt  }
0x59: {  	_ =	shalt  }
0x5a: {  	_ =	shalt  }
0x5b: {  	_ =	shalt  }
0x5c: {  	_ =	shalt  }
0x5d: {  	_ =	shalt  }
0x5e: {  	_ =	shalt  }
0x5f: {  	_ =	shalt  }
0x60: {  	_ =	shalt  }
0x61: {  	_ =	shalt  }
0x62: {  	_ =	shalt  }
0x63: {  	_ =	shalt  }
0x64: {  	_ =	shalt  }
0x65: {  	_ =	shalt  }
0x66: {  	_ =	shalt  }
0x67: {  	_ =	shalt  }
0x68: {  	_ =	shalt  }
0x69: {  	_ =	shalt  }
0x6a: {  	_ =	shalt  }
0x6b: {  	_ =	shalt  }
0x6c: {  	_ =	shalt  }
0x6d: {  	_ =	shalt  }
0x6e: {  	_ =	shalt  }
0x6f: {  	_ =	shalt  }
0x70: {  	_ =	shalt  }
0x71: {  	_ =	shalt  }
0x72: {  	_ =	shalt  }
0x73: {  	_ =	shalt  }
0x74: {  	_ =	shalt  }
0x75: {  	_ =	shalt  }
0x76: {  	_ =	shalt  }
0x77: {  	_ =	shalt  }
0x78: {  	_ =	shalt  }
0x79: {  	_ =	shalt  }
0x7a: {  	_ =	shalt  }
0x7b: {  	_ =	shalt  }
0x7c: {  	_ =	shalt  }
0x7d: {  	_ =	shalt  }
0x7e: {  	_ =	shalt  }
0x7f: {  	_ =	shalt  }
0x80: {  	_ =	shalt  }
0x81: {  	_ =	shalt  }
0x82: {  	_ =	shalt  }
0x83: {  	_ =	shalt  }
0x84: {  	_ =	shalt  }
0x85: {  	_ =	shalt  }
0x86: {  	_ =	shalt  }
0x87: {  	_ =	shalt  }
.Lfunc_end0:
.L_simem_size_0:
called_computation.1_lowered:
.L_overlay_start_0:
0x88: {  	s2 =	sld [smem:$0x3FD9]  }
0x89: {  	s3 =	sld [smem:$0x3FFE];
	_ =	sdelay $0x1  }
0x8a: {  	s1 =	srdreg.scid  }
0x8b: {  	s0 =	sand.u32 $0x1, s1  }
0x8c: {  	s17 =	sshll.u32 s0, $0xA;
	s2 =	sadd.s32 s3, s2  }
0x8d: {  	s2 =	sadd.s32 s2, s17  }
0x8e: {  	[smem:$0x3FC0] =	sst s2  }
0x8f: {  	_ = 	snop  }
0x90: {  	s2 =	sld [smem:$0x3FD0];
	(tm) =	ssettm $0x1  }
0x91: {  	s18 =	sld [smem:$0x3FFB];
	_ =	sdelay $0x3  }
0x92: {  	_ =	strace s18  }
0x93: {  	s3 =	sld [smem:$0x3FFC];
	_ =	sdelay $0x3  }
0x94: {  	_ =	strace s3  }
0x95: {  	s3 =	sld [smem:$0x3FFD];
	_ =	sdelay $0x3  }
0x96: {  	_ =	strace s3  }
0x97: {  	_ =	strace $0x8FFFFFFF  }
0x98: {  	s19 =	sld [smem:$0x3FDB];
	_ =	sdelay $0x1  }
0x99: {  	s4 =	simm.s32 $_scs_section_size  }
0x9a: {  	s5 =	simm.s32 $_size__tile_overlayer_lowered;
	s6 =	simm.s32 $_tile_overlayer_lowered  }
0x9b: {  	s22 =	simm.s32 $0x1BFF;
	s21 =	sshll.u32 s6, $0x1;
	s3 =	sadd.s32 s4, s19  }
0x9c: {  	s7 =	simm.s32 $0x0;
	s20 =	sshll.u32 s5, $0x1;
	s5 =	sadd.s32 s21, s3  }
0x9d: {  	[timem:s7], [sflag:s22] =	dma.local [hbm:s5], s20  }
0x9e: {  	_ =	swait.ge [sflag:s22], s20  }
0x9f: {  	s4 =	ssub.s32 $0x0, s20;
	[sflag:s22] =	ssyncset.done $0x0  }
0xa0: {  	[sflag:s22] =	ssyncadd.s32 s4;
	_ =	sdelay $0x1  }
0xa1: {  	s23 =	simm.s32 $0x1B8B  }
0xa2: {  	_ =	swait.ge [sflag:s23], $0x1  }
0xa3: {  	[sflag:s23] =	ssyncset.done $0x0  }
0xa4: {  	s25 =	simm.s32 $0x1B8E;
	s24 =	sld [smem:$0x3FFE];
	[sflag:s23] =	ssyncadd.s32 $0xFFFFFFFF  }
0xa5: {  	s26 =	simm.s32 $execute0_lowered;
	[smem:$0x3FD2] =	sst s25  }
0xa6: {  	s5 =	sshll.u32 s26, $0x1;
	_ =	strace $0x80000049;
	[dreg:$0x1] =	wrdreg $0xFFFFFFFF  }
0xa7: {  	s28 =	simm.s32 $_size_execute0_lowered;
	s3 =	sadd.s32 s3, s5;
	[dreg:$0x0] =	wrdreg $0x0  }
0xa8: {  	s5 =	sshll.u32 s28, $0x1;
	[dreg:$0x2] =	wrdreg s3  }
0xa9: {  	[dreg:$0x3] =	wrdreg s5  }
0xaa: {  	[dreg:$0x4] =	wrdreg $0xC0  }
0xab: {  	_ =	task [dreg:s7], $0x5FFFF  }
0xac: {  	[dreg:$0x1] =	wrdreg $0xFFFFFFFF  }
0xad: {  	[dreg:$0x0] =	wrdreg $0x60  }
0xae: {  	[dreg:$0x2] =	wrdreg s24  }
0xaf: {  	[dreg:$0x3] =	wrdreg s2  }
0xb0: {  	[dreg:$0x4] =	wrdreg $0xA8000  }
0xb1: {  	[dreg:$0x5] =	wrdreg $0x9  }
0xb2: {  	_ =	task.clear_ibuf [dreg:s7], $0x6FFFF;
	_ =	strace $0x90000049  }
0xb3: {  	s29 =	simm.s32 $0x9;
	_ =	strace $0x8000004B  }
0xb4: {  	_ =	swait.ge [sflag:s29], $0x1  }
0xb5: {  	[sflag:s29] =	ssyncadd.s32 $0xFFFFFFFF  }
0xb6: {  	_ =	strace $0x9000004B  }
0xb7: {  	_ =	sfence  }
0xb8: {  	s30 =	sld [smem:$0x0];
	_ =	sdelay $0x2  }
0xb9: {  	s31 =	sshll.u32 s1, $0xD;
	s1 =	sshrl.u32 s1, $0x2  }
0xba: {  	s3 =	sand.u32 $0x4000, s31;
	s1 =	sadd.s32 s1, s30  }
0xbb: {  	s0 =	sor.u32 s3, s0;
	s1 =	sshll.u32 s1, $0x11  }
0xbc: {  	s0 =	sor.u32 s1, s0  }
0xbd: {  	s0 =	sadd.s32 $0x8F2B, s0  }
0xbe: {  	[sflag:s0] =	ssyncadd.remote.s32 $0x1  }
0xbf: {  	_ =	sfence.sel $0xFFFF  }
0xc0: {  	[dreg:$0x0] =	wrdreg $0xFFFFFFFF;
	(pc) =	sbr.abs _section_cstart, $3  }
0xc1: {  	[dreg:$0x1] =	wrdreg $0xFFFFFFFF  }
0xc2: {  	_ =	task.clear_ibuf [dreg:s7], $0x2FFFF;
	_ =	strace $0x9FFFFFFF  }
0xc3: {  	(tm) =	ssettm $0x7FFFFFFF  }
tec
execute0_lowered:
.L_overlay_start_1:
0x0: {  	(tag) =	ssettag $0x1  }
0x1: {  	s5 =	rddreg [dreg:$0x0]  }
0x2: {  	s14 =	rddreg [dreg:$0x1]  }
0x3: {  	s2 =	rddreg [dreg:$0x2];
	s0 =	stileid.u32  }
0x4: {  	s4 =	srdreg.scid;
	s3 =	simm.s32 $0x0;
	s6 =	smul.u32 $0x13C00, s0  }
0x5: {  	s20 =	simm.s32 $0x80;
	s21 =	simm.s32 $0x2800;
	s10 =	smul.u32 $0x4F000, s0  }
0x6: {  	s28 =	simm.s32 $0x2780;
	s7 =	sand.u32 $0x1, s4;
	s25 =	smul.u32 $0x3C00, s0  }
0x7: {  	[smem:$0x7FF] =	sst s3;
	s4 =	sadd.s32 $0xBC00, s5;
	s29 =	smul.u32 $0x780, s0  }
0x8: {  	s13 =	sadd.s32 $0x1C00, s5;
	s26 =	sshll.u32 s0, $0x6;
	s12 =	smul.u32 $0x1400, s0  }
0x9: {  	s8 =	smul.u32 $0x13C000, s7;
	_ =	strace $0x8000004A;
	s22 =	ssub.s32 $0x2, s7  }
0xa: {  	p0 =	seq.s32 s7, $0x1;
	s9 =	sshrl.u32 s6, $0x3;
	s23 =	sshrl.u32 s22, $0x1  }
0xb: {  	s24 =	sshrl.u32 s10, $0x2;
	s11 =	sshrl.u32 s25, $0x3;
	s7 =	sadd.s32 s13, s29  }
0xc: {  	s19 =	sshrl.u32 s12, $0x3;
	s25 =	simm.s32 $0x1380;
	s6 =	sadd.s32 s6, s8  }
0xd: {  	s9 =	sadd.s32 s9, s5;
	s16 =	ssub.s32 s22, s23;
	s17 =	sadd.s32 s24, s2  }
0xe: {  	s30 =	sadd.s32 $0x280, s11;
	s8 =	sadd.s32 s14, s29;
	s18 =	sadd.s32 $0x500, s11  }
0xf: {  	s31 =	sadd.s32 $0x7800, s19;
	s19 =	simm.s32 $0x1400;
	s22 =	simm.s32 $0x6800  }
0x10: {  	s23 =	simm.s32 $0x1;
	s24 =	simm.s32 $0x2;
	s6 =	sshrl.u32 s6, $0x3  }
.Ltmp0:
0x11: {  	s10 =	sadd.s32 s14, s30;
	s11 =	sadd.s32 s13, s18;
	(pc) =	sbr.rel .LBB2_1-.Ltmp0, $4  }
0x12: {  	s12 =	sadd.s32 s14, s18;
	s14 =	sadd.s32 s14, s31;
	s16 =	smax.u32 s16, $0x1  }
0x13: {  	s17 =	sshrl.u32 s17, $0x3;
	s18 =	simm.s32 $0x3;
	s15 =	sadd.s32 s6, s5  }
0x14: {  	s5 =	sadd.s32 $0x33400, s9;
	s6 =	sor.u32 $0x1C03, s26;
	s9 =	sadd.s32 s13, s30  }
0x15: {  	s13 =	sadd.s32 s13, s31;
	s26 =	simm.s32 $0x2700;
	s15 =	sadd.s32 $0x5AC00, s15  }
.LBB2_11:
0x16: {  	s0 =	sadd.s32 $0x80, s29;
	[sflag:s18] =	ssyncadd.s32 $0xFFFFC000  }
0x17: {  	[tilespmem:s22], [sflag:$0x2] =	stream.indirect.gather [hbm4b:s4+s20], $0x80, s0, s20, $0xb8;
	[tilespmem:$0x1E400] =	vst v63  }
0x18: {  	_ =	swait.ge [sflag:s23], $0x4000  }
0x19: {  	[sflag:s23] =	ssyncset.done $0x0  }
0x1a: {  	s1 =	sadd.s32 $0x1400, s29;
	[sflag:s23] =	ssyncadd.s32 $0xFFFFC000  }
0x1b: {  	[spmem:s2] =	stream.indirect.scatter.add.f32 [tilespmem:s21], [sflag:$0x3], $0x80, s1, s20, $0xb8;
	[tilespmem:$0x1E400] =	vst v63  }
0x1c: {  	_ =	swait.ge [sflag:s18], $0x4000  }
0x1d: {  	[sflag:s18] =	ssyncset.done $0x0  }
0x1e: {  	s30 =	sadd.s32 $0x100, s29;
	[sflag:s18] =	ssyncadd.s32 $0xFFFFC000  }
0x1f: {  	[tilespmem:s21], [sflag:$0x1] =	stream.indirect.gather [hbm4b:s4+s20], $0x80, s30, s20, $0xb8;
	[tilespmem:$0x1E400] =	vst v63  }
0x20: {  	_ =	swait.ge [sflag:s24], $0x4000  }
0x21: {  	[sflag:s24] =	ssyncset.done $0x0  }
0x22: {  	s31 =	sadd.s32 $0x1480, s29;
	[sflag:s24] =	ssyncadd.s32 $0xFFFFC000  }
0x23: {  	[spmem:s2] =	stream.indirect.scatter.add.f32 [tilespmem:s22], [sflag:$0x3], $0x80, s31, s20, $0xb8;
	[tilespmem:$0x1E400] =	vst v63  }
0x24: {  	_ =	swait.ge [sflag:s18], $0x4000  }
0x25: {  	[sflag:s18] =	ssyncset.done $0x0  }
0x26: {  	[sflag:s18] =	ssyncadd.s32 $0xFFFFC000  }
.LBB2_12:
0x27: {  	[tilespmem:s22], [sflag:$0x2] =	stream.indirect.gather [hbm4b:s4+s20], $0x80, s25, s20, $0xb8;
	[tilespmem:$0x1E400] =	vst v63  }
0x28: {  	_ =	swait.ge [sflag:s23], $0x4000  }
0x29: {  	[sflag:s23] =	ssyncset.done $0x0  }
0x2a: {  	[sflag:s23] =	ssyncadd.s32 $0xFFFFC000  }
0x2b: {  	[spmem:s2] =	stream.indirect.scatter.add.f32 [tilespmem:s21], [sflag:$0x3], $0x80, s26, s20, $0xb8;
	[tilespmem:$0x1E400] =	vst v63  }
0x2c: {  	_ =	swait.ge [sflag:s18], $0x4000  }
0x2d: {  	[sflag:s18] =	ssyncset.done $0x0  }
0x2e: {  	[sflag:s18] =	ssyncadd.s32 $0xFFFFC000  }
0x2f: {  	[tilespmem:s21], [sflag:$0x1] =	stream.indirect.gather [hbm4b:s4+s20], $0x80, s25, s20, $0xb8;
	[tilespmem:$0x1E400] =	vst v63  }
0x30: {  	_ =	swait.ge [sflag:s24], $0x4000  }
0x31: {  	[sflag:s24] =	ssyncset.done $0x0  }
0x32: {  	[sflag:s24] =	ssyncadd.s32 $0xFFFFC000  }
0x33: {  	[spmem:s2] =	stream.indirect.scatter.add.f32 [tilespmem:s22], [sflag:$0x3], $0x80, s28, s20, $0xb8;
	[tilespmem:$0x1E400] =	vst v63  }
0x34: {  	_ =	swait.ge [sflag:s18], $0x4000  }
0x35: {  	[sflag:s18] =	ssyncset.done $0x0  }
0x36: {  	[sflag:s18] =	ssyncadd.s32 $0xFFFFC000  }
0x37: {  	_ =	swait.ge [sflag:s23], $0x4000  }
0x38: {  	s3 =	sadd.s32 $0x1, s3;
	[sflag:s23] =	ssyncset.done $0x0  }
0x39: {  	p1 =	sne.s32 s3, s16;
	[sflag:s23] =	ssyncadd.s32 $0xFFFFC000  }
.Ltmp1:
0x3a: {  	[bflag:$0x0] =	sbarrier.arrive $0xFFFF;
	(pc) =	sbr.rel @!p1 .LBB2_13-.Ltmp1, $4  }
0x3b: {  	[hbm:s15], [sflag:s6] =	dma.local [spmem:s17], $0x2780  }
0x3c: {  	_ =	swait.ge [sflag:s18], $0x2780  }
0x3d: {  	[sflag:s18] =	ssyncset.done $0x0  }
0x3e: {  	[sflag:s18] =	ssyncadd.s32 $0xFFFFD880  }
.LBB2_1:
0x3f: {  	[spmem:s17], [sflag:s6] =	dma.local [hbm:s5], $0x2780  }
.Ltmp2:
0x40: {  	_ =	swait.ge [sflag:s18], $0x2780;
	(pc) =	sbr.rel @!p0 .LBB2_2-.Ltmp2, $3  }
0x41: {  	[sflag:s18] =	ssyncset.done $0x0  }
0x42: {  	[sflag:s18] =	ssyncadd.s32 $0xFFFFD880  }
0x43: {  	[bflag:$0x0] =	sbarrier.arrive $0xFFFF;
	_ =	sdelay $0x1  }
0x44: {  	s0 =	simm.s32 $0x0  }
0x45: {  	[tilespmem:s0], [sflag:$0x3] =	stream.linear.gather [hbm4b:s13+s0], $0x1400, $0x38;
	[tilespmem:$0x1E400] =	vst v63  }
0x46: {  	_ =	swait.ge [sflag:s18], $0x1400  }
0x47: {  	[sflag:s18] =	ssyncset.done $0x0  }
0x48: {  	[sflag:s18] =	ssyncadd.s32 $0xFFFFEC00  }
0x49: {  	[tilespmem:s19], [sflag:$0x3] =	stream.linear.gather [hbm4b:s14+s0], $0x1400, $0x38;
	[tilespmem:$0x1E400] =	vst v63  }
0x4a: {  	_ =	swait.ge [sflag:s18], $0x1400  }
0x4b: {  	[sflag:s18] =	ssyncset.done $0x0  }
0x4c: {  	[sflag:s18] =	ssyncadd.s32 $0xFFFFEC00  }
0x4d: {  	[tilespmem:s21], [sflag:$0x1] =	stream.indirect.gather [hbm4b:s4+s20], $0x80, s0, s20, $0xb8;
	[tilespmem:$0x1E400] =	vst v63  }
0x4e: {  	s1 =	simm.s32 $0x80  }
0x4f: {  	[tilespmem:s22], [sflag:$0x2] =	stream.indirect.gather [hbm4b:s4+s20], $0x80, s1, s20, $0xb8;
	[tilespmem:$0x1E400] =	vst v63  }
0x50: {  	_ =	swait.ge [sflag:s23], $0x4000  }
0x51: {  	[sflag:s23] =	ssyncset.done $0x0  }
0x52: {  	s31 =	simm.s32 $0x1400;
	[sflag:s23] =	ssyncadd.s32 $0xFFFFC000  }
0x53: {  	[spmem:s2] =	stream.indirect.scatter.add.f32 [tilespmem:s21], [sflag:$0x3], $0x80, s31, s20, $0xb8;
	[tilespmem:$0x1E400] =	vst v63  }
0x54: {  	_ =	swait.ge [sflag:s18], $0x4000  }
0x55: {  	[sflag:s18] =	ssyncset.done $0x0  }
0x56: {  	s1 =	simm.s32 $0x100;
	[sflag:s18] =	ssyncadd.s32 $0xFFFFC000  }
0x57: {  	[tilespmem:s21], [sflag:$0x1] =	stream.indirect.gather [hbm4b:s4+s20], $0x80, s1, s20, $0xb8;
	[tilespmem:$0x1E400] =	vst v63  }
0x58: {  	_ =	swait.ge [sflag:s24], $0x4000  }
0x59: {  	[sflag:s24] =	ssyncset.done $0x0  }
0x5a: {  	s31 =	simm.s32 $0x1480;
	[sflag:s24] =	ssyncadd.s32 $0xFFFFC000  }
0x5b: {  	[spmem:s2] =	stream.indirect.scatter.add.f32 [tilespmem:s22], [sflag:$0x3], $0x80, s31, s20, $0xb8;
	[tilespmem:$0x1E400] =	vst v63  }
0x5c: {  	_ =	swait.ge [sflag:s18], $0x4000  }
0x5d: {  	s30 =	simm.s32 $0x800;
	s29 =	simm.s32 $0x100;
	[sflag:s18] =	ssyncset.done $0x0  }
.LBB2_10:
0x5e: {  	s0 =	sadd.s32 $0x80, s29  }
0x5f: {  	[sflag:s18] =	ssyncadd.s32 $0xFFFFC000;
	s1 =	smov.u32 s30;
	s31 =	sadd.s32 $0x400, s30  }
0x60: {  	[tilespmem:s22], [sflag:$0x2] =	stream.indirect.gather [hbm4b:s4+s20], $0x80, s0, s20, $0xb8;
	[tilespmem:$0x1E400] =	vst v63  }
0x61: {  	p1 =	sne.s32 s30, $0x4800;
	_ =	swait.ge [sflag:s23], $0x4000  }
0x62: {  	[sflag:s23] =	ssyncset.done $0x0  }
0x63: {  	s0 =	sadd.s32 $0x1400, s29;
	[sflag:s23] =	ssyncadd.s32 $0xFFFFC000  }
0x64: {  	[spmem:s2] =	stream.indirect.scatter.add.f32 [tilespmem:s21], [sflag:$0x3], $0x80, s0, s20, $0xb8;
	[tilespmem:$0x1E400] =	vst v63  }
0x65: {  	_ =	swait.ge [sflag:s18], $0x4000  }
0x66: {  	[sflag:s18] =	ssyncset.done $0x0  }
0x67: {  	s0 =	sadd.s32 $0x100, s29;
	[sflag:s18] =	ssyncadd.s32 $0xFFFFC000  }
0x68: {  	[tilespmem:s21], [sflag:$0x1] =	stream.indirect.gather [hbm4b:s4+s20], $0x80, s0, s20, $0xb8;
	[tilespmem:$0x1E400] =	vst v63  }
0x69: {  	_ =	swait.ge [sflag:s24], $0x4000  }
.Ltmp3:
0x6a: {  	[sflag:s24] =	ssyncset.done $0x0;
	(pc) =	sbr.rel @p1 .LBB2_10-.Ltmp3, $4  }
0x6b: {  	s0 =	sadd.s32 $0x1480, s29;
	[sflag:s24] =	ssyncadd.s32 $0xFFFFC000  }
0x6c: {  	[spmem:s2] =	stream.indirect.scatter.add.f32 [tilespmem:s22], [sflag:$0x3], $0x80, s0, s20, $0xb8;
	[tilespmem:$0x1E400] =	vst v63  }
0x6d: {  	_ =	swait.ge [sflag:s18], $0x4000  }
0x6e: {  	s30 =	smov.u32 s31;
	s29 =	sshra.s32 s1, $0x2;
	[sflag:s18] =	ssyncset.done $0x0  }
.Ltmp4:
0x6f: {  	_ = 	snop;
	(pc) =	sbr.rel .LBB2_11-.Ltmp4, $1  }
0x70: {  	_ =	sdelay $0x3  }
.LBB2_2:
0x71: {  	s29 =	simm.s32 $0x0  }
0x72: {  	[tilespmem:s29], [sflag:$0x3] =	stream.linear.gather [hbm4b:s7+s29], $0x1400, $0x38;
	[tilespmem:$0x1E400] =	vst v63  }
0x73: {  	_ =	swait.ge [sflag:s18], $0x1400  }
0x74: {  	[sflag:s18] =	ssyncset.done $0x0  }
0x75: {  	[sflag:s18] =	ssyncadd.s32 $0xFFFFEC00  }
0x76: {  	[tilespmem:s19], [sflag:$0x3] =	stream.linear.gather [hbm4b:s8+s29], $0x1400, $0x38;
	[tilespmem:$0x1E400] =	vst v63  }
0x77: {  	_ =	swait.ge [sflag:s18], $0x1400  }
0x78: {  	[sflag:s18] =	ssyncset.done $0x0  }
0x79: {  	[sflag:s18] =	ssyncadd.s32 $0xFFFFEC00  }
0x7a: {  	[tilespmem:s21], [sflag:$0x1] =	stream.indirect.gather [hbm4b:s4+s20], $0x80, s29, s20, $0xb8;
	[tilespmem:$0x1E400] =	vst v63  }
0x7b: {  	s29 =	simm.s32 $0x80  }
0x7c: {  	[tilespmem:s22], [sflag:$0x2] =	stream.indirect.gather [hbm4b:s4+s20], $0x80, s29, s20, $0xb8;
	[tilespmem:$0x1E400] =	vst v63  }
0x7d: {  	_ =	swait.ge [sflag:s23], $0x4000  }
0x7e: {  	[sflag:s23] =	ssyncset.done $0x0  }
0x7f: {  	s29 =	simm.s32 $0x1400;
	[sflag:s23] =	ssyncadd.s32 $0xFFFFC000  }
0x80: {  	[spmem:s2] =	stream.indirect.scatter.add.f32 [tilespmem:s21], [sflag:$0x3], $0x80, s29, s20, $0xb8;
	[tilespmem:$0x1E400] =	vst v63  }
0x81: {  	_ =	swait.ge [sflag:s18], $0x4000  }
0x82: {  	[sflag:s18] =	ssyncset.done $0x0  }
0x83: {  	s29 =	simm.s32 $0x100;
	[sflag:s18] =	ssyncadd.s32 $0xFFFFC000  }
0x84: {  	[tilespmem:s21], [sflag:$0x1] =	stream.indirect.gather [hbm4b:s4+s20], $0x80, s29, s20, $0xb8;
	[tilespmem:$0x1E400] =	vst v63  }
0x85: {  	_ =	swait.ge [sflag:s24], $0x4000  }
0x86: {  	[sflag:s24] =	ssyncset.done $0x0  }
0x87: {  	s29 =	simm.s32 $0x1480;
	[sflag:s24] =	ssyncadd.s32 $0xFFFFC000  }
0x88: {  	[spmem:s2] =	stream.indirect.scatter.add.f32 [tilespmem:s22], [sflag:$0x3], $0x80, s29, s20, $0xb8;
	[tilespmem:$0x1E400] =	vst v63  }
0x89: {  	_ =	swait.ge [sflag:s18], $0x4000  }
0x8a: {  	s30 =	simm.s32 $0x800;
	s29 =	simm.s32 $0x100;
	[sflag:s18] =	ssyncset.done $0x0  }
.LBB2_3:
0x8b: {  	s31 =	sadd.s32 $0x80, s29  }
0x8c: {  	[sflag:s18] =	ssyncadd.s32 $0xFFFFC000;
	s0 =	smov.u32 s30;
	s1 =	sadd.s32 $0x400, s30  }
0x8d: {  	[tilespmem:s22], [sflag:$0x2] =	stream.indirect.gather [hbm4b:s4+s20], $0x80, s31, s20, $0xb8;
	[tilespmem:$0x1E400] =	vst v63  }
0x8e: {  	p1 =	sne.s32 s30, $0x4800;
	_ =	swait.ge [sflag:s23], $0x4000  }
0x8f: {  	[sflag:s23] =	ssyncset.done $0x0  }
0x90: {  	s30 =	sadd.s32 $0x1400, s29;
	[sflag:s23] =	ssyncadd.s32 $0xFFFFC000  }
0x91: {  	[spmem:s2] =	stream.indirect.scatter.add.f32 [tilespmem:s21], [sflag:$0x3], $0x80, s30, s20, $0xb8;
	[tilespmem:$0x1E400] =	vst v63  }
0x92: {  	_ =	swait.ge [sflag:s18], $0x4000  }
0x93: {  	[sflag:s18] =	ssyncset.done $0x0  }
0x94: {  	s30 =	sadd.s32 $0x100, s29;
	[sflag:s18] =	ssyncadd.s32 $0xFFFFC000  }
0x95: {  	[tilespmem:s21], [sflag:$0x1] =	stream.indirect.gather [hbm4b:s4+s20], $0x80, s30, s20, $0xb8;
	[tilespmem:$0x1E400] =	vst v63  }
0x96: {  	_ =	swait.ge [sflag:s24], $0x4000  }
.Ltmp5:
0x97: {  	[sflag:s24] =	ssyncset.done $0x0;
	(pc) =	sbr.rel @p1 .LBB2_3-.Ltmp5, $4  }
0x98: {  	s29 =	sadd.s32 $0x1480, s29;
	[sflag:s24] =	ssyncadd.s32 $0xFFFFC000  }
0x99: {  	[spmem:s2] =	stream.indirect.scatter.add.f32 [tilespmem:s22], [sflag:$0x3], $0x80, s29, s20, $0xb8;
	[tilespmem:$0x1E400] =	vst v63  }
0x9a: {  	_ =	swait.ge [sflag:s18], $0x4000  }
0x9b: {  	s30 =	smov.u32 s1;
	s29 =	sshra.s32 s0, $0x2;
	[sflag:s18] =	ssyncset.done $0x0  }
0x9c: {  	s0 =	sadd.s32 $0x80, s29;
	[sflag:s18] =	ssyncadd.s32 $0xFFFFC000  }
0x9d: {  	[tilespmem:s22], [sflag:$0x2] =	stream.indirect.gather [hbm4b:s4+s20], $0x80, s0, s20, $0xb8;
	[tilespmem:$0x1E400] =	vst v63  }
0x9e: {  	_ =	swait.ge [sflag:s23], $0x4000  }
0x9f: {  	[sflag:s23] =	ssyncset.done $0x0  }
0xa0: {  	s1 =	sadd.s32 $0x1400, s29;
	[sflag:s23] =	ssyncadd.s32 $0xFFFFC000  }
0xa1: {  	[spmem:s2] =	stream.indirect.scatter.add.f32 [tilespmem:s21], [sflag:$0x3], $0x80, s1, s20, $0xb8;
	[tilespmem:$0x1E400] =	vst v63  }
0xa2: {  	_ =	swait.ge [sflag:s18], $0x4000  }
0xa3: {  	[sflag:s18] =	ssyncset.done $0x0  }
0xa4: {  	s31 =	sadd.s32 $0x100, s29;
	[sflag:s18] =	ssyncadd.s32 $0xFFFFC000  }
0xa5: {  	[tilespmem:s21], [sflag:$0x1] =	stream.indirect.gather [hbm4b:s4+s20], $0x80, s31, s20, $0xb8;
	[tilespmem:$0x1E400] =	vst v63  }
0xa6: {  	_ =	swait.ge [sflag:s24], $0x4000  }
0xa7: {  	[sflag:s24] =	ssyncset.done $0x0  }
0xa8: {  	s1 =	sadd.s32 $0x1480, s29;
	[sflag:s24] =	ssyncadd.s32 $0xFFFFC000  }
0xa9: {  	[spmem:s2] =	stream.indirect.scatter.add.f32 [tilespmem:s22], [sflag:$0x3], $0x80, s1, s20, $0xb8;
	[tilespmem:$0x1E400] =	vst v63  }
0xaa: {  	_ =	swait.ge [sflag:s18], $0x4000  }
0xab: {  	[sflag:s18] =	ssyncset.done $0x0  }
0xac: {  	[sflag:s18] =	ssyncadd.s32 $0xFFFFC000  }
0xad: {  	[tilespmem:s22], [sflag:$0x2] =	stream.indirect.gather [hbm4b:s4+s20], $0x80, s25, s20, $0xb8;
	[tilespmem:$0x1E400] =	vst v63  }
0xae: {  	_ =	swait.ge [sflag:s23], $0x4000  }
0xaf: {  	[sflag:s23] =	ssyncset.done $0x0  }
0xb0: {  	[sflag:s23] =	ssyncadd.s32 $0xFFFFC000  }
0xb1: {  	[spmem:s2] =	stream.indirect.scatter.add.f32 [tilespmem:s21], [sflag:$0x3], $0x80, s26, s20, $0xb8;
	[tilespmem:$0x1E400] =	vst v63  }
0xb2: {  	_ =	swait.ge [sflag:s18], $0x4000  }
0xb3: {  	[sflag:s18] =	ssyncset.done $0x0  }
0xb4: {  	[sflag:s18] =	ssyncadd.s32 $0xFFFFC000  }
0xb5: {  	[tilespmem:s21], [sflag:$0x1] =	stream.indirect.gather [hbm4b:s4+s20], $0x80, s25, s20, $0xb8;
	[tilespmem:$0x1E400] =	vst v63  }
0xb6: {  	_ =	swait.ge [sflag:s24], $0x4000  }
0xb7: {  	[sflag:s24] =	ssyncset.done $0x0  }
0xb8: {  	[sflag:s24] =	ssyncadd.s32 $0xFFFFC000  }
0xb9: {  	[spmem:s2] =	stream.indirect.scatter.add.f32 [tilespmem:s22], [sflag:$0x3], $0x80, s28, s20, $0xb8;
	[tilespmem:$0x1E400] =	vst v63  }
0xba: {  	_ =	swait.ge [sflag:s18], $0x4000  }
0xbb: {  	[sflag:s18] =	ssyncset.done $0x0  }
0xbc: {  	[sflag:s18] =	ssyncadd.s32 $0xFFFFC000  }
0xbd: {  	_ =	swait.ge [sflag:s23], $0x4000  }
0xbe: {  	[sflag:s23] =	ssyncset.done $0x0  }
0xbf: {  	s31 =	simm.s32 $0x0;
	[sflag:s23] =	ssyncadd.s32 $0xFFFFC000  }
0xc0: {  	[tilespmem:s31], [sflag:$0x3] =	stream.linear.gather [hbm4b:s9+s31], $0x1400, $0x38;
	[tilespmem:$0x1E400] =	vst v63  }
0xc1: {  	_ =	swait.ge [sflag:s18], $0x1400  }
0xc2: {  	[sflag:s18] =	ssyncset.done $0x0  }
0xc3: {  	[sflag:s18] =	ssyncadd.s32 $0xFFFFEC00  }
0xc4: {  	[tilespmem:s19], [sflag:$0x3] =	stream.linear.gather [hbm4b:s10+s31], $0x1400, $0x38;
	[tilespmem:$0x1E400] =	vst v63  }
0xc5: {  	_ =	swait.ge [sflag:s18], $0x1400  }
0xc6: {  	[sflag:s18] =	ssyncset.done $0x0  }
0xc7: {  	[sflag:s18] =	ssyncadd.s32 $0xFFFFEC00  }
0xc8: {  	[tilespmem:s21], [sflag:$0x1] =	stream.indirect.gather [hbm4b:s4+s20], $0x80, s31, s20, $0xb8;
	[tilespmem:$0x1E400] =	vst v63  }
0xc9: {  	s1 =	simm.s32 $0x80  }
0xca: {  	[tilespmem:s22], [sflag:$0x2] =	stream.indirect.gather [hbm4b:s4+s20], $0x80, s1, s20, $0xb8;
	[tilespmem:$0x1E400] =	vst v63  }
0xcb: {  	_ =	swait.ge [sflag:s23], $0x4000  }
0xcc: {  	[sflag:s23] =	ssyncset.done $0x0  }
0xcd: {  	s31 =	simm.s32 $0x1400;
	[sflag:s23] =	ssyncadd.s32 $0xFFFFC000  }
0xce: {  	[spmem:s2] =	stream.indirect.scatter.add.f32 [tilespmem:s21], [sflag:$0x3], $0x80, s31, s20, $0xb8;
	[tilespmem:$0x1E400] =	vst v63  }
0xcf: {  	_ =	swait.ge [sflag:s18], $0x4000  }
0xd0: {  	[sflag:s18] =	ssyncset.done $0x0  }
0xd1: {  	s1 =	simm.s32 $0x100;
	[sflag:s18] =	ssyncadd.s32 $0xFFFFC000  }
0xd2: {  	[tilespmem:s21], [sflag:$0x1] =	stream.indirect.gather [hbm4b:s4+s20], $0x80, s1, s20, $0xb8;
	[tilespmem:$0x1E400] =	vst v63  }
0xd3: {  	_ =	swait.ge [sflag:s24], $0x4000  }
0xd4: {  	[sflag:s24] =	ssyncset.done $0x0  }
0xd5: {  	s31 =	simm.s32 $0x1480;
	[sflag:s24] =	ssyncadd.s32 $0xFFFFC000  }
0xd6: {  	[spmem:s2] =	stream.indirect.scatter.add.f32 [tilespmem:s22], [sflag:$0x3], $0x80, s31, s20, $0xb8;
	[tilespmem:$0x1E400] =	vst v63  }
0xd7: {  	_ =	swait.ge [sflag:s18], $0x4000  }
0xd8: {  	s30 =	simm.s32 $0x800;
	s29 =	simm.s32 $0x100;
	[sflag:s18] =	ssyncset.done $0x0  }
.LBB2_5:
0xd9: {  	s0 =	sadd.s32 $0x80, s29  }
0xda: {  	[sflag:s18] =	ssyncadd.s32 $0xFFFFC000;
	s1 =	smov.u32 s30;
	s31 =	sadd.s32 $0x400, s30  }
0xdb: {  	[tilespmem:s22], [sflag:$0x2] =	stream.indirect.gather [hbm4b:s4+s20], $0x80, s0, s20, $0xb8;
	[tilespmem:$0x1E400] =	vst v63  }
0xdc: {  	p1 =	sne.s32 s30, $0x4800;
	_ =	swait.ge [sflag:s23], $0x4000  }
0xdd: {  	[sflag:s23] =	ssyncset.done $0x0  }
0xde: {  	s0 =	sadd.s32 $0x1400, s29;
	[sflag:s23] =	ssyncadd.s32 $0xFFFFC000  }
0xdf: {  	[spmem:s2] =	stream.indirect.scatter.add.f32 [tilespmem:s21], [sflag:$0x3], $0x80, s0, s20, $0xb8;
	[tilespmem:$0x1E400] =	vst v63  }
0xe0: {  	_ =	swait.ge [sflag:s18], $0x4000  }
0xe1: {  	[sflag:s18] =	ssyncset.done $0x0  }
0xe2: {  	s0 =	sadd.s32 $0x100, s29;
	[sflag:s18] =	ssyncadd.s32 $0xFFFFC000  }
0xe3: {  	[tilespmem:s21], [sflag:$0x1] =	stream.indirect.gather [hbm4b:s4+s20], $0x80, s0, s20, $0xb8;
	[tilespmem:$0x1E400] =	vst v63  }
0xe4: {  	_ =	swait.ge [sflag:s24], $0x4000  }
.Ltmp6:
0xe5: {  	[sflag:s24] =	ssyncset.done $0x0;
	(pc) =	sbr.rel @p1 .LBB2_5-.Ltmp6, $4  }
0xe6: {  	s0 =	sadd.s32 $0x1480, s29;
	[sflag:s24] =	ssyncadd.s32 $0xFFFFC000  }
0xe7: {  	[spmem:s2] =	stream.indirect.scatter.add.f32 [tilespmem:s22], [sflag:$0x3], $0x80, s0, s20, $0xb8;
	[tilespmem:$0x1E400] =	vst v63  }
0xe8: {  	_ =	swait.ge [sflag:s18], $0x4000  }
0xe9: {  	s30 =	smov.u32 s31;
	s29 =	sshra.s32 s1, $0x2;
	[sflag:s18] =	ssyncset.done $0x0  }
0xea: {  	s0 =	sadd.s32 $0x80, s29;
	[sflag:s18] =	ssyncadd.s32 $0xFFFFC000  }
0xeb: {  	[tilespmem:s22], [sflag:$0x2] =	stream.indirect.gather [hbm4b:s4+s20], $0x80, s0, s20, $0xb8;
	[tilespmem:$0x1E400] =	vst v63  }
0xec: {  	_ =	swait.ge [sflag:s23], $0x4000  }
0xed: {  	[sflag:s23] =	ssyncset.done $0x0  }
0xee: {  	s1 =	sadd.s32 $0x1400, s29;
	[sflag:s23] =	ssyncadd.s32 $0xFFFFC000  }
0xef: {  	[spmem:s2] =	stream.indirect.scatter.add.f32 [tilespmem:s21], [sflag:$0x3], $0x80, s1, s20, $0xb8;
	[tilespmem:$0x1E400] =	vst v63  }
0xf0: {  	_ =	swait.ge [sflag:s18], $0x4000  }
0xf1: {  	[sflag:s18] =	ssyncset.done $0x0  }
0xf2: {  	s31 =	sadd.s32 $0x100, s29;
	[sflag:s18] =	ssyncadd.s32 $0xFFFFC000  }
0xf3: {  	[tilespmem:s21], [sflag:$0x1] =	stream.indirect.gather [hbm4b:s4+s20], $0x80, s31, s20, $0xb8;
	[tilespmem:$0x1E400] =	vst v63  }
0xf4: {  	_ =	swait.ge [sflag:s24], $0x4000  }
0xf5: {  	[sflag:s24] =	ssyncset.done $0x0  }
0xf6: {  	s1 =	sadd.s32 $0x1480, s29;
	[sflag:s24] =	ssyncadd.s32 $0xFFFFC000  }
0xf7: {  	[spmem:s2] =	stream.indirect.scatter.add.f32 [tilespmem:s22], [sflag:$0x3], $0x80, s1, s20, $0xb8;
	[tilespmem:$0x1E400] =	vst v63  }
0xf8: {  	_ =	swait.ge [sflag:s18], $0x4000  }
0xf9: {  	[sflag:s18] =	ssyncset.done $0x0  }
0xfa: {  	[sflag:s18] =	ssyncadd.s32 $0xFFFFC000  }
0xfb: {  	[tilespmem:s22], [sflag:$0x2] =	stream.indirect.gather [hbm4b:s4+s20], $0x80, s25, s20, $0xb8;
	[tilespmem:$0x1E400] =	vst v63  }
0xfc: {  	_ =	swait.ge [sflag:s23], $0x4000  }
0xfd: {  	[sflag:s23] =	ssyncset.done $0x0  }
0xfe: {  	[sflag:s23] =	ssyncadd.s32 $0xFFFFC000  }
0xff: {  	[spmem:s2] =	stream.indirect.scatter.add.f32 [tilespmem:s21], [sflag:$0x3], $0x80, s26, s20, $0xb8;
	[tilespmem:$0x1E400] =	vst v63  }
0x100: {  	_ =	swait.ge [sflag:s18], $0x4000  }
0x101: {  	[sflag:s18] =	ssyncset.done $0x0  }
0x102: {  	[sflag:s18] =	ssyncadd.s32 $0xFFFFC000  }
0x103: {  	[tilespmem:s21], [sflag:$0x1] =	stream.indirect.gather [hbm4b:s4+s20], $0x80, s25, s20, $0xb8;
	[tilespmem:$0x1E400] =	vst v63  }
0x104: {  	_ =	swait.ge [sflag:s24], $0x4000  }
0x105: {  	[sflag:s24] =	ssyncset.done $0x0  }
0x106: {  	[sflag:s24] =	ssyncadd.s32 $0xFFFFC000  }
0x107: {  	[spmem:s2] =	stream.indirect.scatter.add.f32 [tilespmem:s22], [sflag:$0x3], $0x80, s28, s20, $0xb8;
	[tilespmem:$0x1E400] =	vst v63  }
0x108: {  	_ =	swait.ge [sflag:s18], $0x4000  }
0x109: {  	[sflag:s18] =	ssyncset.done $0x0  }
0x10a: {  	[sflag:s18] =	ssyncadd.s32 $0xFFFFC000  }
0x10b: {  	_ =	swait.ge [sflag:s23], $0x4000  }
0x10c: {  	[sflag:s23] =	ssyncset.done $0x0  }
0x10d: {  	s31 =	simm.s32 $0x0;
	[sflag:s23] =	ssyncadd.s32 $0xFFFFC000  }
0x10e: {  	[tilespmem:s31], [sflag:$0x3] =	stream.linear.gather [hbm4b:s11+s31], $0x1400, $0x38;
	[tilespmem:$0x1E400] =	vst v63  }
0x10f: {  	_ =	swait.ge [sflag:s18], $0x1400  }
0x110: {  	[sflag:s18] =	ssyncset.done $0x0  }
0x111: {  	[sflag:s18] =	ssyncadd.s32 $0xFFFFEC00  }
0x112: {  	[tilespmem:s19], [sflag:$0x3] =	stream.linear.gather [hbm4b:s12+s31], $0x1400, $0x38;
	[tilespmem:$0x1E400] =	vst v63  }
0x113: {  	_ =	swait.ge [sflag:s18], $0x1400  }
0x114: {  	[sflag:s18] =	ssyncset.done $0x0  }
0x115: {  	[sflag:s18] =	ssyncadd.s32 $0xFFFFEC00  }
0x116: {  	[tilespmem:s21], [sflag:$0x1] =	stream.indirect.gather [hbm4b:s4+s20], $0x80, s31, s20, $0xb8;
	[tilespmem:$0x1E400] =	vst v63  }
0x117: {  	s1 =	simm.s32 $0x80  }
0x118: {  	[tilespmem:s22], [sflag:$0x2] =	stream.indirect.gather [hbm4b:s4+s20], $0x80, s1, s20, $0xb8;
	[tilespmem:$0x1E400] =	vst v63  }
0x119: {  	_ =	swait.ge [sflag:s23], $0x4000  }
0x11a: {  	[sflag:s23] =	ssyncset.done $0x0  }
0x11b: {  	s31 =	simm.s32 $0x1400;
	[sflag:s23] =	ssyncadd.s32 $0xFFFFC000  }
0x11c: {  	[spmem:s2] =	stream.indirect.scatter.add.f32 [tilespmem:s21], [sflag:$0x3], $0x80, s31, s20, $0xb8;
	[tilespmem:$0x1E400] =	vst v63  }
0x11d: {  	_ =	swait.ge [sflag:s18], $0x4000  }
0x11e: {  	[sflag:s18] =	ssyncset.done $0x0  }
0x11f: {  	s1 =	simm.s32 $0x100;
	[sflag:s18] =	ssyncadd.s32 $0xFFFFC000  }
0x120: {  	[tilespmem:s21], [sflag:$0x1] =	stream.indirect.gather [hbm4b:s4+s20], $0x80, s1, s20, $0xb8;
	[tilespmem:$0x1E400] =	vst v63  }
0x121: {  	_ =	swait.ge [sflag:s24], $0x4000  }
0x122: {  	[sflag:s24] =	ssyncset.done $0x0  }
0x123: {  	s31 =	simm.s32 $0x1480;
	[sflag:s24] =	ssyncadd.s32 $0xFFFFC000  }
0x124: {  	[spmem:s2] =	stream.indirect.scatter.add.f32 [tilespmem:s22], [sflag:$0x3], $0x80, s31, s20, $0xb8;
	[tilespmem:$0x1E400] =	vst v63  }
0x125: {  	_ =	swait.ge [sflag:s18], $0x4000  }
0x126: {  	s30 =	simm.s32 $0x800;
	s29 =	simm.s32 $0x100;
	[sflag:s18] =	ssyncset.done $0x0  }
.LBB2_7:
0x127: {  	s0 =	sadd.s32 $0x80, s29  }
0x128: {  	[sflag:s18] =	ssyncadd.s32 $0xFFFFC000;
	s1 =	smov.u32 s30;
	s31 =	sadd.s32 $0x400, s30  }
0x129: {  	[tilespmem:s22], [sflag:$0x2] =	stream.indirect.gather [hbm4b:s4+s20], $0x80, s0, s20, $0xb8;
	[tilespmem:$0x1E400] =	vst v63  }
0x12a: {  	p1 =	seq.s32 s30, $0x4800;
	_ =	swait.ge [sflag:s23], $0x4000  }
0x12b: {  	[sflag:s23] =	ssyncset.done $0x0  }
0x12c: {  	s0 =	sadd.s32 $0x1400, s29;
	[sflag:s23] =	ssyncadd.s32 $0xFFFFC000  }
0x12d: {  	[spmem:s2] =	stream.indirect.scatter.add.f32 [tilespmem:s21], [sflag:$0x3], $0x80, s0, s20, $0xb8;
	[tilespmem:$0x1E400] =	vst v63  }
0x12e: {  	_ =	swait.ge [sflag:s18], $0x4000  }
0x12f: {  	[sflag:s18] =	ssyncset.done $0x0  }
0x130: {  	s0 =	sadd.s32 $0x100, s29;
	[sflag:s18] =	ssyncadd.s32 $0xFFFFC000  }
0x131: {  	[tilespmem:s21], [sflag:$0x1] =	stream.indirect.gather [hbm4b:s4+s20], $0x80, s0, s20, $0xb8;
	[tilespmem:$0x1E400] =	vst v63  }
0x132: {  	_ =	swait.ge [sflag:s24], $0x4000  }
.Ltmp7:
0x133: {  	[sflag:s24] =	ssyncset.done $0x0;
	(pc) =	sbr.rel @!p1 .LBB2_7-.Ltmp7, $4  }
0x134: {  	s0 =	sadd.s32 $0x1480, s29;
	[sflag:s24] =	ssyncadd.s32 $0xFFFFC000  }
0x135: {  	[spmem:s2] =	stream.indirect.scatter.add.f32 [tilespmem:s22], [sflag:$0x3], $0x80, s0, s20, $0xb8;
	[tilespmem:$0x1E400] =	vst v63  }
0x136: {  	_ =	swait.ge [sflag:s18], $0x4000  }
0x137: {  	s30 =	smov.u32 s31;
	s29 =	sshra.s32 s1, $0x2;
	[sflag:s18] =	ssyncset.done $0x0  }
0x138: {  	s0 =	sadd.s32 $0x80, s29;
	[sflag:s18] =	ssyncadd.s32 $0xFFFFC000  }
0x139: {  	[tilespmem:s22], [sflag:$0x2] =	stream.indirect.gather [hbm4b:s4+s20], $0x80, s0, s20, $0xb8;
	[tilespmem:$0x1E400] =	vst v63  }
0x13a: {  	_ =	swait.ge [sflag:s23], $0x4000  }
0x13b: {  	[sflag:s23] =	ssyncset.done $0x0  }
0x13c: {  	s1 =	sadd.s32 $0x1400, s29;
	[sflag:s23] =	ssyncadd.s32 $0xFFFFC000  }
0x13d: {  	[spmem:s2] =	stream.indirect.scatter.add.f32 [tilespmem:s21], [sflag:$0x3], $0x80, s1, s20, $0xb8;
	[tilespmem:$0x1E400] =	vst v63  }
0x13e: {  	_ =	swait.ge [sflag:s18], $0x4000  }
0x13f: {  	[sflag:s18] =	ssyncset.done $0x0  }
0x140: {  	s30 =	sadd.s32 $0x100, s29;
	[sflag:s18] =	ssyncadd.s32 $0xFFFFC000  }
0x141: {  	[tilespmem:s21], [sflag:$0x1] =	stream.indirect.gather [hbm4b:s4+s20], $0x80, s30, s20, $0xb8;
	[tilespmem:$0x1E400] =	vst v63  }
0x142: {  	_ =	swait.ge [sflag:s24], $0x4000  }
0x143: {  	[sflag:s24] =	ssyncset.done $0x0  }
.Ltmp8:
0x144: {  	s31 =	sadd.s32 $0x1480, s29;
	[sflag:s24] =	ssyncadd.s32 $0xFFFFC000;
	(pc) =	sbr.rel .LBB2_12-.Ltmp8, $4  }
0x145: {  	[spmem:s2] =	stream.indirect.scatter.add.f32 [tilespmem:s22], [sflag:$0x3], $0x80, s31, s20, $0xb8;
	[tilespmem:$0x1E400] =	vst v63  }
0x146: {  	_ =	swait.ge [sflag:s18], $0x4000  }
0x147: {  	[sflag:s18] =	ssyncset.done $0x0  }
0x148: {  	[sflag:s18] =	ssyncadd.s32 $0xFFFFC000  }
.LBB2_13:
0x149: {  	_ =	sfence.sel $0x180000  }
0x14a: {  	[bflag:$0x0] =	sbarrier.arrive $0xFFFF  }
0x14b: {  	_ =	strace $0x9000004A  }
0x14c: {  	s0 =	stileid.u32;
	[bflag:$0x2] =	sbarrier.arrive $0xFFFF  }
0x14d: {  	p0 =	sne.s32 s0, $0x0;
	s0 =	rddreg [dreg:$0x3]  }
0x14e: {  	s0 =	sadd.s32 @!p0 $0x100000, s0  }
0x14f: {  	[sflag:s0] =	ssyncadd.tile.s32 @!p0 $0x1;
	_ =	shalt  }
.Lfunc_end2:
_tile_overlayer_lowered:
.L_overlay_start_2:
0x150: {  	(tag) =	ssettag $0x2  }
0x151: {  	s0 =	rddreg [dreg:$0x0];
	s2 =	stileid.u32  }
0x152: {  	s1 =	rddreg [dreg:$0x1];
	p0 =	sne.s32 s2, $0x0  }
0x153: {  	s3 =	rddreg [dreg:$0x2];
	[bflag:$0x3] =	sbarrier.arrive $0xFFFF;
	s2 =	simm.s32 @!p0 $0x1C03  }
0x154: {  	[timem:s3], [sflag:s2] =	dma.local @!p0 [hbm:s0], s1  }
0x155: {  	s0 =	simm.s32 @!p0 $0x3  }
0x156: {  	_ =	swait.ge @!p0 [sflag:s0], s1  }
0x157: {  	s1 =	ssub.s32 @!p0 $0x0, s1;
	[sflag:s0] =	ssyncset.done @!p0 $0x0  }
0x158: {  	[sflag:s0] =	ssyncadd.s32 @!p0 s1  }
0x159: {  	[bflag:$0x3] =	sbarrier.arrive $0xFFFF  }
0x15a: {  	_ =	shalt  }

// kernel: kernel.7.cloned.1.call-start
scs
__scs_entry_jumppad:
0x0: {  	(pc) =	sbr.rel $0x88, $3  }
0x1: {  	(tag) =	ssettag $0x0;
	lr =	simm.s32 $0x1  }
0x2: {  	[smem:$0x3F99] =	sst lr;
	_ =	strace $0xD0000000  }
0x3: {  	_ = 	snop  }
0x4: {  	_ = 	snop  }
0x5: {  	_ = 	snop  }
0x6: {  	_ = 	snop  }
0x7: {  	_ = 	snop  }
__scs_overlays_trampoline_lowered:
0x8: {  	[smem:$0x3FA8] =	sst s0  }
0x9: {  	[smem:$0x3FA9] =	sst s1  }
0xa: {  	[smem:$0x3FAA] =	sst s2  }
0xb: {  	[smem:$0x3FAB] =	sst s3  }
0xc: {  	[smem:$0x3FAC] =	sst s4  }
0xd: {  	[smem:$0x3FAD] =	sst s5  }
0xe: {  	[smem:$0x3FAE] =	sst s6  }
0xf: {  	[smem:$0x3FAF] =	sst s7  }
0x10: {  	[smem:$0x3FB0] =	sst s8  }
0x11: {  	[smem:$0x3FB1] =	sst s9;
	s0 =	simm.s32 @!p0 $0x0  }
0x12: {  	s1 =	sld [smem:$0x3F97];
	s0 =	simm.s32 @p0 $0x1  }
0x13: {  	[smem:$0x3FB2] =	sst s0;
	s0 =	simm.s32 @!p1 $0x0  }
0x14: {  	s2 =	sld [smem:$0x3F96];
	s0 =	simm.s32 @p1 $0x1  }
0x15: {  	[smem:$0x3FB3] =	sst s0;
	s0 =	simm.s32 @!p2 $0x0  }
0x16: {  	s3 =	sld [smem:$0x3FDB];
	s0 =	simm.s32 @p2 $0x1  }
0x17: {  	s4 =	simm.s32 $0x1BF5;
	[smem:$0x3FB5] =	sst s0  }
0x18: {  	s0 =	sld [smem:$0x3F98];
	_ =	swait.ge [sflag:s4], $0x0  }
0x19: {  	s7 =	sld [smem:$0x3F99]  }
0x1a: {  	s8 =	sadd.s32 $0xFFFFE003, lr  }
0x1b: {  	s9 =	sadd.s32 $0xFFFFFEF7, lr;
	s5 =	simm.s32 $0xFFFFFFFF;
	p2 =	slt.u32 s8, $0xFFFFF086  }
0x1c: {  	p1 =	slt.u32 s9, $0xF7A;
	s5 =	simm.s32 @!p2 $0x0  }
0x1d: {  	s5 =	simm.s32 @p1 $0x1;
	p0 =	seq.s32 s7, s2  }
0x1e: {  	s7 =	smul.u32 @!p0 $0xF7A, s2;
	p2 =	seq.s32 @!p0 s5, $0x0  }
0x1f: {  	s9 =	smul.u32 $0xF7A, s1;
	s8 =	simm.s32 @!p0 $0x1BF5;
	p2 =	por !p2, p0  }
0x20: {  	[sflag:s8] =	ssyncset.s32 @!p0 $0xFFFFF086;
	s6 =	sadd.s32 @!p0 s3, s7;
	s7 =	simm.s32 @!p0 $0x108  }
0x21: {  	s3 =	sadd.s32 s3, s9;
	s6 =	sadd.s32 @!p0 $0x88, s6;
	s7 =	simm.s32 @p2 $0x1082  }
0x22: {  	[simem:s7], [sflag:s8] =	dma.local @!p0 [hbm:s6], $0xF7A  }
0x23: {  	s9 =	sor.u32 $0xD0000000, s2;
	s6 =	simm.s32 $0x108;
	_ =	swait.ge @!p0 [sflag:s8], $0x0  }
0x24: {  	s3 =	sadd.s32 $0x88, s3;
	s6 =	simm.s32 @!p1 $0x1082;
	[sflag:s4] =	ssyncset.s32 $0xFFFFF086  }
0x25: {  	[simem:s6], [sflag:s4] =	dma.local [hbm:s3], $0xF7A  }
0x26: {  	[smem:$0x3F99] =	sst s1;
	(tag) =	ssettag s2;
	_ =	strace s9  }
0x27: {  	s1 =	sld [smem:$0x3FA9]  }
0x28: {  	s2 =	sld [smem:$0x3FAA]  }
0x29: {  	s4 =	sld [smem:$0x3FAC]  }
0x2a: {  	p0 =	seq.s32 s5, $0x0;
	s5 =	sld [smem:$0x3FAD]  }
0x2b: {  	s6 =	sld [smem:$0x3FAE]  }
0x2c: {  	s7 =	sld [smem:$0x3FAF]  }
0x2d: {  	s3 =	simm.s32 $0x108;
	s8 =	sld [smem:$0x3FB0]  }
0x2e: {  	s3 =	simm.s32 @!p0 $0x1082;
	s9 =	sld [smem:$0x3FB1]  }
0x2f: {  	lr =	sadd.s32 s0, s3;
	s0 =	sld [smem:$0x3FA8]  }
0x30: {  	s3 =	sld [smem:$0x3FAB]  }
0x31: {  	[smem:$0x3FB4] =	sst s10  }
0x32: {  	s10 =	sld [smem:$0x3FB2];
	_ =	sdelay $0x3  }
0x33: {  	p0 =	seq.s32 s10, $0x1;
	s10 =	sld [smem:$0x3FB4];
	_ =	sdelay $0x3  }
0x34: {  	[smem:$0x3FB4] =	sst s10  }
0x35: {  	s10 =	sld [smem:$0x3FB3];
	_ =	sdelay $0x3  }
0x36: {  	p1 =	seq.s32 s10, $0x1;
	s10 =	sld [smem:$0x3FB4];
	_ =	sdelay $0x3  }
0x37: {  	[smem:$0x3FB4] =	sst s10  }
0x38: {  	s10 =	sld [smem:$0x3FB5]  }
0x39: {  	_ = 	snop;
	(pc) =	sbr.ind lr, $3  }
0x3a: {  	_ = 	snop  }
0x3b: {  	_ = 	snop  }
0x3c: {  	p2 =	seq.s32 s10, $0x1;
	s10 =	sld [smem:$0x3FB4]  }
0x3d: {  	_ =	shalt  }
0x3e: {  	_ =	shalt  }
0x3f: {  	_ =	shalt  }
0x40: {  	_ =	shalt  }
0x41: {  	_ =	shalt  }
0x42: {  	_ =	shalt  }
0x43: {  	_ =	shalt  }
0x44: {  	_ =	shalt  }
0x45: {  	_ =	shalt  }
0x46: {  	_ =	shalt  }
0x47: {  	_ =	shalt  }
0x48: {  	_ =	shalt  }
0x49: {  	_ =	shalt  }
0x4a: {  	_ =	shalt  }
0x4b: {  	_ =	shalt  }
0x4c: {  	_ =	shalt  }
0x4d: {  	_ =	shalt  }
0x4e: {  	_ =	shalt  }
0x4f: {  	_ =	shalt  }
0x50: {  	_ =	shalt  }
0x51: {  	_ =	shalt  }
0x52: {  	_ =	shalt  }
0x53: {  	_ =	shalt  }
0x54: {  	_ =	shalt  }
0x55: {  	_ =	shalt  }
0x56: {  	_ =	shalt  }
0x57: {  	_ =	shalt  }
0x58: {  	_ =	shalt  }
0x59: {  	_ =	shalt  }
0x5a: {  	_ =	shalt  }
0x5b: {  	_ =	shalt  }
0x5c: {  	_ =	shalt  }
0x5d: {  	_ =	shalt  }
0x5e: {  	_ =	shalt  }
0x5f: {  	_ =	shalt  }
0x60: {  	_ =	shalt  }
0x61: {  	_ =	shalt  }
0x62: {  	_ =	shalt  }
0x63: {  	_ =	shalt  }
0x64: {  	_ =	shalt  }
0x65: {  	_ =	shalt  }
0x66: {  	_ =	shalt  }
0x67: {  	_ =	shalt  }
0x68: {  	_ =	shalt  }
0x69: {  	_ =	shalt  }
0x6a: {  	_ =	shalt  }
0x6b: {  	_ =	shalt  }
0x6c: {  	_ =	shalt  }
0x6d: {  	_ =	shalt  }
0x6e: {  	_ =	shalt  }
0x6f: {  	_ =	shalt  }
0x70: {  	_ =	shalt  }
0x71: {  	_ =	shalt  }
0x72: {  	_ =	shalt  }
0x73: {  	_ =	shalt  }
0x74: {  	_ =	shalt  }
0x75: {  	_ =	shalt  }
0x76: {  	_ =	shalt  }
0x77: {  	_ =	shalt  }
0x78: {  	_ =	shalt  }
0x79: {  	_ =	shalt  }
0x7a: {  	_ =	shalt  }
0x7b: {  	_ =	shalt  }
0x7c: {  	_ =	shalt  }
0x7d: {  	_ =	shalt  }
0x7e: {  	_ =	shalt  }
0x7f: {  	_ =	shalt  }
0x80: {  	_ =	shalt  }
0x81: {  	_ =	shalt  }
0x82: {  	_ =	shalt  }
0x83: {  	_ =	shalt  }
0x84: {  	_ =	shalt  }
0x85: {  	_ =	shalt  }
0x86: {  	_ =	shalt  }
0x87: {  	_ =	shalt  }
.Lfunc_end0:
.L_simem_size_0:
called_computation_lowered:
.L_overlay_start_0:
0x88: {  	s2 =	sld [smem:$0x3FD9]  }
0x89: {  	s3 =	sld [smem:$0x3FFE];
	_ =	sdelay $0x1  }
0x8a: {  	s1 =	srdreg.scid  }
0x8b: {  	s0 =	sand.u32 $0x1, s1  }
0x8c: {  	s17 =	sshll.u32 s0, $0xA;
	s2 =	sadd.s32 s3, s2  }
0x8d: {  	s2 =	sadd.s32 s2, s17  }
0x8e: {  	[smem:$0x3FC0] =	sst s2  }
0x8f: {  	_ = 	snop  }
0x90: {  	s2 =	sld [smem:$0x3FD0];
	(tm) =	ssettm $0x1  }
0x91: {  	s18 =	sld [smem:$0x3FFB];
	_ =	sdelay $0x3  }
0x92: {  	_ =	strace s18  }
0x93: {  	s3 =	sld [smem:$0x3FFC];
	_ =	sdelay $0x3  }
0x94: {  	_ =	strace s3  }
0x95: {  	s3 =	sld [smem:$0x3FFD];
	_ =	sdelay $0x3  }
0x96: {  	_ =	strace s3  }
0x97: {  	_ =	strace $0x8FFFFFFF  }
0x98: {  	s19 =	sld [smem:$0x3FDB];
	_ =	sdelay $0x1  }
0x99: {  	s4 =	simm.s32 $_scs_section_size  }
0x9a: {  	s5 =	simm.s32 $_size__tile_overlayer_lowered;
	s6 =	simm.s32 $_tile_overlayer_lowered  }
0x9b: {  	s22 =	simm.s32 $0x1BFF;
	s21 =	sshll.u32 s6, $0x1;
	s3 =	sadd.s32 s4, s19  }
0x9c: {  	s7 =	simm.s32 $0x0;
	s20 =	sshll.u32 s5, $0x1;
	s5 =	sadd.s32 s21, s3  }
0x9d: {  	[timem:s7], [sflag:s22] =	dma.local [hbm:s5], s20  }
0x9e: {  	_ =	swait.ge [sflag:s22], s20  }
0x9f: {  	s4 =	ssub.s32 $0x0, s20;
	[sflag:s22] =	ssyncset.done $0x0  }
0xa0: {  	[sflag:s22] =	ssyncadd.s32 s4;
	_ =	sdelay $0x1  }
0xa1: {  	s23 =	simm.s32 $0x1B8B  }
0xa2: {  	_ =	swait.ge [sflag:s23], $0x1  }
0xa3: {  	[sflag:s23] =	ssyncset.done $0x0  }
0xa4: {  	s25 =	simm.s32 $0x1B8E;
	s24 =	sld [smem:$0x3FFE];
	[sflag:s23] =	ssyncadd.s32 $0xFFFFFFFF  }
0xa5: {  	s26 =	simm.s32 $execute0_lowered;
	[smem:$0x3FD2] =	sst s25  }
0xa6: {  	s5 =	sshll.u32 s26, $0x1;
	_ =	strace $0x80000046;
	[dreg:$0x1] =	wrdreg $0xFFFFFFFF  }
0xa7: {  	s28 =	simm.s32 $_size_execute0_lowered;
	s3 =	sadd.s32 s3, s5;
	[dreg:$0x0] =	wrdreg $0x0  }
0xa8: {  	s5 =	sshll.u32 s28, $0x1;
	[dreg:$0x2] =	wrdreg s3  }
0xa9: {  	[dreg:$0x3] =	wrdreg s5  }
0xaa: {  	[dreg:$0x4] =	wrdreg $0xC0  }
0xab: {  	_ =	task [dreg:s7], $0x5FFFF  }
0xac: {  	[dreg:$0x1] =	wrdreg $0xFFFFFFFF  }
0xad: {  	[dreg:$0x0] =	wrdreg $0x60  }
0xae: {  	[dreg:$0x2] =	wrdreg s24  }
0xaf: {  	[dreg:$0x3] =	wrdreg s2  }
0xb0: {  	[dreg:$0x4] =	wrdreg $0xA8000  }
0xb1: {  	[dreg:$0x5] =	wrdreg $0x1E4000  }
0xb2: {  	[dreg:$0x6] =	wrdreg $0x9  }
0xb3: {  	_ =	task.clear_ibuf [dreg:s7], $0x7FFFF;
	_ =	strace $0x90000046  }
0xb4: {  	s29 =	simm.s32 $0x9;
	_ =	strace $0x80000048  }
0xb5: {  	_ =	swait.ge [sflag:s29], $0x1  }
0xb6: {  	[sflag:s29] =	ssyncadd.s32 $0xFFFFFFFF  }
0xb7: {  	_ =	strace $0x90000048  }
0xb8: {  	_ =	sfence  }
0xb9: {  	s30 =	sld [smem:$0x0];
	_ =	sdelay $0x2  }
0xba: {  	s31 =	sshll.u32 s1, $0xD;
	s1 =	sshrl.u32 s1, $0x2  }
0xbb: {  	s3 =	sand.u32 $0x4000, s31;
	s1 =	sadd.s32 s1, s30  }
0xbc: {  	s0 =	sor.u32 s3, s0;
	s1 =	sshll.u32 s1, $0x11  }
0xbd: {  	s0 =	sor.u32 s1, s0  }
0xbe: {  	s0 =	sadd.s32 $0x8F2B, s0  }
0xbf: {  	[sflag:s0] =	ssyncadd.remote.s32 $0x1  }
0xc0: {  	_ =	sfence.sel $0xFFFF  }
0xc1: {  	[dreg:$0x0] =	wrdreg $0xFFFFFFFF;
	(pc) =	sbr.abs _section_cstart, $3  }
0xc2: {  	[dreg:$0x1] =	wrdreg $0xFFFFFFFF  }
0xc3: {  	_ =	task.clear_ibuf [dreg:s7], $0x2FFFF;
	_ =	strace $0x9FFFFFFF  }
0xc4: {  	(tm) =	ssettm $0x7FFFFFFF  }
0xc5: {  	_ =	shalt  }
tec
execute0_lowered:
.L_overlay_start_1:
0x0: {  	(tag) =	ssettag $0x1  }
0x1: {  	s0 =	rddreg [dreg:$0x0]  }
0x2: {  	s1 =	rddreg [dreg:$0x1]  }
0x3: {  	s2 =	rddreg [dreg:$0x2];
	s21 =	stileid.u32  }
0x4: {  	s3 =	rddreg [dreg:$0x3];
	s4 =	simm.s32 $0x0;
	s6 =	smul.u32 $0x13C00, s21  }
0x5: {  	s8 =	srdreg.scid;
	s28 =	simm.s32 $0x1400;
	s9 =	smul.u32 $0x280, s21  }
0x6: {  	s29 =	simm.s32 $0x80;
	s30 =	simm.s32 $0x2800;
	s14 =	smul.u32 $0x1400, s21  }
0x7: {  	s31 =	simm.s32 $0x6800;
	[smem:$0x7FF] =	sst s4;
	s19 =	smul.u32 $0x780, s21  }
0x8: {  	s5 =	sadd.s32 $0xBC00, s0;
	s10 =	sadd.s32 $0x1C00, s0;
	s24 =	smul.u32 $0x3C00, s21  }
0x9: {  	s13 =	sand.u32 $0x1, s8;
	s8 =	sadd.s32 $0x5B800, s0;
	s20 =	smul.u32 $0x4F000, s21  }
0xa: {  	s23 =	sadd.s32 $0x5AC00, s0;
	_ =	strace $0x80000047;
	s15 =	ssub.s32 $0x2, s13  }
0xb: {  	s17 =	smul.u32 $0x13C000, s13;
	[dreg:$0xd] =	wrdreg s23;
	p0 =	sne.s32 s13, $0x0  }
0xc: {  	s16 =	sshrl.u32 s6, $0x3;
	s7 =	sshrl.u32 s9, $0x3;
	s18 =	sshrl.u32 s15, $0x1  }
0xd: {  	s14 =	sshrl.u32 s14, $0x3;
	s25 =	sadd.s32 s10, s19;
	s26 =	sshrl.u32 s24, $0x3  }
0xe: {  	s24 =	sshrl.u32 s20, $0x2;
	s11 =	sadd.s32 s16, s0;
	s12 =	sadd.s32 s7, s0  }
0xf: {  	s15 =	ssub.s32 s15, s18;
	s14 =	sadd.s32 $0x7800, s14;
	s6 =	sadd.s32 s6, s17  }
0x10: {  	[dreg:$0x7] =	wrdreg s25;
	s18 =	sadd.s32 s1, s19;
	s19 =	sadd.s32 $0x280, s26  }
0x11: {  	s0 =	sadd.s32 $0x5B200, s0;
	s25 =	sshll.u32 s21, $0x6;
	s22 =	sadd.s32 s10, s14  }
0x12: {  	s14 =	sadd.s32 s1, s14;
	[dreg:$0x8] =	wrdreg s18;
	s17 =	sadd.s32 s1, s19  }
0x13: {  	[dreg:$0xe] =	wrdreg s0;
	s20 =	sadd.s32 $0x33400, s11;
	s21 =	sor.u32 $0x1C03, s25  }
0x14: {  	s23 =	sadd.s32 $0x32E00, s12;
	s25 =	smax.u32 s15, $0x1;
	s0 =	simm.s32 $0x1  }
0x15: {  	s11 =	simm.s32 $0x2700;
	s12 =	simm.s32 $0x2780;
	[dreg:$0x5] =	wrdreg s22  }
0x16: {  	[dreg:$0x6] =	wrdreg s14;
	s14 =	sadd.s32 $0x500, s26;
	s22 =	sadd.s32 s10, s19  }
.Ltmp0:
0x17: {  	[dreg:$0xa] =	wrdreg s17;
	s19 =	sadd.s32 s24, s2;
	(pc) =	sbr.rel .LBB2_1-.Ltmp0, $4  }
0x18: {  	s26 =	sshrl.u32 s6, $0x3;
	[dreg:$0x9] =	wrdreg s22;
	s10 =	sadd.s32 s10, s14  }
0x19: {  	s1 =	sadd.s32 s1, s14;
	s22 =	sadd.s32 s9, s3;
	[dreg:$0xf] =	wrdreg s26  }
0x1a: {  	s26 =	simm.s32 $0x3;
	s9 =	simm.s32 $0x2;
	[dreg:$0xb] =	wrdreg s10  }
0x1b: {  	v0 =	vimm.f32 $1.000000000e+00;
	[dreg:$0xc] =	wrdreg s1;
	s1 =	simm.s32 $0x1E680;
	s10 =	simm.s32 $0x1380  }
.LBB2_11:
0x1c: {  	s6 =	sadd.s32 $0x80, s15;
	[sflag:s26] =	ssyncadd.s32 $0xFFFFFF80  }
0x1d: {  	[tilespmem:s31], [sflag:$0x2] =	stream.indirect.gather [hbm4b:s5+s29], $0x80, s6, s29, $0xb8;
	[tilespmem:$0x1E700] =	vst v63  }
0x1e: {  	_ =	swait.ge [sflag:s0], $0x4000  }
0x1f: {  	[sflag:s0] =	ssyncset.done $0x0  }
0x20: {  	s17 =	sadd.s32 $0x1400, s15;
	[sflag:s0] =	ssyncadd.s32 $0xFFFFC000  }
0x21: {  	[spmem:s2] =	stream.indirect.scatter.add.f32 [tilespmem:s30], [sflag:$0x3], $0x80, s17, s29, $0xb8;
	[tilespmem:$0x1E700] =	vst v63  }
0x22: {  	_ =	swait.ge [sflag:s26], $0x4000  }
0x23: {  	[sflag:s26] =	ssyncset.done $0x0  }
0x24: {  	[sflag:s26] =	ssyncadd.s32 $0xFFFFC000  }
0x25: {  	[spmem:s3] =	stream.indirect.scatter.add.f32 [tilespmem:s1], [sflag:$0x3], $0x1, s17, s29, $0xb8;
	[tilespmem:$0x1E700] =	vst v63  }
0x26: {  	_ =	swait.ge [sflag:s26], $0x80  }
0x27: {  	[sflag:s26] =	ssyncset.done $0x0  }
0x28: {  	s18 =	sadd.s32 $0x100, s15;
	[sflag:s26] =	ssyncadd.s32 $0xFFFFFF80  }
0x29: {  	[tilespmem:s30], [sflag:$0x1] =	stream.indirect.gather [hbm4b:s5+s29], $0x80, s18, s29, $0xb8;
	[tilespmem:$0x1E700] =	vst v63  }
0x2a: {  	_ =	swait.ge [sflag:s9], $0x4000  }
0x2b: {  	[sflag:s9] =	ssyncset.done $0x0  }
0x2c: {  	s24 =	sadd.s32 $0x1480, s15;
	[sflag:s9] =	ssyncadd.s32 $0xFFFFC000  }
0x2d: {  	[spmem:s2] =	stream.indirect.scatter.add.f32 [tilespmem:s31], [sflag:$0x3], $0x80, s24, s29, $0xb8;
	[tilespmem:$0x1E700] =	vst v63  }
0x2e: {  	_ =	swait.ge [sflag:s26], $0x4000  }
0x2f: {  	[sflag:s26] =	ssyncset.done $0x0  }
0x30: {  	[sflag:s26] =	ssyncadd.s32 $0xFFFFC000  }
0x31: {  	[spmem:s3] =	stream.indirect.scatter.add.f32 [tilespmem:s1], [sflag:$0x3], $0x1, s24, s29, $0xb8;
	[tilespmem:$0x1E700] =	vst v63  }
0x32: {  	_ =	swait.ge [sflag:s26], $0x80  }
0x33: {  	[sflag:s26] =	ssyncset.done $0x0;
	s6 =	rddreg [dreg:$0xf]  }
0x34: {  	s15 =	rddreg [dreg:$0xe];
	[sflag:s26] =	ssyncadd.s32 $0xFFFFFF80  }
.LBB2_12:
0x35: {  	[tilespmem:s31], [sflag:$0x2] =	stream.indirect.gather [hbm4b:s5+s29], $0x80, s10, s29, $0xb8;
	[tilespmem:$0x1E700] =	vst v63  }
0x36: {  	_ =	swait.ge [sflag:s0], $0x4000  }
0x37: {  	[sflag:s0] =	ssyncset.done $0x0  }
0x38: {  	[sflag:s0] =	ssyncadd.s32 $0xFFFFC000  }
0x39: {  	[spmem:s2] =	stream.indirect.scatter.add.f32 [tilespmem:s30], [sflag:$0x3], $0x80, s11, s29, $0xb8;
	[tilespmem:$0x1E700] =	vst v63  }
0x3a: {  	_ =	swait.ge [sflag:s26], $0x4000  }
0x3b: {  	[sflag:s26] =	ssyncset.done $0x0  }
0x3c: {  	[sflag:s26] =	ssyncadd.s32 $0xFFFFC000  }
0x3d: {  	[spmem:s3] =	stream.indirect.scatter.add.f32 [tilespmem:s1], [sflag:$0x3], $0x1, s11, s29, $0xb8;
	[tilespmem:$0x1E700] =	vst v63  }
0x3e: {  	_ =	swait.ge [sflag:s26], $0x80  }
0x3f: {  	[sflag:s26] =	ssyncset.done $0x0  }
0x40: {  	[sflag:s26] =	ssyncadd.s32 $0xFFFFFF80  }
0x41: {  	[tilespmem:s30], [sflag:$0x1] =	stream.indirect.gather [hbm4b:s5+s29], $0x80, s10, s29, $0xb8;
	[tilespmem:$0x1E700] =	vst v63  }
0x42: {  	_ =	swait.ge [sflag:s9], $0x4000  }
0x43: {  	[sflag:s9] =	ssyncset.done $0x0  }
0x44: {  	[sflag:s9] =	ssyncadd.s32 $0xFFFFC000  }
0x45: {  	[spmem:s2] =	stream.indirect.scatter.add.f32 [tilespmem:s31], [sflag:$0x3], $0x80, s12, s29, $0xb8;
	[tilespmem:$0x1E700] =	vst v63  }
0x46: {  	_ =	swait.ge [sflag:s26], $0x4000  }
0x47: {  	[sflag:s26] =	ssyncset.done $0x0  }
0x48: {  	[sflag:s26] =	ssyncadd.s32 $0xFFFFC000  }
0x49: {  	[spmem:s3] =	stream.indirect.scatter.add.f32 [tilespmem:s1], [sflag:$0x3], $0x1, s12, s29, $0xb8;
	[tilespmem:$0x1E700] =	vst v63  }
0x4a: {  	_ =	swait.ge [sflag:s26], $0x80  }
0x4b: {  	[sflag:s26] =	ssyncset.done $0x0  }
0x4c: {  	[sflag:s26] =	ssyncadd.s32 $0xFFFFFF80  }
0x4d: {  	_ =	swait.ge [sflag:s0], $0x4000  }
0x4e: {  	[sflag:s0] =	ssyncset.done $0x0  }
0x4f: {  	[sflag:s0] =	ssyncadd.s32 $0xFFFFC000  }
0x50: {  	s6 =	sadd.s32 s8, s6;
	[bflag:$0x0] =	sbarrier.arrive $0xFFFF  }
0x51: {  	[hbm:s6], [sflag:s21] =	dma.local [spmem:s13], $0x2780  }
0x52: {  	s4 =	sadd.s32 $0x1, s4;
	_ =	swait.ge [sflag:s26], $0x2780  }
0x53: {  	p1 =	sne.s32 s4, s25;
	[sflag:s26] =	ssyncset.done $0x0  }
.Ltmp1:
0x54: {  	s24 =	sadd.s32 s15, s7;
	[sflag:s26] =	ssyncadd.s32 $0xFFFFD880;
	(pc) =	sbr.rel @!p1 .LBB2_13-.Ltmp1, $4  }
0x55: {  	[hbm:s24], [sflag:s21] =	dma.local [spmem:s14], $0x50  }
0x56: {  	_ =	swait.ge [sflag:s26], $0x50  }
0x57: {  	[sflag:s26] =	ssyncset.done $0x0  }
0x58: {  	[sflag:s26] =	ssyncadd.s32 $0xFFFFFFB0  }
.LBB2_1:
0x59: {  	s13 =	sshrl.u32 s19, $0x3  }
0x5a: {  	[spmem:s13], [sflag:s21] =	dma.local [hbm:s20], $0x2780  }
0x5b: {  	_ =	swait.ge [sflag:s26], $0x2780  }
0x5c: {  	[sflag:s26] =	ssyncset.done $0x0  }
0x5d: {  	s14 =	sshrl.u32 s22, $0x3;
	[sflag:s26] =	ssyncadd.s32 $0xFFFFD880  }
0x5e: {  	[spmem:s14], [sflag:s21] =	dma.local [hbm:s23], $0x50  }
0x5f: {  	_ =	swait.ge [sflag:s26], $0x50  }
0x60: {  	[sflag:s26] =	ssyncset.done $0x0  }
0x61: {  	[sflag:s26] =	ssyncadd.s32 $0xFFFFFFB0  }
0x62: {  	[tilespmem:$0x1E680] =	vst v0  }
0x63: {  	[tilespmem:$0x1E690] =	vst v0  }
0x64: {  	[tilespmem:$0x1E6A0] =	vst v0  }
0x65: {  	[tilespmem:$0x1E6B0] =	vst v0  }
0x66: {  	[tilespmem:$0x1E6C0] =	vst v0  }
.Ltmp2:
0x67: {  	[tilespmem:$0x1E6D0] =	vst v0;
	(pc) =	sbr.rel @p0 .LBB2_9-.Ltmp2, $4  }
0x68: {  	[tilespmem:$0x1E6E0] =	vst v0  }
0x69: {  	[tilespmem:$0x1E6F0] =	vst v0  }
0x6a: {  	[bflag:$0x0] =	sbarrier.arrive $0xFFFF  }
0x6b: {  	s6 =	simm.s32 $0x0  }
0x6c: {  	s15 =	rddreg [dreg:$0x7]  }
0x6d: {  	[tilespmem:s6], [sflag:$0x3] =	stream.linear.gather [hbm4b:s15+s6], $0x1400, $0x38;
	[tilespmem:$0x1E700] =	vst v63  }
0x6e: {  	_ =	swait.ge [sflag:s26], $0x1400  }
0x6f: {  	[sflag:s26] =	ssyncset.done $0x0  }
0x70: {  	s24 =	rddreg [dreg:$0x8];
	[sflag:s26] =	ssyncadd.s32 $0xFFFFEC00  }
0x71: {  	[tilespmem:s28], [sflag:$0x3] =	stream.linear.gather [hbm4b:s24+s6], $0x1400, $0x38;
	[tilespmem:$0x1E700] =	vst v63  }
0x72: {  	_ =	swait.ge [sflag:s26], $0x1400  }
0x73: {  	[sflag:s26] =	ssyncset.done $0x0  }
0x74: {  	[sflag:s26] =	ssyncadd.s32 $0xFFFFEC00  }
0x75: {  	[tilespmem:s30], [sflag:$0x1] =	stream.indirect.gather [hbm4b:s5+s29], $0x80, s6, s29, $0xb8;
	[tilespmem:$0x1E700] =	vst v63  }
0x76: {  	s15 =	simm.s32 $0x80  }
0x77: {  	[tilespmem:s31], [sflag:$0x2] =	stream.indirect.gather [hbm4b:s5+s29], $0x80, s15, s29, $0xb8;
	[tilespmem:$0x1E700] =	vst v63  }
0x78: {  	_ =	swait.ge [sflag:s0], $0x4000  }
0x79: {  	[sflag:s0] =	ssyncset.done $0x0  }
0x7a: {  	s17 =	simm.s32 $0x1400;
	[sflag:s0] =	ssyncadd.s32 $0xFFFFC000  }
0x7b: {  	[spmem:s2] =	stream.indirect.scatter.add.f32 [tilespmem:s30], [sflag:$0x3], $0x80, s17, s29, $0xb8;
	[tilespmem:$0x1E700] =	vst v63  }
0x7c: {  	_ =	swait.ge [sflag:s26], $0x4000  }
0x7d: {  	[sflag:s26] =	ssyncset.done $0x0  }
0x7e: {  	[sflag:s26] =	ssyncadd.s32 $0xFFFFC000  }
0x7f: {  	[spmem:s3] =	stream.indirect.scatter.add.f32 [tilespmem:s1], [sflag:$0x3], $0x1, s17, s29, $0xb8;
	[tilespmem:$0x1E700] =	vst v63  }
0x80: {  	_ =	swait.ge [sflag:s26], $0x80  }
0x81: {  	[sflag:s26] =	ssyncset.done $0x0  }
0x82: {  	s18 =	simm.s32 $0x100;
	[sflag:s26] =	ssyncadd.s32 $0xFFFFFF80  }
0x83: {  	[tilespmem:s30], [sflag:$0x1] =	stream.indirect.gather [hbm4b:s5+s29], $0x80, s18, s29, $0xb8;
	[tilespmem:$0x1E700] =	vst v63  }
0x84: {  	_ =	swait.ge [sflag:s9], $0x4000  }
0x85: {  	[sflag:s9] =	ssyncset.done $0x0  }
0x86: {  	s24 =	simm.s32 $0x1480;
	[sflag:s9] =	ssyncadd.s32 $0xFFFFC000  }
0x87: {  	[spmem:s2] =	stream.indirect.scatter.add.f32 [tilespmem:s31], [sflag:$0x3], $0x80, s24, s29, $0xb8;
	[tilespmem:$0x1E700] =	vst v63  }
0x88: {  	_ =	swait.ge [sflag:s26], $0x4000  }
0x89: {  	[sflag:s26] =	ssyncset.done $0x0  }
0x8a: {  	[sflag:s26] =	ssyncadd.s32 $0xFFFFC000  }
0x8b: {  	[spmem:s3] =	stream.indirect.scatter.add.f32 [tilespmem:s1], [sflag:$0x3], $0x1, s24, s29, $0xb8;
	[tilespmem:$0x1E700] =	vst v63  }
0x8c: {  	_ =	swait.ge [sflag:s26], $0x80  }
0x8d: {  	s6 =	simm.s32 $0x800;
	s15 =	simm.s32 $0x100;
	[sflag:s26] =	ssyncset.done $0x0  }
.LBB2_3:
0x8e: {  	s17 =	sadd.s32 $0x80, s15  }
0x8f: {  	[sflag:s26] =	ssyncadd.s32 $0xFFFFFF80;
	s18 =	smov.u32 s6;
	s24 =	sadd.s32 $0x400, s6  }
0x90: {  	[tilespmem:s31], [sflag:$0x2] =	stream.indirect.gather [hbm4b:s5+s29], $0x80, s17, s29, $0xb8;
	[tilespmem:$0x1E700] =	vst v63  }
0x91: {  	p1 =	sne.s32 s6, $0x4800;
	_ =	swait.ge [sflag:s0], $0x4000  }
0x92: {  	[sflag:s0] =	ssyncset.done $0x0  }
0x93: {  	s6 =	sadd.s32 $0x1400, s15;
	[sflag:s0] =	ssyncadd.s32 $0xFFFFC000  }
0x94: {  	[spmem:s2] =	stream.indirect.scatter.add.f32 [tilespmem:s30], [sflag:$0x3], $0x80, s6, s29, $0xb8;
	[tilespmem:$0x1E700] =	vst v63  }
0x95: {  	_ =	swait.ge [sflag:s26], $0x4000  }
0x96: {  	[sflag:s26] =	ssyncset.done $0x0  }
0x97: {  	[sflag:s26] =	ssyncadd.s32 $0xFFFFC000  }
0x98: {  	[spmem:s3] =	stream.indirect.scatter.add.f32 [tilespmem:s1], [sflag:$0x3], $0x1, s6, s29, $0xb8;
	[tilespmem:$0x1E700] =	vst v63  }
0x99: {  	_ =	swait.ge [sflag:s26], $0x80  }
0x9a: {  	[sflag:s26] =	ssyncset.done $0x0  }
0x9b: {  	s6 =	sadd.s32 $0x100, s15;
	[sflag:s26] =	ssyncadd.s32 $0xFFFFFF80  }
0x9c: {  	[tilespmem:s30], [sflag:$0x1] =	stream.indirect.gather [hbm4b:s5+s29], $0x80, s6, s29, $0xb8;
	[tilespmem:$0x1E700] =	vst v63  }
0x9d: {  	_ =	swait.ge [sflag:s9], $0x4000  }
0x9e: {  	[sflag:s9] =	ssyncset.done $0x0  }
0x9f: {  	s6 =	sadd.s32 $0x1480, s15;
	[sflag:s9] =	ssyncadd.s32 $0xFFFFC000  }
0xa0: {  	[spmem:s2] =	stream.indirect.scatter.add.f32 [tilespmem:s31], [sflag:$0x3], $0x80, s6, s29, $0xb8;
	[tilespmem:$0x1E700] =	vst v63  }
0xa1: {  	_ =	swait.ge [sflag:s26], $0x4000  }
.Ltmp3:
0xa2: {  	[sflag:s26] =	ssyncset.done $0x0;
	(pc) =	sbr.rel @p1 .LBB2_3-.Ltmp3, $4  }
0xa3: {  	[sflag:s26] =	ssyncadd.s32 $0xFFFFC000  }
0xa4: {  	[spmem:s3] =	stream.indirect.scatter.add.f32 [tilespmem:s1], [sflag:$0x3], $0x1, s6, s29, $0xb8;
	[tilespmem:$0x1E700] =	vst v63  }
0xa5: {  	_ =	swait.ge [sflag:s26], $0x80  }
0xa6: {  	s15 =	sshra.s32 s18, $0x2;
	s6 =	smov.u32 s24;
	[sflag:s26] =	ssyncset.done $0x0  }
0xa7: {  	s6 =	sadd.s32 $0x80, s15;
	[sflag:s26] =	ssyncadd.s32 $0xFFFFFF80  }
0xa8: {  	[tilespmem:s31], [sflag:$0x2] =	stream.indirect.gather [hbm4b:s5+s29], $0x80, s6, s29, $0xb8;
	[tilespmem:$0x1E700] =	vst v63  }
0xa9: {  	_ =	swait.ge [sflag:s0], $0x4000  }
0xaa: {  	[sflag:s0] =	ssyncset.done $0x0  }
0xab: {  	s18 =	sadd.s32 $0x1400, s15;
	[sflag:s0] =	ssyncadd.s32 $0xFFFFC000  }
0xac: {  	[spmem:s2] =	stream.indirect.scatter.add.f32 [tilespmem:s30], [sflag:$0x3], $0x80, s18, s29, $0xb8;
	[tilespmem:$0x1E700] =	vst v63  }
0xad: {  	_ =	swait.ge [sflag:s26], $0x4000  }
0xae: {  	[sflag:s26] =	ssyncset.done $0x0  }
0xaf: {  	[sflag:s26] =	ssyncadd.s32 $0xFFFFC000  }
0xb0: {  	[spmem:s3] =	stream.indirect.scatter.add.f32 [tilespmem:s1], [sflag:$0x3], $0x1, s18, s29, $0xb8;
	[tilespmem:$0x1E700] =	vst v63  }
0xb1: {  	_ =	swait.ge [sflag:s26], $0x80  }
0xb2: {  	[sflag:s26] =	ssyncset.done $0x0  }
0xb3: {  	s24 =	sadd.s32 $0x100, s15;
	[sflag:s26] =	ssyncadd.s32 $0xFFFFFF80  }
0xb4: {  	[tilespmem:s30], [sflag:$0x1] =	stream.indirect.gather [hbm4b:s5+s29], $0x80, s24, s29, $0xb8;
	[tilespmem:$0x1E700] =	vst v63  }
0xb5: {  	_ =	swait.ge [sflag:s9], $0x4000  }
0xb6: {  	[sflag:s9] =	ssyncset.done $0x0  }
0xb7: {  	s15 =	sadd.s32 $0x1480, s15;
	[sflag:s9] =	ssyncadd.s32 $0xFFFFC000  }
0xb8: {  	[spmem:s2] =	stream.indirect.scatter.add.f32 [tilespmem:s31], [sflag:$0x3], $0x80, s15, s29, $0xb8;
	[tilespmem:$0x1E700] =	vst v63  }
0xb9: {  	_ =	swait.ge [sflag:s26], $0x4000  }
0xba: {  	[sflag:s26] =	ssyncset.done $0x0  }
0xbb: {  	[sflag:s26] =	ssyncadd.s32 $0xFFFFC000  }
0xbc: {  	[spmem:s3] =	stream.indirect.scatter.add.f32 [tilespmem:s1], [sflag:$0x3], $0x1, s15, s29, $0xb8;
	[tilespmem:$0x1E700] =	vst v63  }
0xbd: {  	_ =	swait.ge [sflag:s26], $0x80  }
0xbe: {  	[sflag:s26] =	ssyncset.done $0x0  }
0xbf: {  	[sflag:s26] =	ssyncadd.s32 $0xFFFFFF80  }
0xc0: {  	[tilespmem:s31], [sflag:$0x2] =	stream.indirect.gather [hbm4b:s5+s29], $0x80, s10, s29, $0xb8;
	[tilespmem:$0x1E700] =	vst v63  }
0xc1: {  	_ =	swait.ge [sflag:s0], $0x4000  }
0xc2: {  	[sflag:s0] =	ssyncset.done $0x0  }
0xc3: {  	[sflag:s0] =	ssyncadd.s32 $0xFFFFC000  }
0xc4: {  	[spmem:s2] =	stream.indirect.scatter.add.f32 [tilespmem:s30], [sflag:$0x3], $0x80, s11, s29, $0xb8;
	[tilespmem:$0x1E700] =	vst v63  }
0xc5: {  	_ =	swait.ge [sflag:s26], $0x4000  }
0xc6: {  	[sflag:s26] =	ssyncset.done $0x0  }
0xc7: {  	[sflag:s26] =	ssyncadd.s32 $0xFFFFC000  }
0xc8: {  	[spmem:s3] =	stream.indirect.scatter.add.f32 [tilespmem:s1], [sflag:$0x3], $0x1, s11, s29, $0xb8;
	[tilespmem:$0x1E700] =	vst v63  }
0xc9: {  	_ =	swait.ge [sflag:s26], $0x80  }
0xca: {  	[sflag:s26] =	ssyncset.done $0x0  }
0xcb: {  	[sflag:s26] =	ssyncadd.s32 $0xFFFFFF80  }
0xcc: {  	[tilespmem:s30], [sflag:$0x1] =	stream.indirect.gather [hbm4b:s5+s29], $0x80, s10, s29, $0xb8;
	[tilespmem:$0x1E700] =	vst v63  }
0xcd: {  	_ =	swait.ge [sflag:s9], $0x4000  }
0xce: {  	[sflag:s9] =	ssyncset.done $0x0  }
0xcf: {  	[sflag:s9] =	ssyncadd.s32 $0xFFFFC000  }
0xd0: {  	[spmem:s2] =	stream.indirect.scatter.add.f32 [tilespmem:s31], [sflag:$0x3], $0x80, s12, s29, $0xb8;
	[tilespmem:$0x1E700] =	vst v63  }
0xd1: {  	_ =	swait.ge [sflag:s26], $0x4000  }
0xd2: {  	[sflag:s26] =	ssyncset.done $0x0  }
0xd3: {  	[sflag:s26] =	ssyncadd.s32 $0xFFFFC000  }
0xd4: {  	[spmem:s3] =	stream.indirect.scatter.add.f32 [tilespmem:s1], [sflag:$0x3], $0x1, s12, s29, $0xb8;
	[tilespmem:$0x1E700] =	vst v63  }
0xd5: {  	_ =	swait.ge [sflag:s26], $0x80  }
0xd6: {  	[sflag:s26] =	ssyncset.done $0x0  }
0xd7: {  	[sflag:s26] =	ssyncadd.s32 $0xFFFFFF80  }
0xd8: {  	_ =	swait.ge [sflag:s0], $0x4000  }
0xd9: {  	[sflag:s0] =	ssyncset.done $0x0  }
0xda: {  	s17 =	simm.s32 $0x0;
	s18 =	rddreg [dreg:$0x9];
	[sflag:s0] =	ssyncadd.s32 $0xFFFFC000  }
0xdb: {  	[tilespmem:s17], [sflag:$0x3] =	stream.linear.gather [hbm4b:s18+s17], $0x1400, $0x38;
	[tilespmem:$0x1E700] =	vst v63  }
0xdc: {  	_ =	swait.ge [sflag:s26], $0x1400  }
0xdd: {  	[sflag:s26] =	ssyncset.done $0x0  }
0xde: {  	s24 =	rddreg [dreg:$0xa];
	[sflag:s26] =	ssyncadd.s32 $0xFFFFEC00  }
0xdf: {  	[tilespmem:s28], [sflag:$0x3] =	stream.linear.gather [hbm4b:s24+s17], $0x1400, $0x38;
	[tilespmem:$0x1E700] =	vst v63  }
0xe0: {  	_ =	swait.ge [sflag:s26], $0x1400  }
0xe1: {  	[sflag:s26] =	ssyncset.done $0x0  }
0xe2: {  	[sflag:s26] =	ssyncadd.s32 $0xFFFFEC00  }
0xe3: {  	[tilespmem:s30], [sflag:$0x1] =	stream.indirect.gather [hbm4b:s5+s29], $0x80, s17, s29, $0xb8;
	[tilespmem:$0x1E700] =	vst v63  }
0xe4: {  	s15 =	simm.s32 $0x80  }
0xe5: {  	[tilespmem:s31], [sflag:$0x2] =	stream.indirect.gather [hbm4b:s5+s29], $0x80, s15, s29, $0xb8;
	[tilespmem:$0x1E700] =	vst v63  }
0xe6: {  	_ =	swait.ge [sflag:s0], $0x4000  }
0xe7: {  	[sflag:s0] =	ssyncset.done $0x0  }
0xe8: {  	s17 =	simm.s32 $0x1400;
	[sflag:s0] =	ssyncadd.s32 $0xFFFFC000  }
0xe9: {  	[spmem:s2] =	stream.indirect.scatter.add.f32 [tilespmem:s30], [sflag:$0x3], $0x80, s17, s29, $0xb8;
	[tilespmem:$0x1E700] =	vst v63  }
0xea: {  	_ =	swait.ge [sflag:s26], $0x4000  }
0xeb: {  	[sflag:s26] =	ssyncset.done $0x0  }
0xec: {  	[sflag:s26] =	ssyncadd.s32 $0xFFFFC000  }
0xed: {  	[spmem:s3] =	stream.indirect.scatter.add.f32 [tilespmem:s1], [sflag:$0x3], $0x1, s17, s29, $0xb8;
	[tilespmem:$0x1E700] =	vst v63  }
0xee: {  	_ =	swait.ge [sflag:s26], $0x80  }
0xef: {  	[sflag:s26] =	ssyncset.done $0x0  }
0xf0: {  	s18 =	simm.s32 $0x100;
	[sflag:s26] =	ssyncadd.s32 $0xFFFFFF80  }
0xf1: {  	[tilespmem:s30], [sflag:$0x1] =	stream.indirect.gather [hbm4b:s5+s29], $0x80, s18, s29, $0xb8;
	[tilespmem:$0x1E700] =	vst v63  }
0xf2: {  	_ =	swait.ge [sflag:s9], $0x4000  }
0xf3: {  	[sflag:s9] =	ssyncset.done $0x0  }
0xf4: {  	s24 =	simm.s32 $0x1480;
	[sflag:s9] =	ssyncadd.s32 $0xFFFFC000  }
0xf5: {  	[spmem:s2] =	stream.indirect.scatter.add.f32 [tilespmem:s31], [sflag:$0x3], $0x80, s24, s29, $0xb8;
	[tilespmem:$0x1E700] =	vst v63  }
0xf6: {  	_ =	swait.ge [sflag:s26], $0x4000  }
0xf7: {  	[sflag:s26] =	ssyncset.done $0x0  }
0xf8: {  	[sflag:s26] =	ssyncadd.s32 $0xFFFFC000  }
0xf9: {  	[spmem:s3] =	stream.indirect.scatter.add.f32 [tilespmem:s1], [sflag:$0x3], $0x1, s24, s29, $0xb8;
	[tilespmem:$0x1E700] =	vst v63  }
0xfa: {  	_ =	swait.ge [sflag:s26], $0x80  }
0xfb: {  	s6 =	simm.s32 $0x800;
	s15 =	simm.s32 $0x100;
	[sflag:s26] =	ssyncset.done $0x0  }
.LBB2_5:
0xfc: {  	s17 =	sadd.s32 $0x80, s15  }
0xfd: {  	[sflag:s26] =	ssyncadd.s32 $0xFFFFFF80;
	s18 =	smov.u32 s6;
	s24 =	sadd.s32 $0x400, s6  }
0xfe: {  	[tilespmem:s31], [sflag:$0x2] =	stream.indirect.gather [hbm4b:s5+s29], $0x80, s17, s29, $0xb8;
	[tilespmem:$0x1E700] =	vst v63  }
0xff: {  	p1 =	sne.s32 s6, $0x4800;
	_ =	swait.ge [sflag:s0], $0x4000  }
0x100: {  	[sflag:s0] =	ssyncset.done $0x0  }
0x101: {  	s6 =	sadd.s32 $0x1400, s15;
	[sflag:s0] =	ssyncadd.s32 $0xFFFFC000  }
0x102: {  	[spmem:s2] =	stream.indirect.scatter.add.f32 [tilespmem:s30], [sflag:$0x3], $0x80, s6, s29, $0xb8;
	[tilespmem:$0x1E700] =	vst v63  }
0x103: {  	_ =	swait.ge [sflag:s26], $0x4000  }
0x104: {  	[sflag:s26] =	ssyncset.done $0x0  }
0x105: {  	[sflag:s26] =	ssyncadd.s32 $0xFFFFC000  }
0x106: {  	[spmem:s3] =	stream.indirect.scatter.add.f32 [tilespmem:s1], [sflag:$0x3], $0x1, s6, s29, $0xb8;
	[tilespmem:$0x1E700] =	vst v63  }
0x107: {  	_ =	swait.ge [sflag:s26], $0x80  }
0x108: {  	[sflag:s26] =	ssyncset.done $0x0  }
0x109: {  	s6 =	sadd.s32 $0x100, s15;
	[sflag:s26] =	ssyncadd.s32 $0xFFFFFF80  }
0x10a: {  	[tilespmem:s30], [sflag:$0x1] =	stream.indirect.gather [hbm4b:s5+s29], $0x80, s6, s29, $0xb8;
	[tilespmem:$0x1E700] =	vst v63  }
0x10b: {  	_ =	swait.ge [sflag:s9], $0x4000  }
0x10c: {  	[sflag:s9] =	ssyncset.done $0x0  }
0x10d: {  	s6 =	sadd.s32 $0x1480, s15;
	[sflag:s9] =	ssyncadd.s32 $0xFFFFC000  }
0x10e: {  	[spmem:s2] =	stream.indirect.scatter.add.f32 [tilespmem:s31], [sflag:$0x3], $0x80, s6, s29, $0xb8;
	[tilespmem:$0x1E700] =	vst v63  }
0x10f: {  	_ =	swait.ge [sflag:s26], $0x4000  }
.Ltmp4:
0x110: {  	[sflag:s26] =	ssyncset.done $0x0;
	(pc) =	sbr.rel @p1 .LBB2_5-.Ltmp4, $4  }
0x111: {  	[sflag:s26] =	ssyncadd.s32 $0xFFFFC000  }
0x112: {  	[spmem:s3] =	stream.indirect.scatter.add.f32 [tilespmem:s1], [sflag:$0x3], $0x1, s6, s29, $0xb8;
	[tilespmem:$0x1E700] =	vst v63  }
0x113: {  	_ =	swait.ge [sflag:s26], $0x80  }
0x114: {  	s15 =	sshra.s32 s18, $0x2;
	s6 =	smov.u32 s24;
	[sflag:s26] =	ssyncset.done $0x0  }
0x115: {  	s6 =	sadd.s32 $0x80, s15;
	[sflag:s26] =	ssyncadd.s32 $0xFFFFFF80  }
0x116: {  	[tilespmem:s31], [sflag:$0x2] =	stream.indirect.gather [hbm4b:s5+s29], $0x80, s6, s29, $0xb8;
	[tilespmem:$0x1E700] =	vst v63  }
0x117: {  	_ =	swait.ge [sflag:s0], $0x4000  }
0x118: {  	[sflag:s0] =	ssyncset.done $0x0  }
0x119: {  	s18 =	sadd.s32 $0x1400, s15;
	[sflag:s0] =	ssyncadd.s32 $0xFFFFC000  }
0x11a: {  	[spmem:s2] =	stream.indirect.scatter.add.f32 [tilespmem:s30], [sflag:$0x3], $0x80, s18, s29, $0xb8;
	[tilespmem:$0x1E700] =	vst v63  }
0x11b: {  	_ =	swait.ge [sflag:s26], $0x4000  }
0x11c: {  	[sflag:s26] =	ssyncset.done $0x0  }
0x11d: {  	[sflag:s26] =	ssyncadd.s32 $0xFFFFC000  }
0x11e: {  	[spmem:s3] =	stream.indirect.scatter.add.f32 [tilespmem:s1], [sflag:$0x3], $0x1, s18, s29, $0xb8;
	[tilespmem:$0x1E700] =	vst v63  }
0x11f: {  	_ =	swait.ge [sflag:s26], $0x80  }
0x120: {  	[sflag:s26] =	ssyncset.done $0x0  }
0x121: {  	s24 =	sadd.s32 $0x100, s15;
	[sflag:s26] =	ssyncadd.s32 $0xFFFFFF80  }
0x122: {  	[tilespmem:s30], [sflag:$0x1] =	stream.indirect.gather [hbm4b:s5+s29], $0x80, s24, s29, $0xb8;
	[tilespmem:$0x1E700] =	vst v63  }
0x123: {  	_ =	swait.ge [sflag:s9], $0x4000  }
0x124: {  	[sflag:s9] =	ssyncset.done $0x0  }
0x125: {  	s15 =	sadd.s32 $0x1480, s15;
	[sflag:s9] =	ssyncadd.s32 $0xFFFFC000  }
0x126: {  	[spmem:s2] =	stream.indirect.scatter.add.f32 [tilespmem:s31], [sflag:$0x3], $0x80, s15, s29, $0xb8;
	[tilespmem:$0x1E700] =	vst v63  }
0x127: {  	_ =	swait.ge [sflag:s26], $0x4000  }
0x128: {  	[sflag:s26] =	ssyncset.done $0x0  }
0x129: {  	[sflag:s26] =	ssyncadd.s32 $0xFFFFC000  }
0x12a: {  	[spmem:s3] =	stream.indirect.scatter.add.f32 [tilespmem:s1], [sflag:$0x3], $0x1, s15, s29, $0xb8;
	[tilespmem:$0x1E700] =	vst v63  }
0x12b: {  	_ =	swait.ge [sflag:s26], $0x80  }
0x12c: {  	[sflag:s26] =	ssyncset.done $0x0  }
0x12d: {  	[sflag:s26] =	ssyncadd.s32 $0xFFFFFF80  }
0x12e: {  	[tilespmem:s31], [sflag:$0x2] =	stream.indirect.gather [hbm4b:s5+s29], $0x80, s10, s29, $0xb8;
	[tilespmem:$0x1E700] =	vst v63  }
0x12f: {  	_ =	swait.ge [sflag:s0], $0x4000  }
0x130: {  	[sflag:s0] =	ssyncset.done $0x0  }
0x131: {  	[sflag:s0] =	ssyncadd.s32 $0xFFFFC000  }
0x132: {  	[spmem:s2] =	stream.indirect.scatter.add.f32 [tilespmem:s30], [sflag:$0x3], $0x80, s11, s29, $0xb8;
	[tilespmem:$0x1E700] =	vst v63  }
0x133: {  	_ =	swait.ge [sflag:s26], $0x4000  }
0x134: {  	[sflag:s26] =	ssyncset.done $0x0  }
0x135: {  	[sflag:s26] =	ssyncadd.s32 $0xFFFFC000  }
0x136: {  	[spmem:s3] =	stream.indirect.scatter.add.f32 [tilespmem:s1], [sflag:$0x3], $0x1, s11, s29, $0xb8;
	[tilespmem:$0x1E700] =	vst v63  }
0x137: {  	_ =	swait.ge [sflag:s26], $0x80  }
0x138: {  	[sflag:s26] =	ssyncset.done $0x0  }
0x139: {  	[sflag:s26] =	ssyncadd.s32 $0xFFFFFF80  }
0x13a: {  	[tilespmem:s30], [sflag:$0x1] =	stream.indirect.gather [hbm4b:s5+s29], $0x80, s10, s29, $0xb8;
	[tilespmem:$0x1E700] =	vst v63  }
0x13b: {  	_ =	swait.ge [sflag:s9], $0x4000  }
0x13c: {  	[sflag:s9] =	ssyncset.done $0x0  }
0x13d: {  	[sflag:s9] =	ssyncadd.s32 $0xFFFFC000  }
0x13e: {  	[spmem:s2] =	stream.indirect.scatter.add.f32 [tilespmem:s31], [sflag:$0x3], $0x80, s12, s29, $0xb8;
	[tilespmem:$0x1E700] =	vst v63  }
0x13f: {  	_ =	swait.ge [sflag:s26], $0x4000  }
0x140: {  	[sflag:s26] =	ssyncset.done $0x0  }
0x141: {  	[sflag:s26] =	ssyncadd.s32 $0xFFFFC000  }
0x142: {  	[spmem:s3] =	stream.indirect.scatter.add.f32 [tilespmem:s1], [sflag:$0x3], $0x1, s12, s29, $0xb8;
	[tilespmem:$0x1E700] =	vst v63  }
0x143: {  	_ =	swait.ge [sflag:s26], $0x80  }
0x144: {  	[sflag:s26] =	ssyncset.done $0x0  }
0x145: {  	[sflag:s26] =	ssyncadd.s32 $0xFFFFFF80  }
0x146: {  	_ =	swait.ge [sflag:s0], $0x4000  }
0x147: {  	[sflag:s0] =	ssyncset.done $0x0  }
0x148: {  	s17 =	simm.s32 $0x0;
	s18 =	rddreg [dreg:$0xb];
	[sflag:s0] =	ssyncadd.s32 $0xFFFFC000  }
0x149: {  	[tilespmem:s17], [sflag:$0x3] =	stream.linear.gather [hbm4b:s18+s17], $0x1400, $0x38;
	[tilespmem:$0x1E700] =	vst v63  }
0x14a: {  	_ =	swait.ge [sflag:s26], $0x1400  }
0x14b: {  	[sflag:s26] =	ssyncset.done $0x0  }
0x14c: {  	s24 =	rddreg [dreg:$0xc];
	[sflag:s26] =	ssyncadd.s32 $0xFFFFEC00  }
0x14d: {  	[tilespmem:s28], [sflag:$0x3] =	stream.linear.gather [hbm4b:s24+s17], $0x1400, $0x38;
	[tilespmem:$0x1E700] =	vst v63  }
0x14e: {  	_ =	swait.ge [sflag:s26], $0x1400  }
0x14f: {  	[sflag:s26] =	ssyncset.done $0x0  }
0x150: {  	[sflag:s26] =	ssyncadd.s32 $0xFFFFEC00  }
0x151: {  	[tilespmem:s30], [sflag:$0x1] =	stream.indirect.gather [hbm4b:s5+s29], $0x80, s17, s29, $0xb8;
	[tilespmem:$0x1E700] =	vst v63  }
0x152: {  	s15 =	simm.s32 $0x80  }
0x153: {  	[tilespmem:s31], [sflag:$0x2] =	stream.indirect.gather [hbm4b:s5+s29], $0x80, s15, s29, $0xb8;
	[tilespmem:$0x1E700] =	vst v63  }
0x154: {  	_ =	swait.ge [sflag:s0], $0x4000  }
0x155: {  	[sflag:s0] =	ssyncset.done $0x0  }
0x156: {  	s17 =	simm.s32 $0x1400;
	[sflag:s0] =	ssyncadd.s32 $0xFFFFC000  }
0x157: {  	[spmem:s2] =	stream.indirect.scatter.add.f32 [tilespmem:s30], [sflag:$0x3], $0x80, s17, s29, $0xb8;
	[tilespmem:$0x1E700] =	vst v63  }
0x158: {  	_ =	swait.ge [sflag:s26], $0x4000  }
0x159: {  	[sflag:s26] =	ssyncset.done $0x0  }
0x15a: {  	[sflag:s26] =	ssyncadd.s32 $0xFFFFC000  }
0x15b: {  	[spmem:s3] =	stream.indirect.scatter.add.f32 [tilespmem:s1], [sflag:$0x3], $0x1, s17, s29, $0xb8;
	[tilespmem:$0x1E700] =	vst v63  }
0x15c: {  	_ =	swait.ge [sflag:s26], $0x80  }
0x15d: {  	[sflag:s26] =	ssyncset.done $0x0  }
0x15e: {  	s18 =	simm.s32 $0x100;
	[sflag:s26] =	ssyncadd.s32 $0xFFFFFF80  }
0x15f: {  	[tilespmem:s30], [sflag:$0x1] =	stream.indirect.gather [hbm4b:s5+s29], $0x80, s18, s29, $0xb8;
	[tilespmem:$0x1E700] =	vst v63  }
0x160: {  	_ =	swait.ge [sflag:s9], $0x4000  }
0x161: {  	[sflag:s9] =	ssyncset.done $0x0  }
0x162: {  	s24 =	simm.s32 $0x1480;
	[sflag:s9] =	ssyncadd.s32 $0xFFFFC000  }
0x163: {  	[spmem:s2] =	stream.indirect.scatter.add.f32 [tilespmem:s31], [sflag:$0x3], $0x80, s24, s29, $0xb8;
	[tilespmem:$0x1E700] =	vst v63  }
0x164: {  	_ =	swait.ge [sflag:s26], $0x4000  }
0x165: {  	[sflag:s26] =	ssyncset.done $0x0  }
0x166: {  	[sflag:s26] =	ssyncadd.s32 $0xFFFFC000  }
0x167: {  	[spmem:s3] =	stream.indirect.scatter.add.f32 [tilespmem:s1], [sflag:$0x3], $0x1, s24, s29, $0xb8;
	[tilespmem:$0x1E700] =	vst v63  }
0x168: {  	_ =	swait.ge [sflag:s26], $0x80  }
0x169: {  	s6 =	simm.s32 $0x800;
	s15 =	simm.s32 $0x100;
	[sflag:s26] =	ssyncset.done $0x0  }
.LBB2_7:
0x16a: {  	s17 =	sadd.s32 $0x80, s15  }
0x16b: {  	[sflag:s26] =	ssyncadd.s32 $0xFFFFFF80;
	s18 =	smov.u32 s6;
	s24 =	sadd.s32 $0x400, s6  }
0x16c: {  	[tilespmem:s31], [sflag:$0x2] =	stream.indirect.gather [hbm4b:s5+s29], $0x80, s17, s29, $0xb8;
	[tilespmem:$0x1E700] =	vst v63  }
0x16d: {  	p1 =	seq.s32 s6, $0x4800;
	_ =	swait.ge [sflag:s0], $0x4000  }
0x16e: {  	[sflag:s0] =	ssyncset.done $0x0  }
0x16f: {  	s6 =	sadd.s32 $0x1400, s15;
	[sflag:s0] =	ssyncadd.s32 $0xFFFFC000  }
0x170: {  	[spmem:s2] =	stream.indirect.scatter.add.f32 [tilespmem:s30], [sflag:$0x3], $0x80, s6, s29, $0xb8;
	[tilespmem:$0x1E700] =	vst v63  }
0x171: {  	_ =	swait.ge [sflag:s26], $0x4000  }
0x172: {  	[sflag:s26] =	ssyncset.done $0x0  }
0x173: {  	[sflag:s26] =	ssyncadd.s32 $0xFFFFC000  }
0x174: {  	[spmem:s3] =	stream.indirect.scatter.add.f32 [tilespmem:s1], [sflag:$0x3], $0x1, s6, s29, $0xb8;
	[tilespmem:$0x1E700] =	vst v63  }
0x175: {  	_ =	swait.ge [sflag:s26], $0x80  }
0x176: {  	[sflag:s26] =	ssyncset.done $0x0  }
0x177: {  	s6 =	sadd.s32 $0x100, s15;
	[sflag:s26] =	ssyncadd.s32 $0xFFFFFF80  }
0x178: {  	[tilespmem:s30], [sflag:$0x1] =	stream.indirect.gather [hbm4b:s5+s29], $0x80, s6, s29, $0xb8;
	[tilespmem:$0x1E700] =	vst v63  }
0x179: {  	_ =	swait.ge [sflag:s9], $0x4000  }
0x17a: {  	[sflag:s9] =	ssyncset.done $0x0  }
0x17b: {  	s6 =	sadd.s32 $0x1480, s15;
	[sflag:s9] =	ssyncadd.s32 $0xFFFFC000  }
0x17c: {  	[spmem:s2] =	stream.indirect.scatter.add.f32 [tilespmem:s31], [sflag:$0x3], $0x80, s6, s29, $0xb8;
	[tilespmem:$0x1E700] =	vst v63  }
0x17d: {  	_ =	swait.ge [sflag:s26], $0x4000  }
.Ltmp5:
0x17e: {  	[sflag:s26] =	ssyncset.done $0x0;
	(pc) =	sbr.rel @!p1 .LBB2_7-.Ltmp5, $4  }
0x17f: {  	[sflag:s26] =	ssyncadd.s32 $0xFFFFC000  }
0x180: {  	[spmem:s3] =	stream.indirect.scatter.add.f32 [tilespmem:s1], [sflag:$0x3], $0x1, s6, s29, $0xb8;
	[tilespmem:$0x1E700] =	vst v63  }
0x181: {  	_ =	swait.ge [sflag:s26], $0x80  }
0x182: {  	s15 =	sshra.s32 s18, $0x2;
	s6 =	smov.u32 s24;
	[sflag:s26] =	ssyncset.done $0x0  }
0x183: {  	s6 =	sadd.s32 $0x80, s15;
	[sflag:s26] =	ssyncadd.s32 $0xFFFFFF80  }
0x184: {  	[tilespmem:s31], [sflag:$0x2] =	stream.indirect.gather [hbm4b:s5+s29], $0x80, s6, s29, $0xb8;
	[tilespmem:$0x1E700] =	vst v63  }
0x185: {  	_ =	swait.ge [sflag:s0], $0x4000  }
0x186: {  	[sflag:s0] =	ssyncset.done $0x0  }
0x187: {  	s17 =	sadd.s32 $0x1400, s15;
	[sflag:s0] =	ssyncadd.s32 $0xFFFFC000  }
0x188: {  	[spmem:s2] =	stream.indirect.scatter.add.f32 [tilespmem:s30], [sflag:$0x3], $0x80, s17, s29, $0xb8;
	[tilespmem:$0x1E700] =	vst v63  }
0x189: {  	_ =	swait.ge [sflag:s26], $0x4000  }
0x18a: {  	[sflag:s26] =	ssyncset.done $0x0  }
0x18b: {  	[sflag:s26] =	ssyncadd.s32 $0xFFFFC000  }
0x18c: {  	[spmem:s3] =	stream.indirect.scatter.add.f32 [tilespmem:s1], [sflag:$0x3], $0x1, s17, s29, $0xb8;
	[tilespmem:$0x1E700] =	vst v63  }
0x18d: {  	_ =	swait.ge [sflag:s26], $0x80  }
0x18e: {  	[sflag:s26] =	ssyncset.done $0x0  }
0x18f: {  	s18 =	sadd.s32 $0x100, s15;
	[sflag:s26] =	ssyncadd.s32 $0xFFFFFF80  }
0x190: {  	[tilespmem:s30], [sflag:$0x1] =	stream.indirect.gather [hbm4b:s5+s29], $0x80, s18, s29, $0xb8;
	[tilespmem:$0x1E700] =	vst v63  }
0x191: {  	_ =	swait.ge [sflag:s9], $0x4000  }
0x192: {  	[sflag:s9] =	ssyncset.done $0x0  }
0x193: {  	s24 =	sadd.s32 $0x1480, s15;
	[sflag:s9] =	ssyncadd.s32 $0xFFFFC000  }
0x194: {  	[spmem:s2] =	stream.indirect.scatter.add.f32 [tilespmem:s31], [sflag:$0x3], $0x80, s24, s29, $0xb8;
	[tilespmem:$0x1E700] =	vst v63  }
0x195: {  	_ =	swait.ge [sflag:s26], $0x4000  }
0x196: {  	[sflag:s26] =	ssyncset.done $0x0  }
.Ltmp6:
0x197: {  	[sflag:s26] =	ssyncadd.s32 $0xFFFFC000;
	(pc) =	sbr.rel .LBB2_12-.Ltmp6, $4  }
0x198: {  	[spmem:s3] =	stream.indirect.scatter.add.f32 [tilespmem:s1], [sflag:$0x3], $0x1, s24, s29, $0xb8;
	[tilespmem:$0x1E700] =	vst v63  }
0x199: {  	_ =	swait.ge [sflag:s26], $0x80  }
0x19a: {  	[sflag:s26] =	ssyncset.done $0x0  }
0x19b: {  	s6 =	smov.u32 s16;
	s15 =	rddreg [dreg:$0xd];
	[sflag:s26] =	ssyncadd.s32 $0xFFFFFF80  }
.LBB2_9:
0x19c: {  	s15 =	rddreg [dreg:$0x5]  }
0x19d: {  	[tilespmem:s6], [sflag:$0x3] =	stream.linear.gather [hbm4b:s15+s6], $0x1400, $0x38;
	[tilespmem:$0x1E700] =	vst v63  }
0x19e: {  	_ =	swait.ge [sflag:s26], $0x1400  }
0x19f: {  	[sflag:s26] =	ssyncset.done $0x0  }
0x1a0: {  	s24 =	rddreg [dreg:$0x6];
	[sflag:s26] =	ssyncadd.s32 $0xFFFFEC00  }
0x1a1: {  	[tilespmem:s28], [sflag:$0x3] =	stream.linear.gather [hbm4b:s24+s6], $0x1400, $0x38;
	[tilespmem:$0x1E700] =	vst v63  }
0x1a2: {  	_ =	swait.ge [sflag:s26], $0x1400  }
0x1a3: {  	[sflag:s26] =	ssyncset.done $0x0  }
0x1a4: {  	[sflag:s26] =	ssyncadd.s32 $0xFFFFEC00  }
0x1a5: {  	[tilespmem:s30], [sflag:$0x1] =	stream.indirect.gather [hbm4b:s5+s29], $0x80, s6, s29, $0xb8;
	[tilespmem:$0x1E700] =	vst v63  }
0x1a6: {  	s15 =	simm.s32 $0x80  }
0x1a7: {  	[tilespmem:s31], [sflag:$0x2] =	stream.indirect.gather [hbm4b:s5+s29], $0x80, s15, s29, $0xb8;
	[tilespmem:$0x1E700] =	vst v63  }
0x1a8: {  	_ =	swait.ge [sflag:s0], $0x4000  }
0x1a9: {  	[sflag:s0] =	ssyncset.done $0x0  }
0x1aa: {  	s17 =	simm.s32 $0x1400;
	[sflag:s0] =	ssyncadd.s32 $0xFFFFC000  }
0x1ab: {  	[spmem:s2] =	stream.indirect.scatter.add.f32 [tilespmem:s30], [sflag:$0x3], $0x80, s17, s29, $0xb8;
	[tilespmem:$0x1E700] =	vst v63  }
0x1ac: {  	_ =	swait.ge [sflag:s26], $0x4000  }
0x1ad: {  	[sflag:s26] =	ssyncset.done $0x0  }
0x1ae: {  	[sflag:s26] =	ssyncadd.s32 $0xFFFFC000  }
0x1af: {  	[spmem:s3] =	stream.indirect.scatter.add.f32 [tilespmem:s1], [sflag:$0x3], $0x1, s17, s29, $0xb8;
	[tilespmem:$0x1E700] =	vst v63  }
0x1b0: {  	_ =	swait.ge [sflag:s26], $0x80  }
0x1b1: {  	[sflag:s26] =	ssyncset.done $0x0  }
0x1b2: {  	s18 =	simm.s32 $0x100;
	[sflag:s26] =	ssyncadd.s32 $0xFFFFFF80  }
0x1b3: {  	[tilespmem:s30], [sflag:$0x1] =	stream.indirect.gather [hbm4b:s5+s29], $0x80, s18, s29, $0xb8;
	[tilespmem:$0x1E700] =	vst v63  }
0x1b4: {  	_ =	swait.ge [sflag:s9], $0x4000  }
0x1b5: {  	[sflag:s9] =	ssyncset.done $0x0  }
0x1b6: {  	s24 =	simm.s32 $0x1480;
	[sflag:s9] =	ssyncadd.s32 $0xFFFFC000  }
0x1b7: {  	[spmem:s2] =	stream.indirect.scatter.add.f32 [tilespmem:s31], [sflag:$0x3], $0x80, s24, s29, $0xb8;
	[tilespmem:$0x1E700] =	vst v63  }
0x1b8: {  	_ =	swait.ge [sflag:s26], $0x4000  }
0x1b9: {  	[sflag:s26] =	ssyncset.done $0x0  }
0x1ba: {  	[sflag:s26] =	ssyncadd.s32 $0xFFFFC000  }
0x1bb: {  	[spmem:s3] =	stream.indirect.scatter.add.f32 [tilespmem:s1], [sflag:$0x3], $0x1, s24, s29, $0xb8;
	[tilespmem:$0x1E700] =	vst v63  }
0x1bc: {  	_ =	swait.ge [sflag:s26], $0x80  }
0x1bd: {  	s6 =	simm.s32 $0x800;
	s15 =	simm.s32 $0x100;
	[sflag:s26] =	ssyncset.done $0x0  }
.LBB2_10:
0x1be: {  	s17 =	sadd.s32 $0x80, s15  }
0x1bf: {  	[sflag:s26] =	ssyncadd.s32 $0xFFFFFF80;
	s18 =	smov.u32 s6;
	s24 =	sadd.s32 $0x400, s6  }
0x1c0: {  	[tilespmem:s31], [sflag:$0x2] =	stream.indirect.gather [hbm4b:s5+s29], $0x80, s17, s29, $0xb8;
	[tilespmem:$0x1E700] =	vst v63  }
0x1c1: {  	p1 =	sne.s32 s6, $0x4800;
	_ =	swait.ge [sflag:s0], $0x4000  }
0x1c2: {  	[sflag:s0] =	ssyncset.done $0x0  }
0x1c3: {  	s6 =	sadd.s32 $0x1400, s15;
	[sflag:s0] =	ssyncadd.s32 $0xFFFFC000  }
0x1c4: {  	[spmem:s2] =	stream.indirect.scatter.add.f32 [tilespmem:s30], [sflag:$0x3], $0x80, s6, s29, $0xb8;
	[tilespmem:$0x1E700] =	vst v63  }
0x1c5: {  	_ =	swait.ge [sflag:s26], $0x4000  }
0x1c6: {  	[sflag:s26] =	ssyncset.done $0x0  }
0x1c7: {  	[sflag:s26] =	ssyncadd.s32 $0xFFFFC000  }
0x1c8: {  	[spmem:s3] =	stream.indirect.scatter.add.f32 [tilespmem:s1], [sflag:$0x3], $0x1, s6, s29, $0xb8;
	[tilespmem:$0x1E700] =	vst v63  }
0x1c9: {  	_ =	swait.ge [sflag:s26], $0x80  }
0x1ca: {  	[sflag:s26] =	ssyncset.done $0x0  }
0x1cb: {  	s6 =	sadd.s32 $0x100, s15;
	[sflag:s26] =	ssyncadd.s32 $0xFFFFFF80  }
0x1cc: {  	[tilespmem:s30], [sflag:$0x1] =	stream.indirect.gather [hbm4b:s5+s29], $0x80, s6, s29, $0xb8;
	[tilespmem:$0x1E700] =	vst v63  }
0x1cd: {  	_ =	swait.ge [sflag:s9], $0x4000  }
0x1ce: {  	[sflag:s9] =	ssyncset.done $0x0  }
0x1cf: {  	s6 =	sadd.s32 $0x1480, s15;
	[sflag:s9] =	ssyncadd.s32 $0xFFFFC000  }
0x1d0: {  	[spmem:s2] =	stream.indirect.scatter.add.f32 [tilespmem:s31], [sflag:$0x3], $0x80, s6, s29, $0xb8;
	[tilespmem:$0x1E700] =	vst v63  }
0x1d1: {  	_ =	swait.ge [sflag:s26], $0x4000  }
.Ltmp7:
0x1d2: {  	[sflag:s26] =	ssyncset.done $0x0;
	(pc) =	sbr.rel @p1 .LBB2_10-.Ltmp7, $4  }
0x1d3: {  	[sflag:s26] =	ssyncadd.s32 $0xFFFFC000  }
0x1d4: {  	[spmem:s3] =	stream.indirect.scatter.add.f32 [tilespmem:s1], [sflag:$0x3], $0x1, s6, s29, $0xb8;
	[tilespmem:$0x1E700] =	vst v63  }
0x1d5: {  	_ =	swait.ge [sflag:s26], $0x80  }
0x1d6: {  	s15 =	sshra.s32 s18, $0x2;
	s6 =	smov.u32 s24;
	[sflag:s26] =	ssyncset.done $0x0  }
.Ltmp8:
0x1d7: {  	_ = 	snop;
	(pc) =	sbr.rel .LBB2_11-.Ltmp8, $1  }
0x1d8: {  	_ =	sdelay $0x3  }
.LBB2_13:
0x1d9: {  	_ =	sfence.sel $0x180000  }
0x1da: {  	[bflag:$0x0] =	sbarrier.arrive $0xFFFF  }
0x1db: {  	_ =	strace $0x90000047  }
0x1dc: {  	s0 =	stileid.u32;
	[bflag:$0x2] =	sbarrier.arrive $0xFFFF  }
0x1dd: {  	p0 =	sne.s32 s0, $0x0;
	s0 =	rddreg [dreg:$0x4]  }
0x1de: {  	s0 =	sadd.s32 @!p0 $0x100000, s0  }
0x1df: {  	[sflag:s0] =	ssyncadd.tile.s32 @!p0 $0x1;
	_ =	shalt  }
.Lfunc_end2:
_tile_overlayer_lowered:
.L_overlay_start_2:
0x1e0: {  	(tag) =	ssettag $0x2  }
0x1e1: {  	s0 =	rddreg [dreg:$0x0];
	s2 =	stileid.u32  }
0x1e2: {  	s1 =	rddreg [dreg:$0x1];
	p0 =	sne.s32 s2, $0x0  }
0x1e3: {  	s3 =	rddreg [dreg:$0x2];
	[bflag:$0x3] =	sbarrier.arrive $0xFFFF;
	s2 =	simm.s32 @!p0 $0x1C03  }
0x1e4: {  	[timem:s3], [sflag:s2] =	dma.local @!p0 [hbm:s0], s1  }
0x1e5: {  	s0 =	simm.s32 @!p0 $0x3  }
0x1e6: {  	_ =	swait.ge @!p0 [sflag:s0], s1  }
0x1e7: {  	s1 =	ssub.s32 @!p0 $0x0, s1;
	[sflag:s0] =	ssyncset.done @!p0 $0x0  }
0x1e8: {  	[sflag:s0] =	ssyncadd.s32 @!p0 s1  }
0x1e9: {  	[bflag:$0x3] =	sbarrier.arrive $0xFFFF  }
0x1ea: {  	_ =	shalt  }

</sc_bundles>
